<compile_context>
chip_gen: v7x
topology: tpu7x:2x2x1
jax: 0.10.2.dev20260603
libtpu: 0.0.44.dev20260713+nightly
codegen_flags: <defaults>
</compile_context>

<pallas_src>
import jax
import jax.numpy as jnp
from jax import lax
from jax.experimental import pallas as pl
from jax.experimental.pallas import tpu as pltpu
from jax.experimental.pallas import tpu_sc as plsc

NUM_EXPERTS = 8
TOP_K = 2
DIM = 768
HIDDEN = 3072
TOKENS = 2048
PAIRS = TOKENS * TOP_K
TILE = 256
TILES = PAIRS // TILE + NUM_EXPERTS
SLOTS = TILES * TILE

NW = 32
TOK_PW = TOKENS // NW
LANES = 16


def _gate_body(x_ref, gw_ref, s0_ref, s1_ref, w0_ref, w1_ref, emap_ref):
    x = x_ref[...]
    gw = gw_ref[...]
    scores = lax.dot_general(x, gw, (((1,), (1,)), ((), ())),
                             preferred_element_type=jnp.float32)
    e_iota = lax.broadcasted_iota(jnp.int32, scores.shape, 1)
    m1 = jnp.max(scores, axis=1, keepdims=True)
    i1 = jnp.min(jnp.where(scores == m1, e_iota, NUM_EXPERTS), axis=1,
                 keepdims=True)
    masked = jnp.where(e_iota == i1, -jnp.inf, scores)
    m2 = jnp.max(masked, axis=1, keepdims=True)
    i2 = jnp.min(jnp.where(masked == m2, e_iota, NUM_EXPERTS), axis=1,
                 keepdims=True)
    w0 = 1.0 / (1.0 + jnp.exp(m2 - m1))
    w0_ref[...] = jnp.broadcast_to(w0, (TOKENS, LANES))
    w1_ref[...] = jnp.broadcast_to(1.0 - w0, (TOKENS, LANES))

    oh1 = (e_iota == i1).astype(jnp.float32)
    oh2 = (e_iota == i2).astype(jnp.float32)
    oh12 = jnp.concatenate([oh1, oh2], axis=1)

    r_t = lax.broadcasted_iota(jnp.int32, (TOKENS, TOKENS), 0)
    c_t = lax.broadcasted_iota(jnp.int32, (TOKENS, TOKENS), 1)
    ltri = (r_t >= c_t).astype(jnp.float32)
    c12 = jnp.dot(ltri, oh12, preferred_element_type=jnp.float32)
    c1 = c12[:, :NUM_EXPERTS]
    c2 = c12[:, NUM_EXPERTS:]
    tot1 = c1[TOKENS - 1:TOKENS, :]
    tot2 = c2[TOKENS - 1:TOKENS, :]
    counts = tot1 + tot2

    tilecnt = jnp.floor((counts + (TILE - 1)) * (1.0 / TILE))
    r8 = lax.broadcasted_iota(jnp.int32, (NUM_EXPERTS, NUM_EXPERTS), 0)
    c8 = lax.broadcasted_iota(jnp.int32, (NUM_EXPERTS, NUM_EXPERTS), 1)
    utri8 = (r8 <= c8).astype(jnp.float32)
    ends_t = jnp.dot(tilecnt, utri8, preferred_element_type=jnp.float32)
    astart = (ends_t - tilecnt) * float(TILE)

    slot1 = jnp.sum(oh1 * (astart + c1 - oh1), axis=1, keepdims=True)
    slot2 = jnp.sum(oh2 * (astart + tot1 + c2 - oh2), axis=1, keepdims=True)
    s0_ref[...] = slot1.astype(jnp.int32)
    s1_ref[...] = slot2.astype(jnp.int32)

    t_col = lax.broadcasted_iota(jnp.int32, (TILES, NUM_EXPERTS),
                                 0).astype(jnp.float32)
    emap_raw = jnp.sum((ends_t <= t_col).astype(jnp.float32), axis=1,
                       keepdims=True)
    e8 = lax.broadcasted_iota(jnp.int32, (1, NUM_EXPERTS),
                              1).astype(jnp.float32)
    emax = jnp.max(jnp.where(counts > 0, e8, 0.0), axis=1, keepdims=True)
    emap_f = jnp.minimum(emap_raw, emax)

    oh_t = (emap_f == e8).astype(jnp.float32)
    nstart = jnp.sum(oh_t * ends_t, axis=1, keepdims=True)
    nstart = jnp.minimum(nstart, float(TILES - 1))
    t40 = lax.broadcasted_iota(jnp.int32, (TILES, TILES), 1).astype(jnp.float32)
    sel40 = (t40 == nstart).astype(jnp.float32)
    nexte = jnp.dot(sel40, emap_f, preferred_element_type=jnp.float32)
    ntile = jnp.broadcast_to(ends_t[:, NUM_EXPERTS - 1:NUM_EXPERTS],
                             (TILES, 1))
    emap_ref[...] = jnp.concatenate([emap_f, nexte, ntile],
                                    axis=1).astype(jnp.int32)


def _gate(xf, gate_w):
    return pl.pallas_call(
        _gate_body,
        out_shape=[
            jax.ShapeDtypeStruct((TOKENS, 1), jnp.int32),
            jax.ShapeDtypeStruct((TOKENS, 1), jnp.int32),
            jax.ShapeDtypeStruct((TOKENS, LANES), jnp.float32),
            jax.ShapeDtypeStruct((TOKENS, LANES), jnp.float32),
            jax.ShapeDtypeStruct((TILES, 3), jnp.int32),
        ],
    )(xf, gate_w)


def _sc_mesh():
    return plsc.VectorSubcoreMesh(core_axis_name="c", subcore_axis_name="s")


def _dispatch_body(x_hbm, s0_hbm, s1_hbm, xs_hbm, i0_v, i1_v, buf_v, sem):
    wid = lax.axis_index("s") * 2 + lax.axis_index("c")
    base = wid * TOK_PW
    pltpu.sync_copy(s0_hbm.at[pl.ds(base, TOK_PW)], i0_v)
    pltpu.sync_copy(s1_hbm.at[pl.ds(base, TOK_PW)], i1_v)
    pltpu.sync_copy(x_hbm.at[pl.ds(base, TOK_PW)], buf_v)
    c0 = pltpu.async_copy(buf_v, xs_hbm.at[i0_v], sem)
    c1 = pltpu.async_copy(buf_v, xs_hbm.at[i1_v], sem)
    c0.wait()
    c1.wait()


def _dispatch(xf, s0, s1):
    kern = pl.kernel(
        _dispatch_body,
        out_type=jax.ShapeDtypeStruct((SLOTS, DIM), jnp.float32),
        mesh=_sc_mesh(),
        scratch_types=[
            pltpu.VMEM((TOK_PW,), jnp.int32),
            pltpu.VMEM((TOK_PW,), jnp.int32),
            pltpu.VMEM((TOK_PW, DIM), jnp.float32),
            pltpu.SemaphoreType.DMA,
        ],
    )
    return kern(xf, s0, s1)


def _combine_body(ys_hbm, s0_hbm, s1_hbm, w0_hbm, w1_hbm, y_hbm,
                  i0_v, i1_v, w0_v, w1_v, g0_v, g1_v, sem):
    wid = lax.axis_index("s") * 2 + lax.axis_index("c")
    base = wid * TOK_PW
    pltpu.sync_copy(s0_hbm.at[pl.ds(base, TOK_PW)], i0_v)
    pltpu.sync_copy(s1_hbm.at[pl.ds(base, TOK_PW)], i1_v)
    pltpu.sync_copy(w0_hbm.at[pl.ds(base, TOK_PW)], w0_v)
    pltpu.sync_copy(w1_hbm.at[pl.ds(base, TOK_PW)], w1_v)
    c0 = pltpu.async_copy(ys_hbm.at[i0_v], g0_v, sem)
    c1 = pltpu.async_copy(ys_hbm.at[i1_v], g1_v, sem)
    c0.wait()
    c1.wait()

    def row(i, _):
        w0 = w0_v[i, :]
        w1 = w1_v[i, :]
        for c in range(DIM // LANES):
            sl = pl.ds(c * LANES, LANES)
            g0_v[i, sl] = g0_v[i, sl] * w0 + g1_v[i, sl] * w1
        return 0

    lax.fori_loop(0, TOK_PW, row, 0)
    pltpu.sync_copy(g0_v, y_hbm.at[pl.ds(base, TOK_PW)])


def _combine(ysw, s0, s1, w0b, w1b):
    kern = pl.kernel(
        _combine_body,
        out_type=jax.ShapeDtypeStruct((TOKENS, DIM), jnp.float32),
        mesh=_sc_mesh(),
        scratch_types=[
            pltpu.VMEM((TOK_PW,), jnp.int32),
            pltpu.VMEM((TOK_PW,), jnp.int32),
            pltpu.VMEM((TOK_PW, LANES), jnp.float32),
            pltpu.VMEM((TOK_PW, LANES), jnp.float32),
            pltpu.VMEM((TOK_PW, DIM), jnp.float32),
            pltpu.VMEM((TOK_PW, DIM), jnp.float32),
            pltpu.SemaphoreType.DMA,
        ],
    )
    return kern(ysw, s0, s1, w0b, w1b)


def _issue_w_dmas(e, w1_ref, w3_ref, w2_ref, stg1, stg3, stg2, s1m, s3m, s2m):
    pltpu.make_async_copy(w1_ref.at[e], stg1, s1m).start()
    pltpu.make_async_copy(w3_ref.at[e], stg3, s3m).start()
    pltpu.make_async_copy(w2_ref.at[e], stg2, s2m).start()


def _wait_w_dmas(w1_ref, w3_ref, w2_ref, stg1, stg3, stg2, s1m, s3m, s2m):
    pltpu.make_async_copy(w1_ref.at[0], stg1, s1m).wait()
    pltpu.make_async_copy(w3_ref.at[0], stg3, s3m).wait()
    pltpu.make_async_copy(w2_ref.at[0], stg2, s2m).wait()


def _ffn_body(emap_ref, xs_ref, w1_ref, w3_ref, w2_ref, out_ref,
              stg1, stg3, stg2, w1c, w3c, w2c, s1m, s3m, s2m):
    t = pl.program_id(0)
    e = emap_ref[t, 0]
    e_prev = emap_ref[jnp.maximum(t - 1, 0), 0]
    e_next = emap_ref[t, 1]
    switch = (t == 0) | (e != e_prev)

    @pl.when(t == 0)
    def _():
        _issue_w_dmas(e, w1_ref, w3_ref, w2_ref, stg1, stg3, stg2,
                      s1m, s3m, s2m)

    @pl.when(switch)
    def _():
        _wait_w_dmas(w1_ref, w3_ref, w2_ref, stg1, stg3, stg2, s1m, s3m, s2m)
        w1c[...] = stg1[...].astype(jnp.bfloat16)
        w3c[...] = stg3[...].astype(jnp.bfloat16)
        w2c[...] = stg2[...].astype(jnp.bfloat16)

        @pl.when(e_next != e)
        def _():
            _issue_w_dmas(e_next, w1_ref, w3_ref, w2_ref, stg1, stg3, stg2,
                          s1m, s3m, s2m)

    @pl.when(t < emap_ref[t, 2])
    def _():
        x = xs_ref[...].astype(jnp.bfloat16)
        h1 = lax.dot_general(x, w1c[...], (((1,), (1,)), ((), ())),
                             preferred_element_type=jnp.float32)
        h3 = lax.dot_general(x, w3c[...], (((1,), (1,)), ((), ())),
                             preferred_element_type=jnp.float32)
        h = (h1 / (1.0 + jnp.exp(-h1))) * h3
        hb = h.astype(jnp.bfloat16)
        out_ref[...] = lax.dot_general(hb, w2c[...], (((1,), (1,)), ((), ())),
                                       preferred_element_type=jnp.float32)


def _ffn(xs, emap, w1, w3, w2):
    grid_spec = pltpu.PrefetchScalarGridSpec(
        num_scalar_prefetch=1,
        grid=(TILES,),
        in_specs=[
            pl.BlockSpec((TILE, DIM), lambda t, em: (t, 0)),
            pl.BlockSpec(memory_space=pl.ANY),
            pl.BlockSpec(memory_space=pl.ANY),
            pl.BlockSpec(memory_space=pl.ANY),
        ],
        out_specs=pl.BlockSpec((TILE, DIM), lambda t, em: (t, 0)),
        scratch_shapes=[
            pltpu.VMEM((HIDDEN, DIM), jnp.float32),
            pltpu.VMEM((HIDDEN, DIM), jnp.float32),
            pltpu.VMEM((DIM, HIDDEN), jnp.float32),
            pltpu.VMEM((HIDDEN, DIM), jnp.bfloat16),
            pltpu.VMEM((HIDDEN, DIM), jnp.bfloat16),
            pltpu.VMEM((DIM, HIDDEN), jnp.bfloat16),
            pltpu.SemaphoreType.DMA,
            pltpu.SemaphoreType.DMA,
            pltpu.SemaphoreType.DMA,
        ],
    )
    return pl.pallas_call(
        _ffn_body,
        grid_spec=grid_spec,
        out_shape=jax.ShapeDtypeStruct((SLOTS, DIM), jnp.float32),
        compiler_params=pltpu.CompilerParams(
            dimension_semantics=("arbitrary",),
            vmem_limit_bytes=60 * 1024 * 1024,
        ),
    )(emap, xs, w1, w3, w2)


def kernel(x, gate_w, w1, w2, w3):
    orig_shape = x.shape
    xf = x.reshape(TOKENS, DIM)
    s0, s1, w0b, w1b, emap = _gate(xf, gate_w)
    s0 = s0.reshape(TOKENS)
    s1 = s1.reshape(TOKENS)
    xs = _dispatch(xf, s0, s1)
    ysw = _ffn(xs, emap, w1, w3, w2)
    y = _combine(ysw, s0, s1, w0b, w1b)
    return y.reshape(orig_shape)

# --- scband reference (transcript-rebuilt; emitter-appended) ---
"""Pipeline reference for scband-single-gpumo-etorch-ffn-2774548873701 (READ-ONLY COPY).

The authoritative reference and input builder live on the scoring server;
editing this copy changes nothing except your own understanding.
"""

import jax, jax.numpy as jnp
import numpy as np

NUM_EXPERTS = 8
TOP_K = 2
DIM = 768
HIDDEN = 3072
BATCH = 1
SEQ = 2048


def setup_inputs(seed: int = 0) -> dict:
    key = jax.random.key(seed)
    ks = jax.random.split(key, 5)
    x = jax.random.normal(ks[0], (BATCH, SEQ, DIM), dtype=jnp.float32)
    gate_w = jax.random.normal(ks[1], (NUM_EXPERTS, DIM), dtype=jnp.float32) * 0.02
    w1 = jax.random.normal(ks[2], (NUM_EXPERTS, HIDDEN, DIM), dtype=jnp.float32) * 0.02
    w2 = jax.random.normal(ks[3], (NUM_EXPERTS, DIM, HIDDEN), dtype=jnp.float32) * 0.02
    w3 = jax.random.normal(ks[4], (NUM_EXPERTS, HIDDEN, DIM), dtype=jnp.float32) * 0.02
    return {"x": x, "gate_w": gate_w, "w1": w1, "w2": w2, "w3": w3}


def reference(x, gate_w, w1, w2, w3):
    orig_shape = x.shape
    xf = x.reshape(-1, orig_shape[-1])
    # gate_softmax=False: raw gate logits go into top-k
    scores = xf @ gate_w.T
    expert_weights, expert_indices = jax.lax.top_k(scores, TOP_K)
    expert_weights = jax.nn.softmax(expert_weights, axis=-1)
    flat_idx = expert_indices.reshape(-1)
    x_rep = jnp.repeat(xf, TOP_K, axis=0)
    y = jnp.zeros_like(x_rep)
    for i in range(NUM_EXPERTS):
        mask = (flat_idx == i)[:, None]
        h = jax.nn.silu(x_rep @ w1[i].T) * (x_rep @ w3[i].T)
        y = jnp.where(mask, h @ w2[i].T, y)
    y = (y.reshape(expert_weights.shape[0], TOP_K, -1) * expert_weights[:, :, None]).sum(axis=1)
    return y.reshape(orig_shape)

if __name__ == "__main__":
    import jax
    _d = setup_inputs()
    print(jax.jit(kernel)(*tuple(_d.values())))

</pallas_src>

<mosaic_0001>
#map = affine_map<(d0, d1) -> (0, 0)>
#map1 = affine_map<(d0, d1) -> (0)>
module attributes {stable_mosaic.version = 14 : i64} {
  func.func @_combine_body(%arg0: i32, %arg1: i32, %arg2: memref<6144x768xf32, #tpu.memory_space<hbm>>, %arg3: memref<2048xi32, #tpu.memory_space<hbm>>, %arg4: memref<2048xi32, #tpu.memory_space<hbm>>, %arg5: memref<2048x16xf32, #tpu.memory_space<hbm>>, %arg6: memref<2048x16xf32, #tpu.memory_space<hbm>>, %arg7: memref<2048x768xf32, #tpu.memory_space<hbm>>, %arg8: memref<64xi32, #tpu.memory_space<vmem>>, %arg9: memref<64xi32, #tpu.memory_space<vmem>>, %arg10: memref<64x16xf32, #tpu.memory_space<vmem>>, %arg11: memref<64x16xf32, #tpu.memory_space<vmem>>, %arg12: memref<64x768xf32, #tpu.memory_space<vmem>>, %arg13: memref<64x768xf32, #tpu.memory_space<vmem>>, %arg14: memref<!tpu.dma_semaphore, #tpu.memory_space<semaphore_mem>>) attributes {dimension_semantics = [#tpu.dimension_semantics<core_parallel>, #tpu.dimension_semantics<subcore_parallel>], iteration_bounds = array<i64: 2, 16>, scalar_prefetch = 0 : i64, scratch_operands = 7 : i64, tpu.core_type = #tpu.core_type<sc_vector_subcore>, window_params = [{transform_indices = #map}, {transform_indices = #map1}, {transform_indices = #map1}, {transform_indices = #map}, {transform_indices = #map}, {transform_indices = #map}]} {
    %mul3A = arith.constant 2 : i32
    %mul3A_0 = arith.muli %arg1, %mul3A : i32
    %add3A = arith.addi %mul3A_0, %arg0 : i32
    %mul3A_1 = arith.constant 64 : i32
    %mul3A_2 = arith.muli %add3A, %mul3A_1 : i32
    "tpu.region"() ({
      %run_scoped3A = tpu.sem_alloc : memref<!tpu.dma_semaphore, #tpu.memory_space<semaphore_mem>>
      %dma_start3A_19 = tpu.memref_slice %arg3[%mul3A_2] : memref<2048xi32, #tpu.memory_space<hbm>> -> memref<64xi32, #tpu.memory_space<hbm>>
      %dma_start3A_20 = tpu.memref_slice %arg3[%mul3A_2] : memref<2048xi32, #tpu.memory_space<hbm>> -> memref<64xi32, #tpu.memory_space<hbm>>
      tpu.enqueue_dma source(%dma_start3A_20 : memref<64xi32, #tpu.memory_space<hbm>>) target(%arg8 : memref<64xi32, #tpu.memory_space<vmem>>) target_semaphore(%run_scoped3A : memref<!tpu.dma_semaphore, #tpu.memory_space<semaphore_mem>>)
      %dma_wait3A_21 = tpu.memref_slice %arg3[%mul3A_2] : memref<2048xi32, #tpu.memory_space<hbm>> -> memref<64xi32, #tpu.memory_space<hbm>>
      %dma_wait3A_22 = tpu.memref_slice %arg3[%mul3A_2] : memref<2048xi32, #tpu.memory_space<hbm>> -> memref<64xi32, #tpu.memory_space<hbm>>
      tpu.wait_dma2 semaphore(%run_scoped3A : memref<!tpu.dma_semaphore, #tpu.memory_space<semaphore_mem>>) src(%dma_wait3A_22 : memref<64xi32, #tpu.memory_space<hbm>>) dst(%arg8 : memref<64xi32, #tpu.memory_space<vmem>>)
      tpu.yield
    }) : () -> ()
    "tpu.region"() ({
      %run_scoped3A = tpu.sem_alloc : memref<!tpu.dma_semaphore, #tpu.memory_space<semaphore_mem>>
      %dma_start3A_19 = tpu.memref_slice %arg4[%mul3A_2] : memref<2048xi32, #tpu.memory_space<hbm>> -> memref<64xi32, #tpu.memory_space<hbm>>
      %dma_start3A_20 = tpu.memref_slice %arg4[%mul3A_2] : memref<2048xi32, #tpu.memory_space<hbm>> -> memref<64xi32, #tpu.memory_space<hbm>>
      tpu.enqueue_dma source(%dma_start3A_20 : memref<64xi32, #tpu.memory_space<hbm>>) target(%arg9 : memref<64xi32, #tpu.memory_space<vmem>>) target_semaphore(%run_scoped3A : memref<!tpu.dma_semaphore, #tpu.memory_space<semaphore_mem>>)
      %dma_wait3A_21 = tpu.memref_slice %arg4[%mul3A_2] : memref<2048xi32, #tpu.memory_space<hbm>> -> memref<64xi32, #tpu.memory_space<hbm>>
      %dma_wait3A_22 = tpu.memref_slice %arg4[%mul3A_2] : memref<2048xi32, #tpu.memory_space<hbm>> -> memref<64xi32, #tpu.memory_space<hbm>>
      tpu.wait_dma2 semaphore(%run_scoped3A : memref<!tpu.dma_semaphore, #tpu.memory_space<semaphore_mem>>) src(%dma_wait3A_22 : memref<64xi32, #tpu.memory_space<hbm>>) dst(%arg9 : memref<64xi32, #tpu.memory_space<vmem>>)
      tpu.yield
    }) : () -> ()
    "tpu.region"() ({
      %run_scoped3A = tpu.sem_alloc : memref<!tpu.dma_semaphore, #tpu.memory_space<semaphore_mem>>
      %dma_start3A_19 = arith.constant 0 : i32
      %dma_start3A_20 = tpu.memref_slice %arg5[%mul3A_2, %dma_start3A_19] : memref<2048x16xf32, #tpu.memory_space<hbm>> -> memref<64x16xf32, #tpu.memory_space<hbm>>
      %dma_start3A_21 = arith.constant 0 : i32
      %dma_start3A_22 = tpu.memref_slice %arg5[%mul3A_2, %dma_start3A_21] : memref<2048x16xf32, #tpu.memory_space<hbm>> -> memref<64x16xf32, #tpu.memory_space<hbm>>
      tpu.enqueue_dma source(%dma_start3A_22 : memref<64x16xf32, #tpu.memory_space<hbm>>) target(%arg10 : memref<64x16xf32, #tpu.memory_space<vmem>>) target_semaphore(%run_scoped3A : memref<!tpu.dma_semaphore, #tpu.memory_space<semaphore_mem>>)
      %dma_wait3A_23 = arith.constant 0 : i32
      %dma_wait3A_24 = tpu.memref_slice %arg5[%mul3A_2, %dma_wait3A_23] : memref<2048x16xf32, #tpu.memory_space<hbm>> -> memref<64x16xf32, #tpu.memory_space<hbm>>
      %dma_wait3A_25 = arith.constant 0 : i32
      %dma_wait3A_26 = tpu.memref_slice %arg5[%mul3A_2, %dma_wait3A_25] : memref<2048x16xf32, #tpu.memory_space<hbm>> -> memref<64x16xf32, #tpu.memory_space<hbm>>
      tpu.wait_dma2 semaphore(%run_scoped3A : memref<!tpu.dma_semaphore, #tpu.memory_space<semaphore_mem>>) src(%dma_wait3A_26 : memref<64x16xf32, #tpu.memory_space<hbm>>) dst(%arg10 : memref<64x16xf32, #tpu.memory_space<vmem>>)
      tpu.yield
    }) : () -> ()
    "tpu.region"() ({
      %run_scoped3A = tpu.sem_alloc : memref<!tpu.dma_semaphore, #tpu.memory_space<semaphore_mem>>
      %dma_start3A_19 = arith.constant 0 : i32
      %dma_start3A_20 = tpu.memref_slice %arg6[%mul3A_2, %dma_start3A_19] : memref<2048x16xf32, #tpu.memory_space<hbm>> -> memref<64x16xf32, #tpu.memory_space<hbm>>
      %dma_start3A_21 = arith.constant 0 : i32
      %dma_start3A_22 = tpu.memref_slice %arg6[%mul3A_2, %dma_start3A_21] : memref<2048x16xf32, #tpu.memory_space<hbm>> -> memref<64x16xf32, #tpu.memory_space<hbm>>
      tpu.enqueue_dma source(%dma_start3A_22 : memref<64x16xf32, #tpu.memory_space<hbm>>) target(%arg11 : memref<64x16xf32, #tpu.memory_space<vmem>>) target_semaphore(%run_scoped3A : memref<!tpu.dma_semaphore, #tpu.memory_space<semaphore_mem>>)
      %dma_wait3A_23 = arith.constant 0 : i32
      %dma_wait3A_24 = tpu.memref_slice %arg6[%mul3A_2, %dma_wait3A_23] : memref<2048x16xf32, #tpu.memory_space<hbm>> -> memref<64x16xf32, #tpu.memory_space<hbm>>
      %dma_wait3A_25 = arith.constant 0 : i32
      %dma_wait3A_26 = tpu.memref_slice %arg6[%mul3A_2, %dma_wait3A_25] : memref<2048x16xf32, #tpu.memory_space<hbm>> -> memref<64x16xf32, #tpu.memory_space<hbm>>
      tpu.wait_dma2 semaphore(%run_scoped3A : memref<!tpu.dma_semaphore, #tpu.memory_space<semaphore_mem>>) src(%dma_wait3A_26 : memref<64x16xf32, #tpu.memory_space<hbm>>) dst(%arg11 : memref<64x16xf32, #tpu.memory_space<vmem>>)
      tpu.yield
    }) : () -> ()
    %dma_start3A = arith.constant 0 : i32
    %dma_start3A_3 = arith.constant 0 : i32
    %dma_start3A_4 = tpu.memref_slice %arg2[%dma_start3A, %dma_start3A_3] : memref<6144x768xf32, #tpu.memory_space<hbm>> -> memref<6144x768xf32, #tpu.memory_space<hbm>>
    tpu.enqueue_indirect_dma source(%dma_start3A_4 : memref<6144x768xf32, #tpu.memory_space<hbm>>) target(%arg12 : memref<64x768xf32, #tpu.memory_space<vmem>>) offsets(%arg8 : memref<64xi32, #tpu.memory_space<vmem>>) semaphore(%arg14 : memref<!tpu.dma_semaphore, #tpu.memory_space<semaphore_mem>>)
    %dma_start3A_5 = arith.constant 0 : i32
    %dma_start3A_6 = arith.constant 0 : i32
    %dma_start3A_7 = tpu.memref_slice %arg2[%dma_start3A_5, %dma_start3A_6] : memref<6144x768xf32, #tpu.memory_space<hbm>> -> memref<6144x768xf32, #tpu.memory_space<hbm>>
    tpu.enqueue_indirect_dma source(%dma_start3A_7 : memref<6144x768xf32, #tpu.memory_space<hbm>>) target(%arg13 : memref<64x768xf32, #tpu.memory_space<vmem>>) offsets(%arg9 : memref<64xi32, #tpu.memory_space<vmem>>) semaphore(%arg14 : memref<!tpu.dma_semaphore, #tpu.memory_space<semaphore_mem>>)
    %dma_wait3A = arith.constant 0 : i32
    %dma_wait3A_8 = arith.constant 0 : i32
    %dma_wait3A_9 = tpu.memref_slice %arg2[%dma_wait3A, %dma_wait3A_8] : memref<6144x768xf32, #tpu.memory_space<hbm>> -> memref<6144x768xf32, #tpu.memory_space<hbm>>
    tpu.wait_indirect_dma semaphore(%arg14 : memref<!tpu.dma_semaphore, #tpu.memory_space<semaphore_mem>>) src(%dma_wait3A_9 : memref<6144x768xf32, #tpu.memory_space<hbm>>) dst(%arg12 : memref<64x768xf32, #tpu.memory_space<vmem>>)
    %dma_wait3A_10 = arith.constant 0 : i32
    %dma_wait3A_11 = arith.constant 0 : i32
    %dma_wait3A_12 = tpu.memref_slice %arg2[%dma_wait3A_10, %dma_wait3A_11] : memref<6144x768xf32, #tpu.memory_space<hbm>> -> memref<6144x768xf32, #tpu.memory_space<hbm>>
    tpu.wait_indirect_dma semaphore(%arg14 : memref<!tpu.dma_semaphore, #tpu.memory_space<semaphore_mem>>) src(%dma_wait3A_12 : memref<6144x768xf32, #tpu.memory_space<hbm>>) dst(%arg13 : memref<64x768xf32, #tpu.memory_space<vmem>>)
    %scan3A = arith.constant 0 : i32
    %scan3A_13 = arith.constant 0 : i32
    %scan3A_14 = arith.constant 64 : i32
    %scan3A_15 = arith.addi %scan3A_13, %scan3A_14 : i32
    %scan3A_16 = arith.constant 1 : i32
    %scan3A_17 = scf.for %scan3A_19 = %scan3A_13 to %scan3A_15 step %scan3A_16 iter_args(%scan3A_20 = %scan3A) -> (i32)  : i32 {
      %get3A = arith.index_cast %scan3A_19 : i32 to index
      %get3A_21 = arith.constant 0 : index
      %get3A_22 = tpu.vector_load %arg10[%get3A, %get3A_21] {strides = array<i32>} : memref<64x16xf32, #tpu.memory_space<vmem>>, vector<1x16xf32>,
      %get3A_23 = vector.shape_cast %get3A_22 : vector<1x16xf32> to vector<16xf32>
      %get3A_24 = arith.index_cast %scan3A_19 : i32 to index
      %get3A_25 = arith.constant 0 : index
      %get3A_26 = tpu.vector_load %arg11[%get3A_24, %get3A_25] {strides = array<i32>} : memref<64x16xf32, #tpu.memory_space<vmem>>, vector<1x16xf32>,
      %get3A_27 = vector.shape_cast %get3A_26 : vector<1x16xf32> to vector<16xf32>
      %get3A_28 = arith.index_cast %scan3A_19 : i32 to index
      %get3A_29 = arith.constant 0 : index
      %get3A_30 = tpu.vector_load %arg12[%get3A_28, %get3A_29] {strides = array<i32>} : memref<64x768xf32, #tpu.memory_space<vmem>>, vector<1x16xf32>,
      %get3A_31 = vector.shape_cast %get3A_30 : vector<1x16xf32> to vector<16xf32>
      %mul3A_32 = arith.mulf %get3A_31, %get3A_23 : vector<16xf32>
      %get3A_33 = arith.index_cast %scan3A_19 : i32 to index
      %get3A_34 = arith.constant 0 : index
      %get3A_35 = tpu.vector_load %arg13[%get3A_33, %get3A_34] {strides = array<i32>} : memref<64x768xf32, #tpu.memory_space<vmem>>, vector<1x16xf32>,
      %get3A_36 = vector.shape_cast %get3A_35 : vector<1x16xf32> to vector<16xf32>
      %mul3A_37 = arith.mulf %get3A_36, %get3A_27 : vector<16xf32>
      %add3A_38 = arith.addf %mul3A_32, %mul3A_37 : vector<16xf32>
      %swap3A = arith.index_cast %scan3A_19 : i32 to index
      %swap3A_39 = arith.constant 0 : index
      %swap3A_40 = tpu.vector_load %arg12[%swap3A, %swap3A_39] {strides = array<i32>} : memref<64x768xf32, #tpu.memory_space<vmem>>, vector<1x16xf32>,
      %swap3A_41 = vector.shape_cast %swap3A_40 : vector<1x16xf32> to vector<16xf32>
      %swap3A_42 = vector.shape_cast %add3A_38 : vector<16xf32> to vector<1x16xf32>
      tpu.vector_store %arg12[%swap3A, %swap3A_39], %swap3A_42 {strides = array<i32>} : memref<64x768xf32, #tpu.memory_space<vmem>>, vector<1x16xf32>,
      %get3A_43 = arith.index_cast %scan3A_19 : i32 to index
      %get3A_44 = arith.constant 16 : index
      %get3A_45 = tpu.vector_load %arg12[%get3A_43, %get3A_44] {strides = array<i32>} : memref<64x768xf32, #tpu.memory_space<vmem>>, vector<1x16xf32>,
      %get3A_46 = vector.shape_cast %get3A_45 : vector<1x16xf32> to vector<16xf32>
      %mul3A_47 = arith.mulf %get3A_46, %get3A_23 : vector<16xf32>
      %get3A_48 = arith.index_cast %scan3A_19 : i32 to index
      %get3A_49 = arith.constant 16 : index
      %get3A_50 = tpu.vector_load %arg13[%get3A_48, %get3A_49] {strides = array<i32>} : memref<64x768xf32, #tpu.memory_space<vmem>>, vector<1x16xf32>,
      %get3A_51 = vector.shape_cast %get3A_50 : vector<1x16xf32> to vector<16xf32>
      %mul3A_52 = arith.mulf %get3A_51, %get3A_27 : vector<16xf32>
      %add3A_53 = arith.addf %mul3A_47, %mul3A_52 : vector<16xf32>
      %swap3A_54 = arith.index_cast %scan3A_19 : i32 to index
      %swap3A_55 = arith.constant 16 : index
      %swap3A_56 = tpu.vector_load %arg12[%swap3A_54, %swap3A_55] {strides = array<i32>} : memref<64x768xf32, #tpu.memory_space<vmem>>, vector<1x16xf32>,
      %swap3A_57 = vector.shape_cast %swap3A_56 : vector<1x16xf32> to vector<16xf32>
      %swap3A_58 = vector.shape_cast %add3A_53 : vector<16xf32> to vector<1x16xf32>
      tpu.vector_store %arg12[%swap3A_54, %swap3A_55], %swap3A_58 {strides = array<i32>} : memref<64x768xf32, #tpu.memory_space<vmem>>, vector<1x16xf32>,
      %get3A_59 = arith.index_cast %scan3A_19 : i32 to index
      %get3A_60 = arith.constant 32 : index
      %get3A_61 = tpu.vector_load %arg12[%get3A_59, %get3A_60] {strides = array<i32>} : memref<64x768xf32, #tpu.memory_space<vmem>>, vector<1x16xf32>,
      %get3A_62 = vector.shape_cast %get3A_61 : vector<1x16xf32> to vector<16xf32>
      %mul3A_63 = arith.mulf %get3A_62, %get3A_23 : vector<16xf32>
      %get3A_64 = arith.index_cast %scan3A_19 : i32 to index
      %get3A_65 = arith.constant 32 : index
      %get3A_66 = tpu.vector_load %arg13[%get3A_64, %get3A_65] {strides = array<i32>} : memref<64x768xf32, #tpu.memory_space<vmem>>, vector<1x16xf32>,
      %get3A_67 = vector.shape_cast %get3A_66 : vector<1x16xf32> to vector<16xf32>
      %mul3A_68 = arith.mulf %get3A_67, %get3A_27 : vector<16xf32>
      %add3A_69 = arith.addf %mul3A_63, %mul3A_68 : vector<16xf32>
      %swap3A_70 = arith.index_cast %scan3A_19 : i32 to index
      %swap3A_71 = arith.constant 32 : index
      %swap3A_72 = tpu.vector_load %arg12[%swap3A_70, %swap3A_71] {strides = array<i32>} : memref<64x768xf32, #tpu.memory_space<vmem>>, vector<1x16xf32>,
      %swap3A_73 = vector.shape_cast %swap3A_72 : vector<1x16xf32> to vector<16xf32>
      %swap3A_74 = vector.shape_cast %add3A_69 : vector<16xf32> to vector<1x16xf32>
      tpu.vector_store %arg12[%swap3A_70, %swap3A_71], %swap3A_74 {strides = array<i32>} : memref<64x768xf32, #tpu.memory_space<vmem>>, vector<1x16xf32>,
      %get3A_75 = arith.index_cast %scan3A_19 : i32 to index
      %get3A_76 = arith.constant 48 : index
      %get3A_77 = tpu.vector_load %arg12[%get3A_75, %get3A_76] {strides = array<i32>} : memref<64x768xf32, #tpu.memory_space<vmem>>, vector<1x16xf32>,
      %get3A_78 = vector.shape_cast %get3A_77 : vector<1x16xf32> to vector<16xf32>
      %mul3A_79 = arith.mulf %get3A_78, %get3A_23 : vector<16xf32>
      %get3A_80 = arith.index_cast %scan3A_19 : i32 to index
      %get3A_81 = arith.constant 48 : index
      %get3A_82 = tpu.vector_load %arg13[%get3A_80, %get3A_81] {strides = array<i32>} : memref<64x768xf32, #tpu.memory_space<vmem>>, vector<1x16xf32>,
      %get3A_83 = vector.shape_cast %get3A_82 : vector<1x16xf32> to vector<16xf32>
      %mul3A_84 = arith.mulf %get3A_83, %get3A_27 : vector<16xf32>
      %add3A_85 = arith.addf %mul3A_79, %mul3A_84 : vector<16xf32>
      %swap3A_86 = arith.index_cast %scan3A_19 : i32 to index
      %swap3A_87 = arith.constant 48 : index
      %swap3A_88 = tpu.vector_load %arg12[%swap3A_86, %swap3A_87] {strides = array<i32>} : memref<64x768xf32, #tpu.memory_space<vmem>>, vector<1x16xf32>,
      %swap3A_89 = vector.shape_cast %swap3A_88 : vector<1x16xf32> to vector<16xf32>
      %swap3A_90 = vector.shape_cast %add3A_85 : vector<16xf32> to vector<1x16xf32>
      tpu.vector_store %arg12[%swap3A_86, %swap3A_87], %swap3A_90 {strides = array<i32>} : memref<64x768xf32, #tpu.memory_space<vmem>>, vector<1x16xf32>,
      %get3A_91 = arith.index_cast %scan3A_19 : i32 to index
      %get3A_92 = arith.constant 64 : index
      %get3A_93 = tpu.vector_load %arg12[%get3A_91, %get3A_92] {strides = array<i32>} : memref<64x768xf32, #tpu.memory_space<vmem>>, vector<1x16xf32>,
      %get3A_94 = vector.shape_cast %get3A_93 : vector<1x16xf32> to vector<16xf32>
      %mul3A_95 = arith.mulf %get3A_94, %get3A_23 : vector<16xf32>
      %get3A_96 = arith.index_cast %scan3A_19 : i32 to index
      %get3A_97 = arith.constant 64 : index
      %get3A_98 = tpu.vector_load %arg13[%get3A_96, %get3A_97] {strides = array<i32>} : memref<64x768xf32, #tpu.memory_space<vmem>>, vector<1x16xf32>,
      %get3A_99 = vector.shape_cast %get3A_98 : vector<1x16xf32> to vector<16xf32>
      %mul3A_100 = arith.mulf %get3A_99, %get3A_27 : vector<16xf32>
      %add3A_101 = arith.addf %mul3A_95, %mul3A_100 : vector<16xf32>
      %swap3A_102 = arith.index_cast %scan3A_19 : i32 to index
      %swap3A_103 = arith.constant 64 : index
      %swap3A_104 = tpu.vector_load %arg12[%swap3A_102, %swap3A_103] {strides = array<i32>} : memref<64x768xf32, #tpu.memory_space<vmem>>, vector<1x16xf32>,
      %swap3A_105 = vector.shape_cast %swap3A_104 : vector<1x16xf32> to vector<16xf32>
      %swap3A_106 = vector.shape_cast %add3A_101 : vector<16xf32> to vector<1x16xf32>
      tpu.vector_store %arg12[%swap3A_102, %swap3A_103], %swap3A_106 {strides = array<i32>} : memref<64x768xf32, #tpu.memory_space<vmem>>, vector<1x16xf32>,
      %get3A_107 = arith.index_cast %scan3A_19 : i32 to index
      %get3A_108 = arith.constant 80 : index
      %get3A_109 = tpu.vector_load %arg12[%get3A_107, %get3A_108] {strides = array<i32>} : memref<64x768xf32, #tpu.memory_space<vmem>>, vector<1x16xf32>,
      %get3A_110 = vector.shape_cast %get3A_109 : vector<1x16xf32> to vector<16xf32>
      %mul3A_111 = arith.mulf %get3A_110, %get3A_23 : vector<16xf32>
      %get3A_112 = arith.index_cast %scan3A_19 : i32 to index
      %get3A_113 = arith.constant 80 : index
      %get3A_114 = tpu.vector_load %arg13[%get3A_112, %get3A_113] {strides = array<i32>} : memref<64x768xf32, #tpu.memory_space<vmem>>, vector<1x16xf32>,
      %get3A_115 = vector.shape_cast %get3A_114 : vector<1x16xf32> to vector<16xf32>
      %mul3A_116 = arith.mulf %get3A_115, %get3A_27 : vector<16xf32>
      %add3A_117 = arith.addf %mul3A_111, %mul3A_116 : vector<16xf32>
      %swap3A_118 = arith.index_cast %scan3A_19 : i32 to index
      %swap3A_119 = arith.constant 80 : index
      %swap3A_120 = tpu.vector_load %arg12[%swap3A_118, %swap3A_119] {strides = array<i32>} : memref<64x768xf32, #tpu.memory_space<vmem>>, vector<1x16xf32>,
      %swap3A_121 = vector.shape_cast %swap3A_120 : vector<1x16xf32> to vector<16xf32>
      %swap3A_122 = vector.shape_cast %add3A_117 : vector<16xf32> to vector<1x16xf32>
      tpu.vector_store %arg12[%swap3A_118, %swap3A_119], %swap3A_122 {strides = array<i32>} : memref<64x768xf32, #tpu.memory_space<vmem>>, vector<1x16xf32>,
      %get3A_123 = arith.index_cast %scan3A_19 : i32 to index
      %get3A_124 = arith.constant 96 : index
      %get3A_125 = tpu.vector_load %arg12[%get3A_123, %get3A_124] {strides = array<i32>} : memref<64x768xf32, #tpu.memory_space<vmem>>, vector<1x16xf32>,
      %get3A_126 = vector.shape_cast %get3A_125 : vector<1x16xf32> to vector<16xf32>
      %mul3A_127 = arith.mulf %get3A_126, %get3A_23 : vector<16xf32>
      %get3A_128 = arith.index_cast %scan3A_19 : i32 to index
      %get3A_129 = arith.constant 96 : index
      %get3A_130 = tpu.vector_load %arg13[%get3A_128, %get3A_129] {strides = array<i32>} : memref<64x768xf32, #tpu.memory_space<vmem>>, vector<1x16xf32>,
      %get3A_131 = vector.shape_cast %get3A_130 : vector<1x16xf32> to vector<16xf32>
      %mul3A_132 = arith.mulf %get3A_131, %get3A_27 : vector<16xf32>
      %add3A_133 = arith.addf %mul3A_127, %mul3A_132 : vector<16xf32>
      %swap3A_134 = arith.index_cast %scan3A_19 : i32 to index
      %swap3A_135 = arith.constant 96 : index
      %swap3A_136 = tpu.vector_load %arg12[%swap3A_134, %swap3A_135] {strides = array<i32>} : memref<64x768xf32, #tpu.memory_space<vmem>>, vector<1x16xf32>,
      %swap3A_137 = vector.shape_cast %swap3A_136 : vector<1x16xf32> to vector<16xf32>
      %swap3A_138 = vector.shape_cast %add3A_133 : vector<16xf32> to vector<1x16xf32>
      tpu.vector_store %arg12[%swap3A_134, %swap3A_135], %swap3A_138 {strides = array<i32>} : memref<64x768xf32, #tpu.memory_space<vmem>>, vector<1x16xf32>,
      %get3A_139 = arith.index_cast %scan3A_19 : i32 to index
      %get3A_140 = arith.constant 112 : index
      %get3A_141 = tpu.vector_load %arg12[%get3A_139, %get3A_140] {strides = array<i32>} : memref<64x768xf32, #tpu.memory_space<vmem>>, vector<1x16xf32>,
      %get3A_142 = vector.shape_cast %get3A_141 : vector<1x16xf32> to vector<16xf32>
      %mul3A_143 = arith.mulf %get3A_142, %get3A_23 : vector<16xf32>
      %get3A_144 = arith.index_cast %scan3A_19 : i32 to index
      %get3A_145 = arith.constant 112 : index
      %get3A_146 = tpu.vector_load %arg13[%get3A_144, %get3A_145] {strides = array<i32>} : memref<64x768xf32, #tpu.memory_space<vmem>>, vector<1x16xf32>,
      %get3A_147 = vector.shape_cast %get3A_146 : vector<1x16xf32> to vector<16xf32>
      %mul3A_148 = arith.mulf %get3A_147, %get3A_27 : vector<16xf32>
      %add3A_149 = arith.addf %mul3A_143, %mul3A_148 : vector<16xf32>
      %swap3A_150 = arith.index_cast %scan3A_19 : i32 to index
      %swap3A_151 = arith.constant 112 : index
      %swap3A_152 = tpu.vector_load %arg12[%swap3A_150, %swap3A_151] {strides = array<i32>} : memref<64x768xf32, #tpu.memory_space<vmem>>, vector<1x16xf32>,
      %swap3A_153 = vector.shape_cast %swap3A_152 : vector<1x16xf32> to vector<16xf32>
      %swap3A_154 = vector.shape_cast %add3A_149 : vector<16xf32> to vector<1x16xf32>
      tpu.vector_store %arg12[%swap3A_150, %swap3A_151], %swap3A_154 {strides = array<i32>} : memref<64x768xf32, #tpu.memory_space<vmem>>, vector<1x16xf32>,
      %get3A_155 = arith.index_cast %scan3A_19 : i32 to index
      %get3A_156 = arith.constant 128 : index
      %get3A_157 = tpu.vector_load %arg12[%get3A_155, %get3A_156] {strides = array<i32>} : memref<64x768xf32, #tpu.memory_space<vmem>>, vector<1x16xf32>,
      %get3A_158 = vector.shape_cast %get3A_157 : vector<1x16xf32> to vector<16xf32>
      %mul3A_159 = arith.mulf %get3A_158, %get3A_23 : vector<16xf32>
      %get3A_160 = arith.index_cast %scan3A_19 : i32 to index
      %get3A_161 = arith.constant 128 : index
      %get3A_162 = tpu.vector_load %arg13[%get3A_160, %get3A_161] {strides = array<i32>} : memref<64x768xf32, #tpu.memory_space<vmem>>, vector<1x16xf32>,
      %get3A_163 = vector.shape_cast %get3A_162 : vector<1x16xf32> to vector<16xf32>
      %mul3A_164 = arith.mulf %get3A_163, %get3A_27 : vector<16xf32>
      %add3A_165 = arith.addf %mul3A_159, %mul3A_164 : vector<16xf32>
      %swap3A_166 = arith.index_cast %scan3A_19 : i32 to index
      %swap3A_167 = arith.constant 128 : index
      %swap3A_168 = tpu.vector_load %arg12[%swap3A_166, %swap3A_167] {strides = array<i32>} : memref<64x768xf32, #tpu.memory_space<vmem>>, vector<1x16xf32>,
      %swap3A_169 = vector.shape_cast %swap3A_168 : vector<1x16xf32> to vector<16xf32>
      %swap3A_170 = vector.shape_cast %add3A_165 : vector<16xf32> to vector<1x16xf32>
      tpu.vector_store %arg12[%swap3A_166, %swap3A_167], %swap3A_170 {strides = array<i32>} : memref<64x768xf32, #tpu.memory_space<vmem>>, vector<1x16xf32>,
      %get3A_171 = arith.index_cast %scan3A_19 : i32 to index
      %get3A_172 = arith.constant 144 : index
      %get3A_173 = tpu.vector_load %arg12[%get3A_171, %get3A_172] {strides = array<i32>} : memref<64x768xf32, #tpu.memory_space<vmem>>, vector<1x16xf32>,
      %get3A_174 = vector.shape_cast %get3A_173 : vector<1x16xf32> to vector<16xf32>
      %mul3A_175 = arith.mulf %get3A_174, %get3A_23 : vector<16xf32>
      %get3A_176 = arith.index_cast %scan3A_19 : i32 to index
      %get3A_177 = arith.constant 144 : index
      %get3A_178 = tpu.vector_load %arg13[%get3A_176, %get3A_177] {strides = array<i32>} : memref<64x768xf32, #tpu.memory_space<vmem>>, vector<1x16xf32>,
      %get3A_179 = vector.shape_cast %get3A_178 : vector<1x16xf32> to vector<16xf32>
      %mul3A_180 = arith.mulf %get3A_179, %get3A_27 : vector<16xf32>
      %add3A_181 = arith.addf %mul3A_175, %mul3A_180 : vector<16xf32>
      %swap3A_182 = arith.index_cast %scan3A_19 : i32 to index
      %swap3A_183 = arith.constant 144 : index
      %swap3A_184 = tpu.vector_load %arg12[%swap3A_182, %swap3A_183] {strides = array<i32>} : memref<64x768xf32, #tpu.memory_space<vmem>>, vector<1x16xf32>,
      %swap3A_185 = vector.shape_cast %swap3A_184 : vector<1x16xf32> to vector<16xf32>
      %swap3A_186 = vector.shape_cast %add3A_181 : vector<16xf32> to vector<1x16xf32>
      tpu.vector_store %arg12[%swap3A_182, %swap3A_183], %swap3A_186 {strides = array<i32>} : memref<64x768xf32, #tpu.memory_space<vmem>>, vector<1x16xf32>,
      %get3A_187 = arith.index_cast %scan3A_19 : i32 to index
      %get3A_188 = arith.constant 160 : index
      %get3A_189 = tpu.vector_load %arg12[%get3A_187, %get3A_188] {strides = array<i32>} : memref<64x768xf32, #tpu.memory_space<vmem>>, vector<1x16xf32>,
      %get3A_190 = vector.shape_cast %get3A_189 : vector<1x16xf32> to vector<16xf32>
      %mul3A_191 = arith.mulf %get3A_190, %get3A_23 : vector<16xf32>
      %get3A_192 = arith.index_cast %scan3A_19 : i32 to index
      %get3A_193 = arith.constant 160 : index
      %get3A_194 = tpu.vector_load %arg13[%get3A_192, %get3A_193] {strides = array<i32>} : memref<64x768xf32, #tpu.memory_space<vmem>>, vector<1x16xf32>,
      %get3A_195 = vector.shape_cast %get3A_194 : vector<1x16xf32> to vector<16xf32>
      %mul3A_196 = arith.mulf %get3A_195, %get3A_27 : vector<16xf32>
      %add3A_197 = arith.addf %mul3A_191, %mul3A_196 : vector<16xf32>
      %swap3A_198 = arith.index_cast %scan3A_19 : i32 to index
      %swap3A_199 = arith.constant 160 : index
      %swap3A_200 = tpu.vector_load %arg12[%swap3A_198, %swap3A_199] {strides = array<i32>} : memref<64x768xf32, #tpu.memory_space<vmem>>, vector<1x16xf32>,
      %swap3A_201 = vector.shape_cast %swap3A_200 : vector<1x16xf32> to vector<16xf32>
      %swap3A_202 = vector.shape_cast %add3A_197 : vector<16xf32> to vector<1x16xf32>
      tpu.vector_store %arg12[%swap3A_198, %swap3A_199], %swap3A_202 {strides = array<i32>} : memref<64x768xf32, #tpu.memory_space<vmem>>, vector<1x16xf32>,
      %get3A_203 = arith.index_cast %scan3A_19 : i32 to index
      %get3A_204 = arith.constant 176 : index
      %get3A_205 = tpu.vector_load %arg12[%get3A_203, %get3A_204] {strides = array<i32>} : memref<64x768xf32, #tpu.memory_space<vmem>>, vector<1x16xf32>,
      %get3A_206 = vector.shape_cast %get3A_205 : vector<1x16xf32> to vector<16xf32>
      %mul3A_207 = arith.mulf %get3A_206, %get3A_23 : vector<16xf32>
      %get3A_208 = arith.index_cast %scan3A_19 : i32 to index
      %get3A_209 = arith.constant 176 : index
      %get3A_210 = tpu.vector_load %arg13[%get3A_208, %get3A_209] {strides = array<i32>} : memref<64x768xf32, #tpu.memory_space<vmem>>, vector<1x16xf32>,
      %get3A_211 = vector.shape_cast %get3A_210 : vector<1x16xf32> to vector<16xf32>
      %mul3A_212 = arith.mulf %get3A_211, %get3A_27 : vector<16xf32>
      %add3A_213 = arith.addf %mul3A_207, %mul3A_212 : vector<16xf32>
      %swap3A_214 = arith.index_cast %scan3A_19 : i32 to index
      %swap3A_215 = arith.constant 176 : index
      %swap3A_216 = tpu.vector_load %arg12[%swap3A_214, %swap3A_215] {strides = array<i32>} : memref<64x768xf32, #tpu.memory_space<vmem>>, vector<1x16xf32>,
      %swap3A_217 = vector.shape_cast %swap3A_216 : vector<1x16xf32> to vector<16xf32>
      %swap3A_218 = vector.shape_cast %add3A_213 : vector<16xf32> to vector<1x16xf32>
      tpu.vector_store %arg12[%swap3A_214, %swap3A_215], %swap3A_218 {strides = array<i32>} : memref<64x768xf32, #tpu.memory_space<vmem>>, vector<1x16xf32>,
      %get3A_219 = arith.index_cast %scan3A_19 : i32 to index
      %get3A_220 = arith.constant 192 : index
      %get3A_221 = tpu.vector_load %arg12[%get3A_219, %get3A_220] {strides = array<i32>} : memref<64x768xf32, #tpu.memory_space<vmem>>, vector<1x16xf32>,
      %get3A_222 = vector.shape_cast %get3A_221 : vector<1x16xf32> to vector<16xf32>
      %mul3A_223 = arith.mulf %get3A_222, %get3A_23 : vector<16xf32>
      %get3A_224 = arith.index_cast %scan3A_19 : i32 to index
      %get3A_225 = arith.constant 192 : index
      %get3A_226 = tpu.vector_load %arg13[%get3A_224, %get3A_225] {strides = array<i32>} : memref<64x768xf32, #tpu.memory_space<vmem>>, vector<1x16xf32>,
      %get3A_227 = vector.shape_cast %get3A_226 : vector<1x16xf32> to vector<16xf32>
      %mul3A_228 = arith.mulf %get3A_227, %get3A_27 : vector<16xf32>
      %add3A_229 = arith.addf %mul3A_223, %mul3A_228 : vector<16xf32>
      %swap3A_230 = arith.index_cast %scan3A_19 : i32 to index
      %swap3A_231 = arith.constant 192 : index
      %swap3A_232 = tpu.vector_load %arg12[%swap3A_230, %swap3A_231] {strides = array<i32>} : memref<64x768xf32, #tpu.memory_space<vmem>>, vector<1x16xf32>,
      %swap3A_233 = vector.shape_cast %swap3A_232 : vector<1x16xf32> to vector<16xf32>
      %swap3A_234 = vector.shape_cast %add3A_229 : vector<16xf32> to vector<1x16xf32>
      tpu.vector_store %arg12[%swap3A_230, %swap3A_231], %swap3A_234 {strides = array<i32>} : memref<64x768xf32, #tpu.memory_space<vmem>>, vector<1x16xf32>,
      %get3A_235 = arith.index_cast %scan3A_19 : i32 to index
      %get3A_236 = arith.constant 208 : index
      %get3A_237 = tpu.vector_load %arg12[%get3A_235, %get3A_236] {strides = array<i32>} : memref<64x768xf32, #tpu.memory_space<vmem>>, vector<1x16xf32>,
      %get3A_238 = vector.shape_cast %get3A_237 : vector<1x16xf32> to vector<16xf32>
      %mul3A_239 = arith.mulf %get3A_238, %get3A_23 : vector<16xf32>
      %get3A_240 = arith.index_cast %scan3A_19 : i32 to index
      %get3A_241 = arith.constant 208 : index
      %get3A_242 = tpu.vector_load %arg13[%get3A_240, %get3A_241] {strides = array<i32>} : memref<64x768xf32, #tpu.memory_space<vmem>>, vector<1x16xf32>,
      %get3A_243 = vector.shape_cast %get3A_242 : vector<1x16xf32> to vector<16xf32>
      %mul3A_244 = arith.mulf %get3A_243, %get3A_27 : vector<16xf32>
      %add3A_245 = arith.addf %mul3A_239, %mul3A_244 : vector<16xf32>
      %swap3A_246 = arith.index_cast %scan3A_19 : i32 to index
      %swap3A_247 = arith.constant 208 : index
      %swap3A_248 = tpu.vector_load %arg12[%swap3A_246, %swap3A_247] {strides = array<i32>} : memref<64x768xf32, #tpu.memory_space<vmem>>, vector<1x16xf32>,
      %swap3A_249 = vector.shape_cast %swap3A_248 : vector<1x16xf32> to vector<16xf32>
      %swap3A_250 = vector.shape_cast %add3A_245 : vector<16xf32> to vector<1x16xf32>
      tpu.vector_store %arg12[%swap3A_246, %swap3A_247], %swap3A_250 {strides = array<i32>} : memref<64x768xf32, #tpu.memory_space<vmem>>, vector<1x16xf32>,
      %get3A_251 = arith.index_cast %scan3A_19 : i32 to index
      %get3A_252 = arith.constant 224 : index
      %get3A_253 = tpu.vector_load %arg12[%get3A_251, %get3A_252] {strides = array<i32>} : memref<64x768xf32, #tpu.memory_space<vmem>>, vector<1x16xf32>,
      %get3A_254 = vector.shape_cast %get3A_253 : vector<1x16xf32> to vector<16xf32>
      %mul3A_255 = arith.mulf %get3A_254, %get3A_23 : vector<16xf32>
      %get3A_256 = arith.index_cast %scan3A_19 : i32 to index
      %get3A_257 = arith.constant 224 : index
      %get3A_258 = tpu.vector_load %arg13[%get3A_256, %get3A_257] {strides = array<i32>} : memref<64x768xf32, #tpu.memory_space<vmem>>, vector<1x16xf32>,
      %get3A_259 = vector.shape_cast %get3A_258 : vector<1x16xf32> to vector<16xf32>
      %mul3A_260 = arith.mulf %get3A_259, %get3A_27 : vector<16xf32>
      %add3A_261 = arith.addf %mul3A_255, %mul3A_260 : vector<16xf32>
      %swap3A_262 = arith.index_cast %scan3A_19 : i32 to index
      %swap3A_263 = arith.constant 224 : index
      %swap3A_264 = tpu.vector_load %arg12[%swap3A_262, %swap3A_263] {strides = array<i32>} : memref<64x768xf32, #tpu.memory_space<vmem>>, vector<1x16xf32>,
      %swap3A_265 = vector.shape_cast %swap3A_264 : vector<1x16xf32> to vector<16xf32>
      %swap3A_266 = vector.shape_cast %add3A_261 : vector<16xf32> to vector<1x16xf32>
      tpu.vector_store %arg12[%swap3A_262, %swap3A_263], %swap3A_266 {strides = array<i32>} : memref<64x768xf32, #tpu.memory_space<vmem>>, vector<1x16xf32>,
      %get3A_267 = arith.index_cast %scan3A_19 : i32 to index
      %get3A_268 = arith.constant 240 : index
      %get3A_269 = tpu.vector_load %arg12[%get3A_267, %get3A_268] {strides = array<i32>} : memref<64x768xf32, #tpu.memory_space<vmem>>, vector<1x16xf32>,
      %get3A_270 = vector.shape_cast %get3A_269 : vector<1x16xf32> to vector<16xf32>
      %mul3A_271 = arith.mulf %get3A_270, %get3A_23 : vector<16xf32>
      %get3A_272 = arith.index_cast %scan3A_19 : i32 to index
      %get3A_273 = arith.constant 240 : index
      %get3A_274 = tpu.vector_load %arg13[%get3A_272, %get3A_273] {strides = array<i32>} : memref<64x768xf32, #tpu.memory_space<vmem>>, vector<1x16xf32>,
      %get3A_275 = vector.shape_cast %get3A_274 : vector<1x16xf32> to vector<16xf32>
      %mul3A_276 = arith.mulf %get3A_275, %get3A_27 : vector<16xf32>
      %add3A_277 = arith.addf %mul3A_271, %mul3A_276 : vector<16xf32>
      %swap3A_278 = arith.index_cast %scan3A_19 : i32 to index
      %swap3A_279 = arith.constant 240 : index
      %swap3A_280 = tpu.vector_load %arg12[%swap3A_278, %swap3A_279] {strides = array<i32>} : memref<64x768xf32, #tpu.memory_space<vmem>>, vector<1x16xf32>,
      %swap3A_281 = vector.shape_cast %swap3A_280 : vector<1x16xf32> to vector<16xf32>
      %swap3A_282 = vector.shape_cast %add3A_277 : vector<16xf32> to vector<1x16xf32>
      tpu.vector_store %arg12[%swap3A_278, %swap3A_279], %swap3A_282 {strides = array<i32>} : memref<64x768xf32, #tpu.memory_space<vmem>>, vector<1x16xf32>,
      %get3A_283 = arith.index_cast %scan3A_19 : i32 to index
      %get3A_284 = arith.constant 256 : index
      %get3A_285 = tpu.vector_load %arg12[%get3A_283, %get3A_284] {strides = array<i32>} : memref<64x768xf32, #tpu.memory_space<vmem>>, vector<1x16xf32>,
      %get3A_286 = vector.shape_cast %get3A_285 : vector<1x16xf32> to vector<16xf32>
      %mul3A_287 = arith.mulf %get3A_286, %get3A_23 : vector<16xf32>
      %get3A_288 = arith.index_cast %scan3A_19 : i32 to index
      %get3A_289 = arith.constant 256 : index
      %get3A_290 = tpu.vector_load %arg13[%get3A_288, %get3A_289] {strides = array<i32>} : memref<64x768xf32, #tpu.memory_space<vmem>>, vector<1x16xf32>,
      %get3A_291 = vector.shape_cast %get3A_290 : vector<1x16xf32> to vector<16xf32>
      %mul3A_292 = arith.mulf %get3A_291, %get3A_27 : vector<16xf32>
      %add3A_293 = arith.addf %mul3A_287, %mul3A_292 : vector<16xf32>
      %swap3A_294 = arith.index_cast %scan3A_19 : i32 to index
      %swap3A_295 = arith.constant 256 : index
      %swap3A_296 = tpu.vector_load %arg12[%swap3A_294, %swap3A_295] {strides = array<i32>} : memref<64x768xf32, #tpu.memory_space<vmem>>, vector<1x16xf32>,
      %swap3A_297 = vector.shape_cast %swap3A_296 : vector<1x16xf32> to vector<16xf32>
      %swap3A_298 = vector.shape_cast %add3A_293 : vector<16xf32> to vector<1x16xf32>
      tpu.vector_store %arg12[%swap3A_294, %swap3A_295], %swap3A_298 {strides = array<i32>} : memref<64x768xf32, #tpu.memory_space<vmem>>, vector<1x16xf32>,
      %get3A_299 = arith.index_cast %scan3A_19 : i32 to index
      %get3A_300 = arith.constant 272 : index
      %get3A_301 = tpu.vector_load %arg12[%get3A_299, %get3A_300] {strides = array<i32>} : memref<64x768xf32, #tpu.memory_space<vmem>>, vector<1x16xf32>,
      %get3A_302 = vector.shape_cast %get3A_301 : vector<1x16xf32> to vector<16xf32>
      %mul3A_303 = arith.mulf %get3A_302, %get3A_23 : vector<16xf32>
      %get3A_304 = arith.index_cast %scan3A_19 : i32 to index
      %get3A_305 = arith.constant 272 : index
      %get3A_306 = tpu.vector_load %arg13[%get3A_304, %get3A_305] {strides = array<i32>} : memref<64x768xf32, #tpu.memory_space<vmem>>, vector<1x16xf32>,
      %get3A_307 = vector.shape_cast %get3A_306 : vector<1x16xf32> to vector<16xf32>
      %mul3A_308 = arith.mulf %get3A_307, %get3A_27 : vector<16xf32>
      %add3A_309 = arith.addf %mul3A_303, %mul3A_308 : vector<16xf32>
      %swap3A_310 = arith.index_cast %scan3A_19 : i32 to index
      %swap3A_311 = arith.constant 272 : index
      %swap3A_312 = tpu.vector_load %arg12[%swap3A_310, %swap3A_311] {strides = array<i32>} : memref<64x768xf32, #tpu.memory_space<vmem>>, vector<1x16xf32>,
      %swap3A_313 = vector.shape_cast %swap3A_312 : vector<1x16xf32> to vector<16xf32>
      %swap3A_314 = vector.shape_cast %add3A_309 : vector<16xf32> to vector<1x16xf32>
      tpu.vector_store %arg12[%swap3A_310, %swap3A_311], %swap3A_314 {strides = array<i32>} : memref<64x768xf32, #tpu.memory_space<vmem>>, vector<1x16xf32>,
      %get3A_315 = arith.index_cast %scan3A_19 : i32 to index
      %get3A_316 = arith.constant 288 : index
      %get3A_317 = tpu.vector_load %arg12[%get3A_315, %get3A_316] {strides = array<i32>} : memref<64x768xf32, #tpu.memory_space<vmem>>, vector<1x16xf32>,
      %get3A_318 = vector.shape_cast %get3A_317 : vector<1x16xf32> to vector<16xf32>
      %mul3A_319 = arith.mulf %get3A_318, %get3A_23 : vector<16xf32>
      %get3A_320 = arith.index_cast %scan3A_19 : i32 to index
      %get3A_321 = arith.constant 288 : index
      %get3A_322 = tpu.vector_load %arg13[%get3A_320, %get3A_321] {strides = array<i32>} : memref<64x768xf32, #tpu.memory_space<vmem>>, vector<1x16xf32>,
      %get3A_323 = vector.shape_cast %get3A_322 : vector<1x16xf32> to vector<16xf32>
      %mul3A_324 = arith.mulf %get3A_323, %get3A_27 : vector<16xf32>
      %add3A_325 = arith.addf %mul3A_319, %mul3A_324 : vector<16xf32>
      %swap3A_326 = arith.index_cast %scan3A_19 : i32 to index
      %swap3A_327 = arith.constant 288 : index
      %swap3A_328 = tpu.vector_load %arg12[%swap3A_326, %swap3A_327] {strides = array<i32>} : memref<64x768xf32, #tpu.memory_space<vmem>>, vector<1x16xf32>,
      %swap3A_329 = vector.shape_cast %swap3A_328 : vector<1x16xf32> to vector<16xf32>
      %swap3A_330 = vector.shape_cast %add3A_325 : vector<16xf32> to vector<1x16xf32>
      tpu.vector_store %arg12[%swap3A_326, %swap3A_327], %swap3A_330 {strides = array<i32>} : memref<64x768xf32, #tpu.memory_space<vmem>>, vector<1x16xf32>,
      %get3A_331 = arith.index_cast %scan3A_19 : i32 to index
      %get3A_332 = arith.constant 304 : index
      %get3A_333 = tpu.vector_load %arg12[%get3A_331, %get3A_332] {strides = array<i32>} : memref<64x768xf32, #tpu.memory_space<vmem>>, vector<1x16xf32>,
      %get3A_334 = vector.shape_cast %get3A_333 : vector<1x16xf32> to vector<16xf32>
      %mul3A_335 = arith.mulf %get3A_334, %get3A_23 : vector<16xf32>
      %get3A_336 = arith.index_cast %scan3A_19 : i32 to index
      %get3A_337 = arith.constant 304 : index
      %get3A_338 = tpu.vector_load %arg13[%get3A_336, %get3A_337] {strides = array<i32>} : memref<64x768xf32, #tpu.memory_space<vmem>>, vector<1x16xf32>,
      %get3A_339 = vector.shape_cast %get3A_338 : vector<1x16xf32> to vector<16xf32>
      %mul3A_340 = arith.mulf %get3A_339, %get3A_27 : vector<16xf32>
      %add3A_341 = arith.addf %mul3A_335, %mul3A_340 : vector<16xf32>
      %swap3A_342 = arith.index_cast %scan3A_19 : i32 to index
      %swap3A_343 = arith.constant 304 : index
      %swap3A_344 = tpu.vector_load %arg12[%swap3A_342, %swap3A_343] {strides = array<i32>} : memref<64x768xf32, #tpu.memory_space<vmem>>, vector<1x16xf32>,
      %swap3A_345 = vector.shape_cast %swap3A_344 : vector<1x16xf32> to vector<16xf32>
      %swap3A_346 = vector.shape_cast %add3A_341 : vector<16xf32> to vector<1x16xf32>
      tpu.vector_store %arg12[%swap3A_342, %swap3A_343], %swap3A_346 {strides = array<i32>} : memref<64x768xf32, #tpu.memory_space<vmem>>, vector<1x16xf32>,
      %get3A_347 = arith.index_cast %scan3A_19 : i32 to index
      %get3A_348 = arith.constant 320 : index
      %get3A_349 = tpu.vector_load %arg12[%get3A_347, %get3A_348] {strides = array<i32>} : memref<64x768xf32, #tpu.memory_space<vmem>>, vector<1x16xf32>,
      %get3A_350 = vector.shape_cast %get3A_349 : vector<1x16xf32> to vector<16xf32>
      %mul3A_351 = arith.mulf %get3A_350, %get3A_23 : vector<16xf32>
      %get3A_352 = arith.index_cast %scan3A_19 : i32 to index
      %get3A_353 = arith.constant 320 : index
      %get3A_354 = tpu.vector_load %arg13[%get3A_352, %get3A_353] {strides = array<i32>} : memref<64x768xf32, #tpu.memory_space<vmem>>, vector<1x16xf32>,
      %get3A_355 = vector.shape_cast %get3A_354 : vector<1x16xf32> to vector<16xf32>
      %mul3A_356 = arith.mulf %get3A_355, %get3A_27 : vector<16xf32>
      %add3A_357 = arith.addf %mul3A_351, %mul3A_356 : vector<16xf32>
      %swap3A_358 = arith.index_cast %scan3A_19 : i32 to index
      %swap3A_359 = arith.constant 320 : index
      %swap3A_360 = tpu.vector_load %arg12[%swap3A_358, %swap3A_359] {strides = array<i32>} : memref<64x768xf32, #tpu.memory_space<vmem>>, vector<1x16xf32>,
      %swap3A_361 = vector.shape_cast %swap3A_360 : vector<1x16xf32> to vector<16xf32>
      %swap3A_362 = vector.shape_cast %add3A_357 : vector<16xf32> to vector<1x16xf32>
      tpu.vector_store %arg12[%swap3A_358, %swap3A_359], %swap3A_362 {strides = array<i32>} : memref<64x768xf32, #tpu.memory_space<vmem>>, vector<1x16xf32>,
      %get3A_363 = arith.index_cast %scan3A_19 : i32 to index
      %get3A_364 = arith.constant 336 : index
      %get3A_365 = tpu.vector_load %arg12[%get3A_363, %get3A_364] {strides = array<i32>} : memref<64x768xf32, #tpu.memory_space<vmem>>, vector<1x16xf32>,
      %get3A_366 = vector.shape_cast %get3A_365 : vector<1x16xf32> to vector<16xf32>
      %mul3A_367 = arith.mulf %get3A_366, %get3A_23 : vector<16xf32>
      %get3A_368 = arith.index_cast %scan3A_19 : i32 to index
      %get3A_369 = arith.constant 336 : index
      %get3A_370 = tpu.vector_load %arg13[%get3A_368, %get3A_369] {strides = array<i32>} : memref<64x768xf32, #tpu.memory_space<vmem>>, vector<1x16xf32>,
      %get3A_371 = vector.shape_cast %get3A_370 : vector<1x16xf32> to vector<16xf32>
      %mul3A_372 = arith.mulf %get3A_371, %get3A_27 : vector<16xf32>
      %add3A_373 = arith.addf %mul3A_367, %mul3A_372 : vector<16xf32>
      %swap3A_374 = arith.index_cast %scan3A_19 : i32 to index
      %swap3A_375 = arith.constant 336 : index
      %swap3A_376 = tpu.vector_load %arg12[%swap3A_374, %swap3A_375] {strides = array<i32>} : memref<64x768xf32, #tpu.memory_space<vmem>>, vector<1x16xf32>,
      %swap3A_377 = vector.shape_cast %swap3A_376 : vector<1x16xf32> to vector<16xf32>
      %swap3A_378 = vector.shape_cast %add3A_373 : vector<16xf32> to vector<1x16xf32>
      tpu.vector_store %arg12[%swap3A_374, %swap3A_375], %swap3A_378 {strides = array<i32>} : memref<64x768xf32, #tpu.memory_space<vmem>>, vector<1x16xf32>,
      %get3A_379 = arith.index_cast %scan3A_19 : i32 to index
      %get3A_380 = arith.constant 352 : index
      %get3A_381 = tpu.vector_load %arg12[%get3A_379, %get3A_380] {strides = array<i32>} : memref<64x768xf32, #tpu.memory_space<vmem>>, vector<1x16xf32>,
      %get3A_382 = vector.shape_cast %get3A_381 : vector<1x16xf32> to vector<16xf32>
      %mul3A_383 = arith.mulf %get3A_382, %get3A_23 : vector<16xf32>
      %get3A_384 = arith.index_cast %scan3A_19 : i32 to index
      %get3A_385 = arith.constant 352 : index
      %get3A_386 = tpu.vector_load %arg13[%get3A_384, %get3A_385] {strides = array<i32>} : memref<64x768xf32, #tpu.memory_space<vmem>>, vector<1x16xf32>,
      %get3A_387 = vector.shape_cast %get3A_386 : vector<1x16xf32> to vector<16xf32>
      %mul3A_388 = arith.mulf %get3A_387, %get3A_27 : vector<16xf32>
      %add3A_389 = arith.addf %mul3A_383, %mul3A_388 : vector<16xf32>
      %swap3A_390 = arith.index_cast %scan3A_19 : i32 to index
      %swap3A_391 = arith.constant 352 : index
      %swap3A_392 = tpu.vector_load %arg12[%swap3A_390, %swap3A_391] {strides = array<i32>} : memref<64x768xf32, #tpu.memory_space<vmem>>, vector<1x16xf32>,
      %swap3A_393 = vector.shape_cast %swap3A_392 : vector<1x16xf32> to vector<16xf32>
      %swap3A_394 = vector.shape_cast %add3A_389 : vector<16xf32> to vector<1x16xf32>
      tpu.vector_store %arg12[%swap3A_390, %swap3A_391], %swap3A_394 {strides = array<i32>} : memref<64x768xf32, #tpu.memory_space<vmem>>, vector<1x16xf32>,
      %get3A_395 = arith.index_cast %scan3A_19 : i32 to index
      %get3A_396 = arith.constant 368 : index
      %get3A_397 = tpu.vector_load %arg12[%get3A_395, %get3A_396] {strides = array<i32>} : memref<64x768xf32, #tpu.memory_space<vmem>>, vector<1x16xf32>,
      %get3A_398 = vector.shape_cast %get3A_397 : vector<1x16xf32> to vector<16xf32>
      %mul3A_399 = arith.mulf %get3A_398, %get3A_23 : vector<16xf32>
      %get3A_400 = arith.index_cast %scan3A_19 : i32 to index
      %get3A_401 = arith.constant 368 : index
      %get3A_402 = tpu.vector_load %arg13[%get3A_400, %get3A_401] {strides = array<i32>} : memref<64x768xf32, #tpu.memory_space<vmem>>, vector<1x16xf32>,
      %get3A_403 = vector.shape_cast %get3A_402 : vector<1x16xf32> to vector<16xf32>
      %mul3A_404 = arith.mulf %get3A_403, %get3A_27 : vector<16xf32>
      %add3A_405 = arith.addf %mul3A_399, %mul3A_404 : vector<16xf32>
      %swap3A_406 = arith.index_cast %scan3A_19 : i32 to index
      %swap3A_407 = arith.constant 368 : index
      %swap3A_408 = tpu.vector_load %arg12[%swap3A_406, %swap3A_407] {strides = array<i32>} : memref<64x768xf32, #tpu.memory_space<vmem>>, vector<1x16xf32>,
      %swap3A_409 = vector.shape_cast %swap3A_408 : vector<1x16xf32> to vector<16xf32>
      %swap3A_410 = vector.shape_cast %add3A_405 : vector<16xf32> to vector<1x16xf32>
      tpu.vector_store %arg12[%swap3A_406, %swap3A_407], %swap3A_410 {strides = array<i32>} : memref<64x768xf32, #tpu.memory_space<vmem>>, vector<1x16xf32>,
      %get3A_411 = arith.index_cast %scan3A_19 : i32 to index
      %get3A_412 = arith.constant 384 : index
      %get3A_413 = tpu.vector_load %arg12[%get3A_411, %get3A_412] {strides = array<i32>} : memref<64x768xf32, #tpu.memory_space<vmem>>, vector<1x16xf32>,
      %get3A_414 = vector.shape_cast %get3A_413 : vector<1x16xf32> to vector<16xf32>
      %mul3A_415 = arith.mulf %get3A_414, %get3A_23 : vector<16xf32>
      %get3A_416 = arith.index_cast %scan3A_19 : i32 to index
      %get3A_417 = arith.constant 384 : index
      %get3A_418 = tpu.vector_load %arg13[%get3A_416, %get3A_417] {strides = array<i32>} : memref<64x768xf32, #tpu.memory_space<vmem>>, vector<1x16xf32>,
      %get3A_419 = vector.shape_cast %get3A_418 : vector<1x16xf32> to vector<16xf32>
      %mul3A_420 = arith.mulf %get3A_419, %get3A_27 : vector<16xf32>
      %add3A_421 = arith.addf %mul3A_415, %mul3A_420 : vector<16xf32>
      %swap3A_422 = arith.index_cast %scan3A_19 : i32 to index
      %swap3A_423 = arith.constant 384 : index
      %swap3A_424 = tpu.vector_load %arg12[%swap3A_422, %swap3A_423] {strides = array<i32>} : memref<64x768xf32, #tpu.memory_space<vmem>>, vector<1x16xf32>,
      %swap3A_425 = vector.shape_cast %swap3A_424 : vector<1x16xf32> to vector<16xf32>
      %swap3A_426 = vector.shape_cast %add3A_421 : vector<16xf32> to vector<1x16xf32>
      tpu.vector_store %arg12[%swap3A_422, %swap3A_423], %swap3A_426 {strides = array<i32>} : memref<64x768xf32, #tpu.memory_space<vmem>>, vector<1x16xf32>,
      %get3A_427 = arith.index_cast %scan3A_19 : i32 to index
      %get3A_428 = arith.constant 400 : index
      %get3A_429 = tpu.vector_load %arg12[%get3A_427, %get3A_428] {strides = array<i32>} : memref<64x768xf32, #tpu.memory_space<vmem>>, vector<1x16xf32>,
      %get3A_430 = vector.shape_cast %get3A_429 : vector<1x16xf32> to vector<16xf32>
      %mul3A_431 = arith.mulf %get3A_430, %get3A_23 : vector<16xf32>
      %get3A_432 = arith.index_cast %scan3A_19 : i32 to index
      %get3A_433 = arith.constant 400 : index
      %get3A_434 = tpu.vector_load %arg13[%get3A_432, %get3A_433] {strides = array<i32>} : memref<64x768xf32, #tpu.memory_space<vmem>>, vector<1x16xf32>,
      %get3A_435 = vector.shape_cast %get3A_434 : vector<1x16xf32> to vector<16xf32>
      %mul3A_436 = arith.mulf %get3A_435, %get3A_27 : vector<16xf32>
      %add3A_437 = arith.addf %mul3A_431, %mul3A_436 : vector<16xf32>
      %swap3A_438 = arith.index_cast %scan3A_19 : i32 to index
      %swap3A_439 = arith.constant 400 : index
      %swap3A_440 = tpu.vector_load %arg12[%swap3A_438, %swap3A_439] {strides = array<i32>} : memref<64x768xf32, #tpu.memory_space<vmem>>, vector<1x16xf32>,
      %swap3A_441 = vector.shape_cast %swap3A_440 : vector<1x16xf32> to vector<16xf32>
      %swap3A_442 = vector.shape_cast %add3A_437 : vector<16xf32> to vector<1x16xf32>
      tpu.vector_store %arg12[%swap3A_438, %swap3A_439], %swap3A_442 {strides = array<i32>} : memref<64x768xf32, #tpu.memory_space<vmem>>, vector<1x16xf32>,
      %get3A_443 = arith.index_cast %scan3A_19 : i32 to index
      %get3A_444 = arith.constant 416 : index
      %get3A_445 = tpu.vector_load %arg12[%get3A_443, %get3A_444] {strides = array<i32>} : memref<64x768xf32, #tpu.memory_space<vmem>>, vector<1x16xf32>,
      %get3A_446 = vector.shape_cast %get3A_445 : vector<1x16xf32> to vector<16xf32>
      %mul3A_447 = arith.mulf %get3A_446, %get3A_23 : vector<16xf32>
      %get3A_448 = arith.index_cast %scan3A_19 : i32 to index
      %get3A_449 = arith.constant 416 : index
      %get3A_450 = tpu.vector_load %arg13[%get3A_448, %get3A_449] {strides = array<i32>} : memref<64x768xf32, #tpu.memory_space<vmem>>, vector<1x16xf32>,
      %get3A_451 = vector.shape_cast %get3A_450 : vector<1x16xf32> to vector<16xf32>
      %mul3A_452 = arith.mulf %get3A_451, %get3A_27 : vector<16xf32>
      %add3A_453 = arith.addf %mul3A_447, %mul3A_452 : vector<16xf32>
      %swap3A_454 = arith.index_cast %scan3A_19 : i32 to index
      %swap3A_455 = arith.constant 416 : index
      %swap3A_456 = tpu.vector_load %arg12[%swap3A_454, %swap3A_455] {strides = array<i32>} : memref<64x768xf32, #tpu.memory_space<vmem>>, vector<1x16xf32>,
      %swap3A_457 = vector.shape_cast %swap3A_456 : vector<1x16xf32> to vector<16xf32>
      %swap3A_458 = vector.shape_cast %add3A_453 : vector<16xf32> to vector<1x16xf32>
      tpu.vector_store %arg12[%swap3A_454, %swap3A_455], %swap3A_458 {strides = array<i32>} : memref<64x768xf32, #tpu.memory_space<vmem>>, vector<1x16xf32>,
      %get3A_459 = arith.index_cast %scan3A_19 : i32 to index
      %get3A_460 = arith.constant 432 : index
      %get3A_461 = tpu.vector_load %arg12[%get3A_459, %get3A_460] {strides = array<i32>} : memref<64x768xf32, #tpu.memory_space<vmem>>, vector<1x16xf32>,
      %get3A_462 = vector.shape_cast %get3A_461 : vector<1x16xf32> to vector<16xf32>
      %mul3A_463 = arith.mulf %get3A_462, %get3A_23 : vector<16xf32>
      %get3A_464 = arith.index_cast %scan3A_19 : i32 to index
      %get3A_465 = arith.constant 432 : index
      %get3A_466 = tpu.vector_load %arg13[%get3A_464, %get3A_465] {strides = array<i32>} : memref<64x768xf32, #tpu.memory_space<vmem>>, vector<1x16xf32>,
      %get3A_467 = vector.shape_cast %get3A_466 : vector<1x16xf32> to vector<16xf32>
      %mul3A_468 = arith.mulf %get3A_467, %get3A_27 : vector<16xf32>
      %add3A_469 = arith.addf %mul3A_463, %mul3A_468 : vector<16xf32>
      %swap3A_470 = arith.index_cast %scan3A_19 : i32 to index
      %swap3A_471 = arith.constant 432 : index
      %swap3A_472 = tpu.vector_load %arg12[%swap3A_470, %swap3A_471] {strides = array<i32>} : memref<64x768xf32, #tpu.memory_space<vmem>>, vector<1x16xf32>,
      %swap3A_473 = vector.shape_cast %swap3A_472 : vector<1x16xf32> to vector<16xf32>
      %swap3A_474 = vector.shape_cast %add3A_469 : vector<16xf32> to vector<1x16xf32>
      tpu.vector_store %arg12[%swap3A_470, %swap3A_471], %swap3A_474 {strides = array<i32>} : memref<64x768xf32, #tpu.memory_space<vmem>>, vector<1x16xf32>,
      %get3A_475 = arith.index_cast %scan3A_19 : i32 to index
      %get3A_476 = arith.constant 448 : index
      %get3A_477 = tpu.vector_load %arg12[%get3A_475, %get3A_476] {strides = array<i32>} : memref<64x768xf32, #tpu.memory_space<vmem>>, vector<1x16xf32>,
      %get3A_478 = vector.shape_cast %get3A_477 : vector<1x16xf32> to vector<16xf32>
      %mul3A_479 = arith.mulf %get3A_478, %get3A_23 : vector<16xf32>
      %get3A_480 = arith.index_cast %scan3A_19 : i32 to index
      %get3A_481 = arith.constant 448 : index
      %get3A_482 = tpu.vector_load %arg13[%get3A_480, %get3A_481] {strides = array<i32>} : memref<64x768xf32, #tpu.memory_space<vmem>>, vector<1x16xf32>,
      %get3A_483 = vector.shape_cast %get3A_482 : vector<1x16xf32> to vector<16xf32>
      %mul3A_484 = arith.mulf %get3A_483, %get3A_27 : vector<16xf32>
      %add3A_485 = arith.addf %mul3A_479, %mul3A_484 : vector<16xf32>
      %swap3A_486 = arith.index_cast %scan3A_19 : i32 to index
      %swap3A_487 = arith.constant 448 : index
      %swap3A_488 = tpu.vector_load %arg12[%swap3A_486, %swap3A_487] {strides = array<i32>} : memref<64x768xf32, #tpu.memory_space<vmem>>, vector<1x16xf32>,
      %swap3A_489 = vector.shape_cast %swap3A_488 : vector<1x16xf32> to vector<16xf32>
      %swap3A_490 = vector.shape_cast %add3A_485 : vector<16xf32> to vector<1x16xf32>
      tpu.vector_store %arg12[%swap3A_486, %swap3A_487], %swap3A_490 {strides = array<i32>} : memref<64x768xf32, #tpu.memory_space<vmem>>, vector<1x16xf32>,
      %get3A_491 = arith.index_cast %scan3A_19 : i32 to index
      %get3A_492 = arith.constant 464 : index
      %get3A_493 = tpu.vector_load %arg12[%get3A_491, %get3A_492] {strides = array<i32>} : memref<64x768xf32, #tpu.memory_space<vmem>>, vector<1x16xf32>,
      %get3A_494 = vector.shape_cast %get3A_493 : vector<1x16xf32> to vector<16xf32>
      %mul3A_495 = arith.mulf %get3A_494, %get3A_23 : vector<16xf32>
      %get3A_496 = arith.index_cast %scan3A_19 : i32 to index
      %get3A_497 = arith.constant 464 : index
      %get3A_498 = tpu.vector_load %arg13[%get3A_496, %get3A_497] {strides = array<i32>} : memref<64x768xf32, #tpu.memory_space<vmem>>, vector<1x16xf32>,
      %get3A_499 = vector.shape_cast %get3A_498 : vector<1x16xf32> to vector<16xf32>
      %mul3A_500 = arith.mulf %get3A_499, %get3A_27 : vector<16xf32>
      %add3A_501 = arith.addf %mul3A_495, %mul3A_500 : vector<16xf32>
      %swap3A_502 = arith.index_cast %scan3A_19 : i32 to index
      %swap3A_503 = arith.constant 464 : index
      %swap3A_504 = tpu.vector_load %arg12[%swap3A_502, %swap3A_503] {strides = array<i32>} : memref<64x768xf32, #tpu.memory_space<vmem>>, vector<1x16xf32>,
      %swap3A_505 = vector.shape_cast %swap3A_504 : vector<1x16xf32> to vector<16xf32>
      %swap3A_506 = vector.shape_cast %add3A_501 : vector<16xf32> to vector<1x16xf32>
      tpu.vector_store %arg12[%swap3A_502, %swap3A_503], %swap3A_506 {strides = array<i32>} : memref<64x768xf32, #tpu.memory_space<vmem>>, vector<1x16xf32>,
      %get3A_507 = arith.index_cast %scan3A_19 : i32 to index
      %get3A_508 = arith.constant 480 : index
      %get3A_509 = tpu.vector_load %arg12[%get3A_507, %get3A_508] {strides = array<i32>} : memref<64x768xf32, #tpu.memory_space<vmem>>, vector<1x16xf32>,
      %get3A_510 = vector.shape_cast %get3A_509 : vector<1x16xf32> to vector<16xf32>
      %mul3A_511 = arith.mulf %get3A_510, %get3A_23 : vector<16xf32>
      %get3A_512 = arith.index_cast %scan3A_19 : i32 to index
      %get3A_513 = arith.constant 480 : index
      %get3A_514 = tpu.vector_load %arg13[%get3A_512, %get3A_513] {strides = array<i32>} : memref<64x768xf32, #tpu.memory_space<vmem>>, vector<1x16xf32>,
      %get3A_515 = vector.shape_cast %get3A_514 : vector<1x16xf32> to vector<16xf32>
      %mul3A_516 = arith.mulf %get3A_515, %get3A_27 : vector<16xf32>
      %add3A_517 = arith.addf %mul3A_511, %mul3A_516 : vector<16xf32>
      %swap3A_518 = arith.index_cast %scan3A_19 : i32 to index
      %swap3A_519 = arith.constant 480 : index
      %swap3A_520 = tpu.vector_load %arg12[%swap3A_518, %swap3A_519] {strides = array<i32>} : memref<64x768xf32, #tpu.memory_space<vmem>>, vector<1x16xf32>,
      %swap3A_521 = vector.shape_cast %swap3A_520 : vector<1x16xf32> to vector<16xf32>
      %swap3A_522 = vector.shape_cast %add3A_517 : vector<16xf32> to vector<1x16xf32>
      tpu.vector_store %arg12[%swap3A_518, %swap3A_519], %swap3A_522 {strides = array<i32>} : memref<64x768xf32, #tpu.memory_space<vmem>>, vector<1x16xf32>,
      %get3A_523 = arith.index_cast %scan3A_19 : i32 to index
      %get3A_524 = arith.constant 496 : index
      %get3A_525 = tpu.vector_load %arg12[%get3A_523, %get3A_524] {strides = array<i32>} : memref<64x768xf32, #tpu.memory_space<vmem>>, vector<1x16xf32>,
      %get3A_526 = vector.shape_cast %get3A_525 : vector<1x16xf32> to vector<16xf32>
      %mul3A_527 = arith.mulf %get3A_526, %get3A_23 : vector<16xf32>
      %get3A_528 = arith.index_cast %scan3A_19 : i32 to index
      %get3A_529 = arith.constant 496 : index
      %get3A_530 = tpu.vector_load %arg13[%get3A_528, %get3A_529] {strides = array<i32>} : memref<64x768xf32, #tpu.memory_space<vmem>>, vector<1x16xf32>,
      %get3A_531 = vector.shape_cast %get3A_530 : vector<1x16xf32> to vector<16xf32>
      %mul3A_532 = arith.mulf %get3A_531, %get3A_27 : vector<16xf32>
      %add3A_533 = arith.addf %mul3A_527, %mul3A_532 : vector<16xf32>
      %swap3A_534 = arith.index_cast %scan3A_19 : i32 to index
      %swap3A_535 = arith.constant 496 : index
      %swap3A_536 = tpu.vector_load %arg12[%swap3A_534, %swap3A_535] {strides = array<i32>} : memref<64x768xf32, #tpu.memory_space<vmem>>, vector<1x16xf32>,
      %swap3A_537 = vector.shape_cast %swap3A_536 : vector<1x16xf32> to vector<16xf32>
      %swap3A_538 = vector.shape_cast %add3A_533 : vector<16xf32> to vector<1x16xf32>
      tpu.vector_store %arg12[%swap3A_534, %swap3A_535], %swap3A_538 {strides = array<i32>} : memref<64x768xf32, #tpu.memory_space<vmem>>, vector<1x16xf32>,
      %get3A_539 = arith.index_cast %scan3A_19 : i32 to index
      %get3A_540 = arith.constant 512 : index
      %get3A_541 = tpu.vector_load %arg12[%get3A_539, %get3A_540] {strides = array<i32>} : memref<64x768xf32, #tpu.memory_space<vmem>>, vector<1x16xf32>,
      %get3A_542 = vector.shape_cast %get3A_541 : vector<1x16xf32> to vector<16xf32>
      %mul3A_543 = arith.mulf %get3A_542, %get3A_23 : vector<16xf32>
      %get3A_544 = arith.index_cast %scan3A_19 : i32 to index
      %get3A_545 = arith.constant 512 : index
      %get3A_546 = tpu.vector_load %arg13[%get3A_544, %get3A_545] {strides = array<i32>} : memref<64x768xf32, #tpu.memory_space<vmem>>, vector<1x16xf32>,
      %get3A_547 = vector.shape_cast %get3A_546 : vector<1x16xf32> to vector<16xf32>
      %mul3A_548 = arith.mulf %get3A_547, %get3A_27 : vector<16xf32>
      %add3A_549 = arith.addf %mul3A_543, %mul3A_548 : vector<16xf32>
      %swap3A_550 = arith.index_cast %scan3A_19 : i32 to index
      %swap3A_551 = arith.constant 512 : index
      %swap3A_552 = tpu.vector_load %arg12[%swap3A_550, %swap3A_551] {strides = array<i32>} : memref<64x768xf32, #tpu.memory_space<vmem>>, vector<1x16xf32>,
      %swap3A_553 = vector.shape_cast %swap3A_552 : vector<1x16xf32> to vector<16xf32>
      %swap3A_554 = vector.shape_cast %add3A_549 : vector<16xf32> to vector<1x16xf32>
      tpu.vector_store %arg12[%swap3A_550, %swap3A_551], %swap3A_554 {strides = array<i32>} : memref<64x768xf32, #tpu.memory_space<vmem>>, vector<1x16xf32>,
      %get3A_555 = arith.index_cast %scan3A_19 : i32 to index
      %get3A_556 = arith.constant 528 : index
      %get3A_557 = tpu.vector_load %arg12[%get3A_555, %get3A_556] {strides = array<i32>} : memref<64x768xf32, #tpu.memory_space<vmem>>, vector<1x16xf32>,
      %get3A_558 = vector.shape_cast %get3A_557 : vector<1x16xf32> to vector<16xf32>
      %mul3A_559 = arith.mulf %get3A_558, %get3A_23 : vector<16xf32>
      %get3A_560 = arith.index_cast %scan3A_19 : i32 to index
      %get3A_561 = arith.constant 528 : index
      %get3A_562 = tpu.vector_load %arg13[%get3A_560, %get3A_561] {strides = array<i32>} : memref<64x768xf32, #tpu.memory_space<vmem>>, vector<1x16xf32>,
      %get3A_563 = vector.shape_cast %get3A_562 : vector<1x16xf32> to vector<16xf32>
      %mul3A_564 = arith.mulf %get3A_563, %get3A_27 : vector<16xf32>
      %add3A_565 = arith.addf %mul3A_559, %mul3A_564 : vector<16xf32>
      %swap3A_566 = arith.index_cast %scan3A_19 : i32 to index
      %swap3A_567 = arith.constant 528 : index
      %swap3A_568 = tpu.vector_load %arg12[%swap3A_566, %swap3A_567] {strides = array<i32>} : memref<64x768xf32, #tpu.memory_space<vmem>>, vector<1x16xf32>,
      %swap3A_569 = vector.shape_cast %swap3A_568 : vector<1x16xf32> to vector<16xf32>
      %swap3A_570 = vector.shape_cast %add3A_565 : vector<16xf32> to vector<1x16xf32>
      tpu.vector_store %arg12[%swap3A_566, %swap3A_567], %swap3A_570 {strides = array<i32>} : memref<64x768xf32, #tpu.memory_space<vmem>>, vector<1x16xf32>,
      %get3A_571 = arith.index_cast %scan3A_19 : i32 to index
      %get3A_572 = arith.constant 544 : index
      %get3A_573 = tpu.vector_load %arg12[%get3A_571, %get3A_572] {strides = array<i32>} : memref<64x768xf32, #tpu.memory_space<vmem>>, vector<1x16xf32>,
      %get3A_574 = vector.shape_cast %get3A_573 : vector<1x16xf32> to vector<16xf32>
      %mul3A_575 = arith.mulf %get3A_574, %get3A_23 : vector<16xf32>
      %get3A_576 = arith.index_cast %scan3A_19 : i32 to index
      %get3A_577 = arith.constant 544 : index
      %get3A_578 = tpu.vector_load %arg13[%get3A_576, %get3A_577] {strides = array<i32>} : memref<64x768xf32, #tpu.memory_space<vmem>>, vector<1x16xf32>,
      %get3A_579 = vector.shape_cast %get3A_578 : vector<1x16xf32> to vector<16xf32>
      %mul3A_580 = arith.mulf %get3A_579, %get3A_27 : vector<16xf32>
      %add3A_581 = arith.addf %mul3A_575, %mul3A_580 : vector<16xf32>
      %swap3A_582 = arith.index_cast %scan3A_19 : i32 to index
      %swap3A_583 = arith.constant 544 : index
      %swap3A_584 = tpu.vector_load %arg12[%swap3A_582, %swap3A_583] {strides = array<i32>} : memref<64x768xf32, #tpu.memory_space<vmem>>, vector<1x16xf32>,
      %swap3A_585 = vector.shape_cast %swap3A_584 : vector<1x16xf32> to vector<16xf32>
      %swap3A_586 = vector.shape_cast %add3A_581 : vector<16xf32> to vector<1x16xf32>
      tpu.vector_store %arg12[%swap3A_582, %swap3A_583], %swap3A_586 {strides = array<i32>} : memref<64x768xf32, #tpu.memory_space<vmem>>, vector<1x16xf32>,
      %get3A_587 = arith.index_cast %scan3A_19 : i32 to index
      %get3A_588 = arith.constant 560 : index
      %get3A_589 = tpu.vector_load %arg12[%get3A_587, %get3A_588] {strides = array<i32>} : memref<64x768xf32, #tpu.memory_space<vmem>>, vector<1x16xf32>,
      %get3A_590 = vector.shape_cast %get3A_589 : vector<1x16xf32> to vector<16xf32>
      %mul3A_591 = arith.mulf %get3A_590, %get3A_23 : vector<16xf32>
      %get3A_592 = arith.index_cast %scan3A_19 : i32 to index
      %get3A_593 = arith.constant 560 : index
      %get3A_594 = tpu.vector_load %arg13[%get3A_592, %get3A_593] {strides = array<i32>} : memref<64x768xf32, #tpu.memory_space<vmem>>, vector<1x16xf32>,
      %get3A_595 = vector.shape_cast %get3A_594 : vector<1x16xf32> to vector<16xf32>
      %mul3A_596 = arith.mulf %get3A_595, %get3A_27 : vector<16xf32>
      %add3A_597 = arith.addf %mul3A_591, %mul3A_596 : vector<16xf32>
      %swap3A_598 = arith.index_cast %scan3A_19 : i32 to index
      %swap3A_599 = arith.constant 560 : index
      %swap3A_600 = tpu.vector_load %arg12[%swap3A_598, %swap3A_599] {strides = array<i32>} : memref<64x768xf32, #tpu.memory_space<vmem>>, vector<1x16xf32>,
      %swap3A_601 = vector.shape_cast %swap3A_600 : vector<1x16xf32> to vector<16xf32>
      %swap3A_602 = vector.shape_cast %add3A_597 : vector<16xf32> to vector<1x16xf32>
      tpu.vector_store %arg12[%swap3A_598, %swap3A_599], %swap3A_602 {strides = array<i32>} : memref<64x768xf32, #tpu.memory_space<vmem>>, vector<1x16xf32>,
      %get3A_603 = arith.index_cast %scan3A_19 : i32 to index
      %get3A_604 = arith.constant 576 : index
      %get3A_605 = tpu.vector_load %arg12[%get3A_603, %get3A_604] {strides = array<i32>} : memref<64x768xf32, #tpu.memory_space<vmem>>, vector<1x16xf32>,
      %get3A_606 = vector.shape_cast %get3A_605 : vector<1x16xf32> to vector<16xf32>
      %mul3A_607 = arith.mulf %get3A_606, %get3A_23 : vector<16xf32>
      %get3A_608 = arith.index_cast %scan3A_19 : i32 to index
      %get3A_609 = arith.constant 576 : index
      %get3A_610 = tpu.vector_load %arg13[%get3A_608, %get3A_609] {strides = array<i32>} : memref<64x768xf32, #tpu.memory_space<vmem>>, vector<1x16xf32>,
      %get3A_611 = vector.shape_cast %get3A_610 : vector<1x16xf32> to vector<16xf32>
      %mul3A_612 = arith.mulf %get3A_611, %get3A_27 : vector<16xf32>
      %add3A_613 = arith.addf %mul3A_607, %mul3A_612 : vector<16xf32>
      %swap3A_614 = arith.index_cast %scan3A_19 : i32 to index
      %swap3A_615 = arith.constant 576 : index
      %swap3A_616 = tpu.vector_load %arg12[%swap3A_614, %swap3A_615] {strides = array<i32>} : memref<64x768xf32, #tpu.memory_space<vmem>>, vector<1x16xf32>,
      %swap3A_617 = vector.shape_cast %swap3A_616 : vector<1x16xf32> to vector<16xf32>
      %swap3A_618 = vector.shape_cast %add3A_613 : vector<16xf32> to vector<1x16xf32>
      tpu.vector_store %arg12[%swap3A_614, %swap3A_615], %swap3A_618 {strides = array<i32>} : memref<64x768xf32, #tpu.memory_space<vmem>>, vector<1x16xf32>,
      %get3A_619 = arith.index_cast %scan3A_19 : i32 to index
      %get3A_620 = arith.constant 592 : index
      %get3A_621 = tpu.vector_load %arg12[%get3A_619, %get3A_620] {strides = array<i32>} : memref<64x768xf32, #tpu.memory_space<vmem>>, vector<1x16xf32>,
      %get3A_622 = vector.shape_cast %get3A_621 : vector<1x16xf32> to vector<16xf32>
      %mul3A_623 = arith.mulf %get3A_622, %get3A_23 : vector<16xf32>
      %get3A_624 = arith.index_cast %scan3A_19 : i32 to index
      %get3A_625 = arith.constant 592 : index
      %get3A_626 = tpu.vector_load %arg13[%get3A_624, %get3A_625] {strides = array<i32>} : memref<64x768xf32, #tpu.memory_space<vmem>>, vector<1x16xf32>,
      %get3A_627 = vector.shape_cast %get3A_626 : vector<1x16xf32> to vector<16xf32>
      %mul3A_628 = arith.mulf %get3A_627, %get3A_27 : vector<16xf32>
      %add3A_629 = arith.addf %mul3A_623, %mul3A_628 : vector<16xf32>
      %swap3A_630 = arith.index_cast %scan3A_19 : i32 to index
      %swap3A_631 = arith.constant 592 : index
      %swap3A_632 = tpu.vector_load %arg12[%swap3A_630, %swap3A_631] {strides = array<i32>} : memref<64x768xf32, #tpu.memory_space<vmem>>, vector<1x16xf32>,
      %swap3A_633 = vector.shape_cast %swap3A_632 : vector<1x16xf32> to vector<16xf32>
      %swap3A_634 = vector.shape_cast %add3A_629 : vector<16xf32> to vector<1x16xf32>
      tpu.vector_store %arg12[%swap3A_630, %swap3A_631], %swap3A_634 {strides = array<i32>} : memref<64x768xf32, #tpu.memory_space<vmem>>, vector<1x16xf32>,
      %get3A_635 = arith.index_cast %scan3A_19 : i32 to index
      %get3A_636 = arith.constant 608 : index
      %get3A_637 = tpu.vector_load %arg12[%get3A_635, %get3A_636] {strides = array<i32>} : memref<64x768xf32, #tpu.memory_space<vmem>>, vector<1x16xf32>,
      %get3A_638 = vector.shape_cast %get3A_637 : vector<1x16xf32> to vector<16xf32>
      %mul3A_639 = arith.mulf %get3A_638, %get3A_23 : vector<16xf32>
      %get3A_640 = arith.index_cast %scan3A_19 : i32 to index
      %get3A_641 = arith.constant 608 : index
      %get3A_642 = tpu.vector_load %arg13[%get3A_640, %get3A_641] {strides = array<i32>} : memref<64x768xf32, #tpu.memory_space<vmem>>, vector<1x16xf32>,
      %get3A_643 = vector.shape_cast %get3A_642 : vector<1x16xf32> to vector<16xf32>
      %mul3A_644 = arith.mulf %get3A_643, %get3A_27 : vector<16xf32>
      %add3A_645 = arith.addf %mul3A_639, %mul3A_644 : vector<16xf32>
      %swap3A_646 = arith.index_cast %scan3A_19 : i32 to index
      %swap3A_647 = arith.constant 608 : index
      %swap3A_648 = tpu.vector_load %arg12[%swap3A_646, %swap3A_647] {strides = array<i32>} : memref<64x768xf32, #tpu.memory_space<vmem>>, vector<1x16xf32>,
      %swap3A_649 = vector.shape_cast %swap3A_648 : vector<1x16xf32> to vector<16xf32>
      %swap3A_650 = vector.shape_cast %add3A_645 : vector<16xf32> to vector<1x16xf32>
      tpu.vector_store %arg12[%swap3A_646, %swap3A_647], %swap3A_650 {strides = array<i32>} : memref<64x768xf32, #tpu.memory_space<vmem>>, vector<1x16xf32>,
      %get3A_651 = arith.index_cast %scan3A_19 : i32 to index
      %get3A_652 = arith.constant 624 : index
      %get3A_653 = tpu.vector_load %arg12[%get3A_651, %get3A_652] {strides = array<i32>} : memref<64x768xf32, #tpu.memory_space<vmem>>, vector<1x16xf32>,
      %get3A_654 = vector.shape_cast %get3A_653 : vector<1x16xf32> to vector<16xf32>
      %mul3A_655 = arith.mulf %get3A_654, %get3A_23 : vector<16xf32>
      %get3A_656 = arith.index_cast %scan3A_19 : i32 to index
      %get3A_657 = arith.constant 624 : index
      %get3A_658 = tpu.vector_load %arg13[%get3A_656, %get3A_657] {strides = array<i32>} : memref<64x768xf32, #tpu.memory_space<vmem>>, vector<1x16xf32>,
      %get3A_659 = vector.shape_cast %get3A_658 : vector<1x16xf32> to vector<16xf32>
      %mul3A_660 = arith.mulf %get3A_659, %get3A_27 : vector<16xf32>
      %add3A_661 = arith.addf %mul3A_655, %mul3A_660 : vector<16xf32>
      %swap3A_662 = arith.index_cast %scan3A_19 : i32 to index
      %swap3A_663 = arith.constant 624 : index
      %swap3A_664 = tpu.vector_load %arg12[%swap3A_662, %swap3A_663] {strides = array<i32>} : memref<64x768xf32, #tpu.memory_space<vmem>>, vector<1x16xf32>,
      %swap3A_665 = vector.shape_cast %swap3A_664 : vector<1x16xf32> to vector<16xf32>
      %swap3A_666 = vector.shape_cast %add3A_661 : vector<16xf32> to vector<1x16xf32>
      tpu.vector_store %arg12[%swap3A_662, %swap3A_663], %swap3A_666 {strides = array<i32>} : memref<64x768xf32, #tpu.memory_space<vmem>>, vector<1x16xf32>,
      %get3A_667 = arith.index_cast %scan3A_19 : i32 to index
      %get3A_668 = arith.constant 640 : index
      %get3A_669 = tpu.vector_load %arg12[%get3A_667, %get3A_668] {strides = array<i32>} : memref<64x768xf32, #tpu.memory_space<vmem>>, vector<1x16xf32>,
      %get3A_670 = vector.shape_cast %get3A_669 : vector<1x16xf32> to vector<16xf32>
      %mul3A_671 = arith.mulf %get3A_670, %get3A_23 : vector<16xf32>
      %get3A_672 = arith.index_cast %scan3A_19 : i32 to index
      %get3A_673 = arith.constant 640 : index
      %get3A_674 = tpu.vector_load %arg13[%get3A_672, %get3A_673] {strides = array<i32>} : memref<64x768xf32, #tpu.memory_space<vmem>>, vector<1x16xf32>,
      %get3A_675 = vector.shape_cast %get3A_674 : vector<1x16xf32> to vector<16xf32>
      %mul3A_676 = arith.mulf %get3A_675, %get3A_27 : vector<16xf32>
      %add3A_677 = arith.addf %mul3A_671, %mul3A_676 : vector<16xf32>
      %swap3A_678 = arith.index_cast %scan3A_19 : i32 to index
      %swap3A_679 = arith.constant 640 : index
      %swap3A_680 = tpu.vector_load %arg12[%swap3A_678, %swap3A_679] {strides = array<i32>} : memref<64x768xf32, #tpu.memory_space<vmem>>, vector<1x16xf32>,
      %swap3A_681 = vector.shape_cast %swap3A_680 : vector<1x16xf32> to vector<16xf32>
      %swap3A_682 = vector.shape_cast %add3A_677 : vector<16xf32> to vector<1x16xf32>
      tpu.vector_store %arg12[%swap3A_678, %swap3A_679], %swap3A_682 {strides = array<i32>} : memref<64x768xf32, #tpu.memory_space<vmem>>, vector<1x16xf32>,
      %get3A_683 = arith.index_cast %scan3A_19 : i32 to index
      %get3A_684 = arith.constant 656 : index
      %get3A_685 = tpu.vector_load %arg12[%get3A_683, %get3A_684] {strides = array<i32>} : memref<64x768xf32, #tpu.memory_space<vmem>>, vector<1x16xf32>,
      %get3A_686 = vector.shape_cast %get3A_685 : vector<1x16xf32> to vector<16xf32>
      %mul3A_687 = arith.mulf %get3A_686, %get3A_23 : vector<16xf32>
      %get3A_688 = arith.index_cast %scan3A_19 : i32 to index
      %get3A_689 = arith.constant 656 : index
      %get3A_690 = tpu.vector_load %arg13[%get3A_688, %get3A_689] {strides = array<i32>} : memref<64x768xf32, #tpu.memory_space<vmem>>, vector<1x16xf32>,
      %get3A_691 = vector.shape_cast %get3A_690 : vector<1x16xf32> to vector<16xf32>
      %mul3A_692 = arith.mulf %get3A_691, %get3A_27 : vector<16xf32>
      %add3A_693 = arith.addf %mul3A_687, %mul3A_692 : vector<16xf32>
      %swap3A_694 = arith.index_cast %scan3A_19 : i32 to index
      %swap3A_695 = arith.constant 656 : index
      %swap3A_696 = tpu.vector_load %arg12[%swap3A_694, %swap3A_695] {strides = array<i32>} : memref<64x768xf32, #tpu.memory_space<vmem>>, vector<1x16xf32>,
      %swap3A_697 = vector.shape_cast %swap3A_696 : vector<1x16xf32> to vector<16xf32>
      %swap3A_698 = vector.shape_cast %add3A_693 : vector<16xf32> to vector<1x16xf32>
      tpu.vector_store %arg12[%swap3A_694, %swap3A_695], %swap3A_698 {strides = array<i32>} : memref<64x768xf32, #tpu.memory_space<vmem>>, vector<1x16xf32>,
      %get3A_699 = arith.index_cast %scan3A_19 : i32 to index
      %get3A_700 = arith.constant 672 : index
      %get3A_701 = tpu.vector_load %arg12[%get3A_699, %get3A_700] {strides = array<i32>} : memref<64x768xf32, #tpu.memory_space<vmem>>, vector<1x16xf32>,
      %get3A_702 = vector.shape_cast %get3A_701 : vector<1x16xf32> to vector<16xf32>
      %mul3A_703 = arith.mulf %get3A_702, %get3A_23 : vector<16xf32>
      %get3A_704 = arith.index_cast %scan3A_19 : i32 to index
      %get3A_705 = arith.constant 672 : index
      %get3A_706 = tpu.vector_load %arg13[%get3A_704, %get3A_705] {strides = array<i32>} : memref<64x768xf32, #tpu.memory_space<vmem>>, vector<1x16xf32>,
      %get3A_707 = vector.shape_cast %get3A_706 : vector<1x16xf32> to vector<16xf32>
      %mul3A_708 = arith.mulf %get3A_707, %get3A_27 : vector<16xf32>
      %add3A_709 = arith.addf %mul3A_703, %mul3A_708 : vector<16xf32>
      %swap3A_710 = arith.index_cast %scan3A_19 : i32 to index
      %swap3A_711 = arith.constant 672 : index
      %swap3A_712 = tpu.vector_load %arg12[%swap3A_710, %swap3A_711] {strides = array<i32>} : memref<64x768xf32, #tpu.memory_space<vmem>>, vector<1x16xf32>,
      %swap3A_713 = vector.shape_cast %swap3A_712 : vector<1x16xf32> to vector<16xf32>
      %swap3A_714 = vector.shape_cast %add3A_709 : vector<16xf32> to vector<1x16xf32>
      tpu.vector_store %arg12[%swap3A_710, %swap3A_711], %swap3A_714 {strides = array<i32>} : memref<64x768xf32, #tpu.memory_space<vmem>>, vector<1x16xf32>,
      %get3A_715 = arith.index_cast %scan3A_19 : i32 to index
      %get3A_716 = arith.constant 688 : index
      %get3A_717 = tpu.vector_load %arg12[%get3A_715, %get3A_716] {strides = array<i32>} : memref<64x768xf32, #tpu.memory_space<vmem>>, vector<1x16xf32>,
      %get3A_718 = vector.shape_cast %get3A_717 : vector<1x16xf32> to vector<16xf32>
      %mul3A_719 = arith.mulf %get3A_718, %get3A_23 : vector<16xf32>
      %get3A_720 = arith.index_cast %scan3A_19 : i32 to index
      %get3A_721 = arith.constant 688 : index
      %get3A_722 = tpu.vector_load %arg13[%get3A_720, %get3A_721] {strides = array<i32>} : memref<64x768xf32, #tpu.memory_space<vmem>>, vector<1x16xf32>,
      %get3A_723 = vector.shape_cast %get3A_722 : vector<1x16xf32> to vector<16xf32>
      %mul3A_724 = arith.mulf %get3A_723, %get3A_27 : vector<16xf32>
      %add3A_725 = arith.addf %mul3A_719, %mul3A_724 : vector<16xf32>
      %swap3A_726 = arith.index_cast %scan3A_19 : i32 to index
      %swap3A_727 = arith.constant 688 : index
      %swap3A_728 = tpu.vector_load %arg12[%swap3A_726, %swap3A_727] {strides = array<i32>} : memref<64x768xf32, #tpu.memory_space<vmem>>, vector<1x16xf32>,
      %swap3A_729 = vector.shape_cast %swap3A_728 : vector<1x16xf32> to vector<16xf32>
      %swap3A_730 = vector.shape_cast %add3A_725 : vector<16xf32> to vector<1x16xf32>
      tpu.vector_store %arg12[%swap3A_726, %swap3A_727], %swap3A_730 {strides = array<i32>} : memref<64x768xf32, #tpu.memory_space<vmem>>, vector<1x16xf32>,
      %get3A_731 = arith.index_cast %scan3A_19 : i32 to index
      %get3A_732 = arith.constant 704 : index
      %get3A_733 = tpu.vector_load %arg12[%get3A_731, %get3A_732] {strides = array<i32>} : memref<64x768xf32, #tpu.memory_space<vmem>>, vector<1x16xf32>,
      %get3A_734 = vector.shape_cast %get3A_733 : vector<1x16xf32> to vector<16xf32>
      %mul3A_735 = arith.mulf %get3A_734, %get3A_23 : vector<16xf32>
      %get3A_736 = arith.index_cast %scan3A_19 : i32 to index
      %get3A_737 = arith.constant 704 : index
      %get3A_738 = tpu.vector_load %arg13[%get3A_736, %get3A_737] {strides = array<i32>} : memref<64x768xf32, #tpu.memory_space<vmem>>, vector<1x16xf32>,
      %get3A_739 = vector.shape_cast %get3A_738 : vector<1x16xf32> to vector<16xf32>
      %mul3A_740 = arith.mulf %get3A_739, %get3A_27 : vector<16xf32>
      %add3A_741 = arith.addf %mul3A_735, %mul3A_740 : vector<16xf32>
      %swap3A_742 = arith.index_cast %scan3A_19 : i32 to index
      %swap3A_743 = arith.constant 704 : index
      %swap3A_744 = tpu.vector_load %arg12[%swap3A_742, %swap3A_743] {strides = array<i32>} : memref<64x768xf32, #tpu.memory_space<vmem>>, vector<1x16xf32>,
      %swap3A_745 = vector.shape_cast %swap3A_744 : vector<1x16xf32> to vector<16xf32>
      %swap3A_746 = vector.shape_cast %add3A_741 : vector<16xf32> to vector<1x16xf32>
      tpu.vector_store %arg12[%swap3A_742, %swap3A_743], %swap3A_746 {strides = array<i32>} : memref<64x768xf32, #tpu.memory_space<vmem>>, vector<1x16xf32>,
      %get3A_747 = arith.index_cast %scan3A_19 : i32 to index
      %get3A_748 = arith.constant 720 : index
      %get3A_749 = tpu.vector_load %arg12[%get3A_747, %get3A_748] {strides = array<i32>} : memref<64x768xf32, #tpu.memory_space<vmem>>, vector<1x16xf32>,
      %get3A_750 = vector.shape_cast %get3A_749 : vector<1x16xf32> to vector<16xf32>
      %mul3A_751 = arith.mulf %get3A_750, %get3A_23 : vector<16xf32>
      %get3A_752 = arith.index_cast %scan3A_19 : i32 to index
      %get3A_753 = arith.constant 720 : index
      %get3A_754 = tpu.vector_load %arg13[%get3A_752, %get3A_753] {strides = array<i32>} : memref<64x768xf32, #tpu.memory_space<vmem>>, vector<1x16xf32>,
      %get3A_755 = vector.shape_cast %get3A_754 : vector<1x16xf32> to vector<16xf32>
      %mul3A_756 = arith.mulf %get3A_755, %get3A_27 : vector<16xf32>
      %add3A_757 = arith.addf %mul3A_751, %mul3A_756 : vector<16xf32>
      %swap3A_758 = arith.index_cast %scan3A_19 : i32 to index
      %swap3A_759 = arith.constant 720 : index
      %swap3A_760 = tpu.vector_load %arg12[%swap3A_758, %swap3A_759] {strides = array<i32>} : memref<64x768xf32, #tpu.memory_space<vmem>>, vector<1x16xf32>,
      %swap3A_761 = vector.shape_cast %swap3A_760 : vector<1x16xf32> to vector<16xf32>
      %swap3A_762 = vector.shape_cast %add3A_757 : vector<16xf32> to vector<1x16xf32>
      tpu.vector_store %arg12[%swap3A_758, %swap3A_759], %swap3A_762 {strides = array<i32>} : memref<64x768xf32, #tpu.memory_space<vmem>>, vector<1x16xf32>,
      %get3A_763 = arith.index_cast %scan3A_19 : i32 to index
      %get3A_764 = arith.constant 736 : index
      %get3A_765 = tpu.vector_load %arg12[%get3A_763, %get3A_764] {strides = array<i32>} : memref<64x768xf32, #tpu.memory_space<vmem>>, vector<1x16xf32>,
      %get3A_766 = vector.shape_cast %get3A_765 : vector<1x16xf32> to vector<16xf32>
      %mul3A_767 = arith.mulf %get3A_766, %get3A_23 : vector<16xf32>
      %get3A_768 = arith.index_cast %scan3A_19 : i32 to index
      %get3A_769 = arith.constant 736 : index
      %get3A_770 = tpu.vector_load %arg13[%get3A_768, %get3A_769] {strides = array<i32>} : memref<64x768xf32, #tpu.memory_space<vmem>>, vector<1x16xf32>,
      %get3A_771 = vector.shape_cast %get3A_770 : vector<1x16xf32> to vector<16xf32>
      %mul3A_772 = arith.mulf %get3A_771, %get3A_27 : vector<16xf32>
      %add3A_773 = arith.addf %mul3A_767, %mul3A_772 : vector<16xf32>
      %swap3A_774 = arith.index_cast %scan3A_19 : i32 to index
      %swap3A_775 = arith.constant 736 : index
      %swap3A_776 = tpu.vector_load %arg12[%swap3A_774, %swap3A_775] {strides = array<i32>} : memref<64x768xf32, #tpu.memory_space<vmem>>, vector<1x16xf32>,
      %swap3A_777 = vector.shape_cast %swap3A_776 : vector<1x16xf32> to vector<16xf32>
      %swap3A_778 = vector.shape_cast %add3A_773 : vector<16xf32> to vector<1x16xf32>
      tpu.vector_store %arg12[%swap3A_774, %swap3A_775], %swap3A_778 {strides = array<i32>} : memref<64x768xf32, #tpu.memory_space<vmem>>, vector<1x16xf32>,
      %get3A_779 = arith.index_cast %scan3A_19 : i32 to index
      %get3A_780 = arith.constant 752 : index
      %get3A_781 = tpu.vector_load %arg12[%get3A_779, %get3A_780] {strides = array<i32>} : memref<64x768xf32, #tpu.memory_space<vmem>>, vector<1x16xf32>,
      %get3A_782 = vector.shape_cast %get3A_781 : vector<1x16xf32> to vector<16xf32>
      %mul3A_783 = arith.mulf %get3A_782, %get3A_23 : vector<16xf32>
      %get3A_784 = arith.index_cast %scan3A_19 : i32 to index
      %get3A_785 = arith.constant 752 : index
      %get3A_786 = tpu.vector_load %arg13[%get3A_784, %get3A_785] {strides = array<i32>} : memref<64x768xf32, #tpu.memory_space<vmem>>, vector<1x16xf32>,
      %get3A_787 = vector.shape_cast %get3A_786 : vector<1x16xf32> to vector<16xf32>
      %mul3A_788 = arith.mulf %get3A_787, %get3A_27 : vector<16xf32>
      %add3A_789 = arith.addf %mul3A_783, %mul3A_788 : vector<16xf32>
      %swap3A_790 = arith.index_cast %scan3A_19 : i32 to index
      %swap3A_791 = arith.constant 752 : index
      %swap3A_792 = tpu.vector_load %arg12[%swap3A_790, %swap3A_791] {strides = array<i32>} : memref<64x768xf32, #tpu.memory_space<vmem>>, vector<1x16xf32>,
      %swap3A_793 = vector.shape_cast %swap3A_792 : vector<1x16xf32> to vector<16xf32>
      %swap3A_794 = vector.shape_cast %add3A_789 : vector<16xf32> to vector<1x16xf32>
      tpu.vector_store %arg12[%swap3A_790, %swap3A_791], %swap3A_794 {strides = array<i32>} : memref<64x768xf32, #tpu.memory_space<vmem>>, vector<1x16xf32>,
      %scan3A_795 = arith.constant 0 : i32
      scf.yield %scan3A_795 : i32
    }
    %scan3A_18 = arith.constant 64 : i32
    "tpu.region"() ({
      %run_scoped3A = tpu.sem_alloc : memref<!tpu.dma_semaphore, #tpu.memory_space<semaphore_mem>>
      %dma_start3A_19 = arith.constant 0 : i32
      %dma_start3A_20 = tpu.memref_slice %arg7[%mul3A_2, %dma_start3A_19] : memref<2048x768xf32, #tpu.memory_space<hbm>> -> memref<64x768xf32, #tpu.memory_space<hbm>>
      %dma_start3A_21 = arith.constant 0 : i32
      %dma_start3A_22 = tpu.memref_slice %arg7[%mul3A_2, %dma_start3A_21] : memref<2048x768xf32, #tpu.memory_space<hbm>> -> memref<64x768xf32, #tpu.memory_space<hbm>>
      tpu.enqueue_dma source(%arg12 : memref<64x768xf32, #tpu.memory_space<vmem>>) target(%dma_start3A_22 : memref<64x768xf32, #tpu.memory_space<hbm>>) target_semaphore(%run_scoped3A : memref<!tpu.dma_semaphore, #tpu.memory_space<semaphore_mem>>)
      %dma_wait3A_23 = arith.constant 0 : i32
      %dma_wait3A_24 = tpu.memref_slice %arg7[%mul3A_2, %dma_wait3A_23] : memref<2048x768xf32, #tpu.memory_space<hbm>> -> memref<64x768xf32, #tpu.memory_space<hbm>>
      %dma_wait3A_25 = arith.constant 0 : i32
      %dma_wait3A_26 = tpu.memref_slice %arg7[%mul3A_2, %dma_wait3A_25] : memref<2048x768xf32, #tpu.memory_space<hbm>> -> memref<64x768xf32, #tpu.memory_space<hbm>>
      tpu.wait_dma2 semaphore(%run_scoped3A : memref<!tpu.dma_semaphore, #tpu.memory_space<semaphore_mem>>) src(%arg12 : memref<64x768xf32, #tpu.memory_space<vmem>>) dst(%dma_wait3A_26 : memref<64x768xf32, #tpu.memory_space<hbm>>)
      tpu.yield
    }) : () -> ()
    return
  }
}

#map = affine_map<(d0, d1) -> (0, 0)>
#map1 = affine_map<(d0, d1) -> (0)>
module attributes {stable_mosaic.version = 14 : i64} {
  func.func @_dispatch_body(%arg0: i32, %arg1: i32, %arg2: memref<2048x768xf32, #tpu.memory_space<hbm>>, %arg3: memref<2048xi32, #tpu.memory_space<hbm>>, %arg4: memref<2048xi32, #tpu.memory_space<hbm>>, %arg5: memref<6144x768xf32, #tpu.memory_space<hbm>>, %arg6: memref<64xi32, #tpu.memory_space<vmem>>, %arg7: memref<64xi32, #tpu.memory_space<vmem>>, %arg8: memref<64x768xf32, #tpu.memory_space<vmem>>, %arg9: memref<!tpu.dma_semaphore, #tpu.memory_space<semaphore_mem>>) attributes {dimension_semantics = [#tpu.dimension_semantics<core_parallel>, #tpu.dimension_semantics<subcore_parallel>], iteration_bounds = array<i64: 2, 16>, scalar_prefetch = 0 : i64, scratch_operands = 4 : i64, tpu.core_type = #tpu.core_type<sc_vector_subcore>, window_params = [{transform_indices = #map}, {transform_indices = #map1}, {transform_indices = #map1}, {transform_indices = #map}]} {
    %mul3A = arith.constant 2 : i32
    %mul3A_0 = arith.muli %arg1, %mul3A : i32
    %add3A = arith.addi %mul3A_0, %arg0 : i32
    %mul3A_1 = arith.constant 64 : i32
    %mul3A_2 = arith.muli %add3A, %mul3A_1 : i32
    "tpu.region"() ({
      %run_scoped3A = tpu.sem_alloc : memref<!tpu.dma_semaphore, #tpu.memory_space<semaphore_mem>>
      %dma_start3A_13 = tpu.memref_slice %arg3[%mul3A_2] : memref<2048xi32, #tpu.memory_space<hbm>> -> memref<64xi32, #tpu.memory_space<hbm>>
      %dma_start3A_14 = tpu.memref_slice %arg3[%mul3A_2] : memref<2048xi32, #tpu.memory_space<hbm>> -> memref<64xi32, #tpu.memory_space<hbm>>
      tpu.enqueue_dma source(%dma_start3A_14 : memref<64xi32, #tpu.memory_space<hbm>>) target(%arg6 : memref<64xi32, #tpu.memory_space<vmem>>) target_semaphore(%run_scoped3A : memref<!tpu.dma_semaphore, #tpu.memory_space<semaphore_mem>>)
      %dma_wait3A_15 = tpu.memref_slice %arg3[%mul3A_2] : memref<2048xi32, #tpu.memory_space<hbm>> -> memref<64xi32, #tpu.memory_space<hbm>>
      %dma_wait3A_16 = tpu.memref_slice %arg3[%mul3A_2] : memref<2048xi32, #tpu.memory_space<hbm>> -> memref<64xi32, #tpu.memory_space<hbm>>
      tpu.wait_dma2 semaphore(%run_scoped3A : memref<!tpu.dma_semaphore, #tpu.memory_space<semaphore_mem>>) src(%dma_wait3A_16 : memref<64xi32, #tpu.memory_space<hbm>>) dst(%arg6 : memref<64xi32, #tpu.memory_space<vmem>>)
      tpu.yield
    }) : () -> ()
    "tpu.region"() ({
      %run_scoped3A = tpu.sem_alloc : memref<!tpu.dma_semaphore, #tpu.memory_space<semaphore_mem>>
      %dma_start3A_13 = tpu.memref_slice %arg4[%mul3A_2] : memref<2048xi32, #tpu.memory_space<hbm>> -> memref<64xi32, #tpu.memory_space<hbm>>
      %dma_start3A_14 = tpu.memref_slice %arg4[%mul3A_2] : memref<2048xi32, #tpu.memory_space<hbm>> -> memref<64xi32, #tpu.memory_space<hbm>>
      tpu.enqueue_dma source(%dma_start3A_14 : memref<64xi32, #tpu.memory_space<hbm>>) target(%arg7 : memref<64xi32, #tpu.memory_space<vmem>>) target_semaphore(%run_scoped3A : memref<!tpu.dma_semaphore, #tpu.memory_space<semaphore_mem>>)
      %dma_wait3A_15 = tpu.memref_slice %arg4[%mul3A_2] : memref<2048xi32, #tpu.memory_space<hbm>> -> memref<64xi32, #tpu.memory_space<hbm>>
      %dma_wait3A_16 = tpu.memref_slice %arg4[%mul3A_2] : memref<2048xi32, #tpu.memory_space<hbm>> -> memref<64xi32, #tpu.memory_space<hbm>>
      tpu.wait_dma2 semaphore(%run_scoped3A : memref<!tpu.dma_semaphore, #tpu.memory_space<semaphore_mem>>) src(%dma_wait3A_16 : memref<64xi32, #tpu.memory_space<hbm>>) dst(%arg7 : memref<64xi32, #tpu.memory_space<vmem>>)
      tpu.yield
    }) : () -> ()
    "tpu.region"() ({
      %run_scoped3A = tpu.sem_alloc : memref<!tpu.dma_semaphore, #tpu.memory_space<semaphore_mem>>
      %dma_start3A_13 = arith.constant 0 : i32
      %dma_start3A_14 = tpu.memref_slice %arg2[%mul3A_2, %dma_start3A_13] : memref<2048x768xf32, #tpu.memory_space<hbm>> -> memref<64x768xf32, #tpu.memory_space<hbm>>
      %dma_start3A_15 = arith.constant 0 : i32
      %dma_start3A_16 = tpu.memref_slice %arg2[%mul3A_2, %dma_start3A_15] : memref<2048x768xf32, #tpu.memory_space<hbm>> -> memref<64x768xf32, #tpu.memory_space<hbm>>
      tpu.enqueue_dma source(%dma_start3A_16 : memref<64x768xf32, #tpu.memory_space<hbm>>) target(%arg8 : memref<64x768xf32, #tpu.memory_space<vmem>>) target_semaphore(%run_scoped3A : memref<!tpu.dma_semaphore, #tpu.memory_space<semaphore_mem>>)
      %dma_wait3A_17 = arith.constant 0 : i32
      %dma_wait3A_18 = tpu.memref_slice %arg2[%mul3A_2, %dma_wait3A_17] : memref<2048x768xf32, #tpu.memory_space<hbm>> -> memref<64x768xf32, #tpu.memory_space<hbm>>
      %dma_wait3A_19 = arith.constant 0 : i32
      %dma_wait3A_20 = tpu.memref_slice %arg2[%mul3A_2, %dma_wait3A_19] : memref<2048x768xf32, #tpu.memory_space<hbm>> -> memref<64x768xf32, #tpu.memory_space<hbm>>
      tpu.wait_dma2 semaphore(%run_scoped3A : memref<!tpu.dma_semaphore, #tpu.memory_space<semaphore_mem>>) src(%dma_wait3A_20 : memref<64x768xf32, #tpu.memory_space<hbm>>) dst(%arg8 : memref<64x768xf32, #tpu.memory_space<vmem>>)
      tpu.yield
    }) : () -> ()
    %dma_start3A = arith.constant 0 : i32
    %dma_start3A_3 = arith.constant 0 : i32
    %dma_start3A_4 = tpu.memref_slice %arg5[%dma_start3A, %dma_start3A_3] : memref<6144x768xf32, #tpu.memory_space<hbm>> -> memref<6144x768xf32, #tpu.memory_space<hbm>>
    tpu.enqueue_indirect_dma source(%arg8 : memref<64x768xf32, #tpu.memory_space<vmem>>) target(%dma_start3A_4 : memref<6144x768xf32, #tpu.memory_space<hbm>>) offsets(%arg6 : memref<64xi32, #tpu.memory_space<vmem>>) semaphore(%arg9 : memref<!tpu.dma_semaphore, #tpu.memory_space<semaphore_mem>>)
    %dma_start3A_5 = arith.constant 0 : i32
    %dma_start3A_6 = arith.constant 0 : i32
    %dma_start3A_7 = tpu.memref_slice %arg5[%dma_start3A_5, %dma_start3A_6] : memref<6144x768xf32, #tpu.memory_space<hbm>> -> memref<6144x768xf32, #tpu.memory_space<hbm>>
    tpu.enqueue_indirect_dma source(%arg8 : memref<64x768xf32, #tpu.memory_space<vmem>>) target(%dma_start3A_7 : memref<6144x768xf32, #tpu.memory_space<hbm>>) offsets(%arg7 : memref<64xi32, #tpu.memory_space<vmem>>) semaphore(%arg9 : memref<!tpu.dma_semaphore, #tpu.memory_space<semaphore_mem>>)
    %dma_wait3A = arith.constant 0 : i32
    %dma_wait3A_8 = arith.constant 0 : i32
    %dma_wait3A_9 = tpu.memref_slice %arg5[%dma_wait3A, %dma_wait3A_8] : memref<6144x768xf32, #tpu.memory_space<hbm>> -> memref<6144x768xf32, #tpu.memory_space<hbm>>
    tpu.wait_indirect_dma semaphore(%arg9 : memref<!tpu.dma_semaphore, #tpu.memory_space<semaphore_mem>>) src(%arg8 : memref<64x768xf32, #tpu.memory_space<vmem>>) dst(%dma_wait3A_9 : memref<6144x768xf32, #tpu.memory_space<hbm>>)
    %dma_wait3A_10 = arith.constant 0 : i32
    %dma_wait3A_11 = arith.constant 0 : i32
    %dma_wait3A_12 = tpu.memref_slice %arg5[%dma_wait3A_10, %dma_wait3A_11] : memref<6144x768xf32, #tpu.memory_space<hbm>> -> memref<6144x768xf32, #tpu.memory_space<hbm>>
    tpu.wait_indirect_dma semaphore(%arg9 : memref<!tpu.dma_semaphore, #tpu.memory_space<semaphore_mem>>) src(%arg8 : memref<64x768xf32, #tpu.memory_space<vmem>>) dst(%dma_wait3A_12 : memref<6144x768xf32, #tpu.memory_space<hbm>>)
    return
  }
}

module attributes {stable_mosaic.version = 14 : i64} {
  func.func @_ffn_body(%arg0: i32, %arg1: memref<24x3xi32, #tpu.memory_space<smem>>, %arg2: memref<256x768xf32, #tpu.memory_space<vmem>>, %arg3: memref<8x3072x768xf32, #tpu.memory_space<any>>, %arg4: memref<8x3072x768xf32, #tpu.memory_space<any>>, %arg5: memref<8x768x3072xf32, #tpu.memory_space<any>>, %arg6: memref<256x768xf32, #tpu.memory_space<vmem>>, %arg7: memref<3072x768xf32, #tpu.memory_space<vmem>>, %arg8: memref<3072x768xf32, #tpu.memory_space<vmem>>, %arg9: memref<768x3072xf32, #tpu.memory_space<vmem>>, %arg10: memref<3072x768xbf16, #tpu.memory_space<vmem>>, %arg11: memref<3072x768xbf16, #tpu.memory_space<vmem>>, %arg12: memref<768x3072xbf16, #tpu.memory_space<vmem>>, %arg13: memref<!tpu.dma_semaphore, #tpu.memory_space<semaphore_mem>>, %arg14: memref<!tpu.dma_semaphore, #tpu.memory_space<semaphore_mem>>, %arg15: memref<!tpu.dma_semaphore, #tpu.memory_space<semaphore_mem>>) attributes {dimension_semantics = [#tpu.dimension_semantics<arbitrary>], iteration_bounds = array<i64: 24>, scalar_prefetch = 1 : i64, scratch_operands = 9 : i64, tpu.core_type = #tpu.core_type<tc>, window_params = [{transform_indices = @transform_0, window_bounds = array<i64: 256, 768>}, {}, {}, {}, {transform_indices = @transform_4, window_bounds = array<i64: 256, 768>}]} {
    %get3A = arith.index_cast %arg0 : i32 to index
    %get3A_0 = arith.constant 0 : index
    %get3A_1 = memref.load %arg1[%get3A, %get3A_0] : memref<24x3xi32, #tpu.memory_space<smem>>
    %sub3A = arith.constant 1 : i32
    %sub3A_2 = arith.subi %arg0, %sub3A : i32
    %max3A = arith.constant 0 : i32
    %max3A_3 = arith.maxsi %sub3A_2, %max3A : i32
    %get3A_4 = arith.index_cast %max3A_3 : i32 to index
    %get3A_5 = arith.constant 0 : index
    %get3A_6 = memref.load %arg1[%get3A_4, %get3A_5] : memref<24x3xi32, #tpu.memory_space<smem>>
    %get3A_7 = arith.index_cast %arg0 : i32 to index
    %get3A_8 = arith.constant 1 : index
    %get3A_9 = memref.load %arg1[%get3A_7, %get3A_8] : memref<24x3xi32, #tpu.memory_space<smem>>
    %eq3A = arith.constant 0 : i32
    %eq3A_10 = arith.cmpi eq, %arg0, %eq3A : i32
    %ne3A = arith.cmpi ne, %get3A_1, %get3A_6 : i32
    %or3A = arith.ori %eq3A_10, %ne3A : i1
    %eq3A_11 = arith.constant 0 : i32
    %eq3A_12 = arith.cmpi eq, %arg0, %eq3A_11 : i32
    %convert_element_type3A = arith.extui %eq3A_12 : i1 to i32
    %cond3A = arith.constant 0 : i32
    %cond3A_13 = arith.cmpi ne, %convert_element_type3A, %cond3A : i32
    scf.if %cond3A_13 {
      %dma_start3A = arith.constant 0 : i32
      %dma_start3A_23 = arith.constant 0 : i32
      %dma_start3A_24 = tpu.memref_slice %arg3[%get3A_1, %dma_start3A, %dma_start3A_23] : memref<8x3072x768xf32, #tpu.memory_space<any>> -> memref<1x3072x768xf32, #tpu.memory_space<any>>
      %dma_start3A_25 = tpu.memref_squeeze %dma_start3A_24 : memref<1x3072x768xf32, #tpu.memory_space<any>> -> memref<3072x768xf32, #tpu.memory_space<any>>
      tpu.enqueue_dma source(%dma_start3A_25 : memref<3072x768xf32, #tpu.memory_space<any>>) target(%arg7 : memref<3072x768xf32, #tpu.memory_space<vmem>>) target_semaphore(%arg13 : memref<!tpu.dma_semaphore, #tpu.memory_space<semaphore_mem>>)
      %dma_start3A_26 = arith.constant 0 : i32
      %dma_start3A_27 = arith.constant 0 : i32
      %dma_start3A_28 = tpu.memref_slice %arg4[%get3A_1, %dma_start3A_26, %dma_start3A_27] : memref<8x3072x768xf32, #tpu.memory_space<any>> -> memref<1x3072x768xf32, #tpu.memory_space<any>>
      %dma_start3A_29 = tpu.memref_squeeze %dma_start3A_28 : memref<1x3072x768xf32, #tpu.memory_space<any>> -> memref<3072x768xf32, #tpu.memory_space<any>>
      tpu.enqueue_dma source(%dma_start3A_29 : memref<3072x768xf32, #tpu.memory_space<any>>) target(%arg8 : memref<3072x768xf32, #tpu.memory_space<vmem>>) target_semaphore(%arg14 : memref<!tpu.dma_semaphore, #tpu.memory_space<semaphore_mem>>)
      %dma_start3A_30 = arith.constant 0 : i32
      %dma_start3A_31 = arith.constant 0 : i32
      %dma_start3A_32 = tpu.memref_slice %arg5[%get3A_1, %dma_start3A_30, %dma_start3A_31] : memref<8x768x3072xf32, #tpu.memory_space<any>> -> memref<1x768x3072xf32, #tpu.memory_space<any>>
      %dma_start3A_33 = tpu.memref_squeeze %dma_start3A_32 : memref<1x768x3072xf32, #tpu.memory_space<any>> -> memref<768x3072xf32, #tpu.memory_space<any>>
      tpu.enqueue_dma source(%dma_start3A_33 : memref<768x3072xf32, #tpu.memory_space<any>>) target(%arg9 : memref<768x3072xf32, #tpu.memory_space<vmem>>) target_semaphore(%arg15 : memref<!tpu.dma_semaphore, #tpu.memory_space<semaphore_mem>>)
    } else {
    }
    %convert_element_type3A_14 = arith.extui %or3A : i1 to i32
    %cond3A_15 = arith.constant 0 : i32
    %cond3A_16 = arith.cmpi ne, %convert_element_type3A_14, %cond3A_15 : i32
    scf.if %cond3A_16 {
      %dma_wait3A = arith.constant 0 : i32
      %dma_wait3A_23 = arith.constant 0 : i32
      %dma_wait3A_24 = arith.constant 0 : i32
      %dma_wait3A_25 = tpu.memref_slice %arg3[%dma_wait3A, %dma_wait3A_23, %dma_wait3A_24] : memref<8x3072x768xf32, #tpu.memory_space<any>> -> memref<1x3072x768xf32, #tpu.memory_space<any>>
      %dma_wait3A_26 = tpu.memref_squeeze %dma_wait3A_25 : memref<1x3072x768xf32, #tpu.memory_space<any>> -> memref<3072x768xf32, #tpu.memory_space<any>>
      tpu.wait_dma2 semaphore(%arg13 : memref<!tpu.dma_semaphore, #tpu.memory_space<semaphore_mem>>) src(%dma_wait3A_26 : memref<3072x768xf32, #tpu.memory_space<any>>) dst(%arg7 : memref<3072x768xf32, #tpu.memory_space<vmem>>)
      %dma_wait3A_27 = arith.constant 0 : i32
      %dma_wait3A_28 = arith.constant 0 : i32
      %dma_wait3A_29 = arith.constant 0 : i32
      %dma_wait3A_30 = tpu.memref_slice %arg4[%dma_wait3A_27, %dma_wait3A_28, %dma_wait3A_29] : memref<8x3072x768xf32, #tpu.memory_space<any>> -> memref<1x3072x768xf32, #tpu.memory_space<any>>
      %dma_wait3A_31 = tpu.memref_squeeze %dma_wait3A_30 : memref<1x3072x768xf32, #tpu.memory_space<any>> -> memref<3072x768xf32, #tpu.memory_space<any>>
      tpu.wait_dma2 semaphore(%arg14 : memref<!tpu.dma_semaphore, #tpu.memory_space<semaphore_mem>>) src(%dma_wait3A_31 : memref<3072x768xf32, #tpu.memory_space<any>>) dst(%arg8 : memref<3072x768xf32, #tpu.memory_space<vmem>>)
      %dma_wait3A_32 = arith.constant 0 : i32
      %dma_wait3A_33 = arith.constant 0 : i32
      %dma_wait3A_34 = arith.constant 0 : i32
      %dma_wait3A_35 = tpu.memref_slice %arg5[%dma_wait3A_32, %dma_wait3A_33, %dma_wait3A_34] : memref<8x768x3072xf32, #tpu.memory_space<any>> -> memref<1x768x3072xf32, #tpu.memory_space<any>>
      %dma_wait3A_36 = tpu.memref_squeeze %dma_wait3A_35 : memref<1x768x3072xf32, #tpu.memory_space<any>> -> memref<768x3072xf32, #tpu.memory_space<any>>
      tpu.wait_dma2 semaphore(%arg15 : memref<!tpu.dma_semaphore, #tpu.memory_space<semaphore_mem>>) src(%dma_wait3A_36 : memref<768x3072xf32, #tpu.memory_space<any>>) dst(%arg9 : memref<768x3072xf32, #tpu.memory_space<vmem>>)
      %get3A_37 = arith.constant 0 : index
      %get3A_38 = arith.constant 0 : index
      %get3A_39 = vector.load %arg7[%get3A_37, %get3A_38] : memref<3072x768xf32, #tpu.memory_space<vmem>>, vector<3072x768xf32>
      %convert_element_type3A_40 = arith.truncf %get3A_39 : vector<3072x768xf32> to vector<3072x768xbf16>
      %swap3A = arith.constant 0 : index
      %swap3A_41 = arith.constant 0 : index
      %swap3A_42 = vector.load %arg10[%swap3A, %swap3A_41] : memref<3072x768xbf16, #tpu.memory_space<vmem>>, vector<3072x768xbf16>
      tpu.vector_store %arg10[%swap3A, %swap3A_41], %convert_element_type3A_40 {strides = array<i32>} : memref<3072x768xbf16, #tpu.memory_space<vmem>>, vector<3072x768xbf16>,
      %get3A_43 = arith.constant 0 : index
      %get3A_44 = arith.constant 0 : index
      %get3A_45 = vector.load %arg8[%get3A_43, %get3A_44] : memref<3072x768xf32, #tpu.memory_space<vmem>>, vector<3072x768xf32>
      %convert_element_type3A_46 = arith.truncf %get3A_45 : vector<3072x768xf32> to vector<3072x768xbf16>
      %swap3A_47 = arith.constant 0 : index
      %swap3A_48 = arith.constant 0 : index
      %swap3A_49 = vector.load %arg11[%swap3A_47, %swap3A_48] : memref<3072x768xbf16, #tpu.memory_space<vmem>>, vector<3072x768xbf16>
      tpu.vector_store %arg11[%swap3A_47, %swap3A_48], %convert_element_type3A_46 {strides = array<i32>} : memref<3072x768xbf16, #tpu.memory_space<vmem>>, vector<3072x768xbf16>,
      %get3A_50 = arith.constant 0 : index
      %get3A_51 = arith.constant 0 : index
      %get3A_52 = vector.load %arg9[%get3A_50, %get3A_51] : memref<768x3072xf32, #tpu.memory_space<vmem>>, vector<768x3072xf32>
      %convert_element_type3A_53 = arith.truncf %get3A_52 : vector<768x3072xf32> to vector<768x3072xbf16>
      %swap3A_54 = arith.constant 0 : index
      %swap3A_55 = arith.constant 0 : index
      %swap3A_56 = vector.load %arg12[%swap3A_54, %swap3A_55] : memref<768x3072xbf16, #tpu.memory_space<vmem>>, vector<768x3072xbf16>
      tpu.vector_store %arg12[%swap3A_54, %swap3A_55], %convert_element_type3A_53 {strides = array<i32>} : memref<768x3072xbf16, #tpu.memory_space<vmem>>, vector<768x3072xbf16>,
      %ne3A_57 = arith.cmpi ne, %get3A_9, %get3A_1 : i32
      %convert_element_type3A_58 = arith.extui %ne3A_57 : i1 to i32
      %cond3A_59 = arith.constant 0 : i32
      %cond3A_60 = arith.cmpi ne, %convert_element_type3A_58, %cond3A_59 : i32
      scf.if %cond3A_60 {
        %dma_start3A = arith.constant 0 : i32
        %dma_start3A_61 = arith.constant 0 : i32
        %dma_start3A_62 = tpu.memref_slice %arg3[%get3A_9, %dma_start3A, %dma_start3A_61] : memref<8x3072x768xf32, #tpu.memory_space<any>> -> memref<1x3072x768xf32, #tpu.memory_space<any>>
        %dma_start3A_63 = tpu.memref_squeeze %dma_start3A_62 : memref<1x3072x768xf32, #tpu.memory_space<any>> -> memref<3072x768xf32, #tpu.memory_space<any>>
        tpu.enqueue_dma source(%dma_start3A_63 : memref<3072x768xf32, #tpu.memory_space<any>>) target(%arg7 : memref<3072x768xf32, #tpu.memory_space<vmem>>) target_semaphore(%arg13 : memref<!tpu.dma_semaphore, #tpu.memory_space<semaphore_mem>>)
        %dma_start3A_64 = arith.constant 0 : i32
        %dma_start3A_65 = arith.constant 0 : i32
        %dma_start3A_66 = tpu.memref_slice %arg4[%get3A_9, %dma_start3A_64, %dma_start3A_65] : memref<8x3072x768xf32, #tpu.memory_space<any>> -> memref<1x3072x768xf32, #tpu.memory_space<any>>
        %dma_start3A_67 = tpu.memref_squeeze %dma_start3A_66 : memref<1x3072x768xf32, #tpu.memory_space<any>> -> memref<3072x768xf32, #tpu.memory_space<any>>
        tpu.enqueue_dma source(%dma_start3A_67 : memref<3072x768xf32, #tpu.memory_space<any>>) target(%arg8 : memref<3072x768xf32, #tpu.memory_space<vmem>>) target_semaphore(%arg14 : memref<!tpu.dma_semaphore, #tpu.memory_space<semaphore_mem>>)
        %dma_start3A_68 = arith.constant 0 : i32
        %dma_start3A_69 = arith.constant 0 : i32
        %dma_start3A_70 = tpu.memref_slice %arg5[%get3A_9, %dma_start3A_68, %dma_start3A_69] : memref<8x768x3072xf32, #tpu.memory_space<any>> -> memref<1x768x3072xf32, #tpu.memory_space<any>>
        %dma_start3A_71 = tpu.memref_squeeze %dma_start3A_70 : memref<1x768x3072xf32, #tpu.memory_space<any>> -> memref<768x3072xf32, #tpu.memory_space<any>>
        tpu.enqueue_dma source(%dma_start3A_71 : memref<768x3072xf32, #tpu.memory_space<any>>) target(%arg9 : memref<768x3072xf32, #tpu.memory_space<vmem>>) target_semaphore(%arg15 : memref<!tpu.dma_semaphore, #tpu.memory_space<semaphore_mem>>)
      } else {
      }
    } else {
    }
    %get3A_17 = arith.index_cast %arg0 : i32 to index
    %get3A_18 = arith.constant 2 : index
    %get3A_19 = memref.load %arg1[%get3A_17, %get3A_18] : memref<24x3xi32, #tpu.memory_space<smem>>
    %lt3A = arith.cmpi slt, %arg0, %get3A_19 : i32
    %convert_element_type3A_20 = arith.extui %lt3A : i1 to i32
    %cond3A_21 = arith.constant 0 : i32
    %cond3A_22 = arith.cmpi ne, %convert_element_type3A_20, %cond3A_21 : i32
    scf.if %cond3A_22 {
      %get3A_23 = arith.constant 0 : index
      %get3A_24 = arith.constant 0 : index
      %get3A_25 = vector.load %arg2[%get3A_23, %get3A_24] : memref<256x768xf32, #tpu.memory_space<vmem>>, vector<256x768xf32>
      %convert_element_type3A_26 = arith.truncf %get3A_25 : vector<256x768xf32> to vector<256x768xbf16>
      %get3A_27 = arith.constant 0 : index
      %get3A_28 = arith.constant 0 : index
      %get3A_29 = vector.load %arg10[%get3A_27, %get3A_28] : memref<3072x768xbf16, #tpu.memory_space<vmem>>, vector<3072x768xbf16>
      %dot_general3A = arith.constant dense<0.000000e+00> : vector<256x3072xf32>
      %dot_general3A_30 = tpu.matmul %convert_element_type3A_26, %get3A_29, %dot_general3A {dimension_numbers = #tpu.dot_dimension_numbers<[1], [1], [0], [0], [0, 0, 1, 0], [], []>, transpose_lhs_hint = false} : vector<256x768xbf16>, vector<3072x768xbf16>, vector<256x3072xf32> -> vector<256x3072xf32>
      %get3A_31 = arith.constant 0 : index
      %get3A_32 = arith.constant 0 : index
      %get3A_33 = vector.load %arg11[%get3A_31, %get3A_32] : memref<3072x768xbf16, #tpu.memory_space<vmem>>, vector<3072x768xbf16>
      %dot_general3A_34 = arith.constant dense<0.000000e+00> : vector<256x3072xf32>
      %dot_general3A_35 = tpu.matmul %convert_element_type3A_26, %get3A_33, %dot_general3A_34 {dimension_numbers = #tpu.dot_dimension_numbers<[1], [1], [0], [0], [0, 0, 1, 0], [], []>, transpose_lhs_hint = false} : vector<256x768xbf16>, vector<3072x768xbf16>, vector<256x3072xf32> -> vector<256x3072xf32>
      %neg3A = arith.constant 0.000000e+00 : f32
      %neg3A_36 = vector.broadcast %neg3A : f32 to vector<256x3072xf32>
      %neg3A_37 = arith.subf %neg3A_36, %dot_general3A_30 : vector<256x3072xf32>
      %exp3A = math.exp %neg3A_37 : vector<256x3072xf32>
      %add3A = arith.constant 1.000000e+00 : f32
      %add3A_38 = vector.broadcast %add3A : f32 to vector<256x3072xf32>
      %add3A_39 = arith.addf %add3A_38, %exp3A : vector<256x3072xf32>
      %div3A = arith.divf %dot_general3A_30, %add3A_39 : vector<256x3072xf32>
      %mul3A = arith.mulf %div3A, %dot_general3A_35 : vector<256x3072xf32>
      %convert_element_type3A_40 = arith.truncf %mul3A : vector<256x3072xf32> to vector<256x3072xbf16>
      %get3A_41 = arith.constant 0 : index
      %get3A_42 = arith.constant 0 : index
      %get3A_43 = vector.load %arg12[%get3A_41, %get3A_42] : memref<768x3072xbf16, #tpu.memory_space<vmem>>, vector<768x3072xbf16>
      %dot_general3A_44 = arith.constant dense<0.000000e+00> : vector<256x768xf32>
      %dot_general3A_45 = tpu.matmul %convert_element_type3A_40, %get3A_43, %dot_general3A_44 {dimension_numbers = #tpu.dot_dimension_numbers<[1], [1], [0], [0], [0, 0, 1, 0], [], []>, transpose_lhs_hint = false} : vector<256x3072xbf16>, vector<768x3072xbf16>, vector<256x768xf32> -> vector<256x768xf32>
      %swap3A = arith.constant 0 : index
      %swap3A_46 = arith.constant 0 : index
      %swap3A_47 = vector.load %arg6[%swap3A, %swap3A_46] : memref<256x768xf32, #tpu.memory_space<vmem>>, vector<256x768xf32>
      tpu.vector_store %arg6[%swap3A, %swap3A_46], %dot_general3A_45 {strides = array<i32>} : memref<256x768xf32, #tpu.memory_space<vmem>>, vector<256x768xf32>,
    } else {
    }
    return
  }
  func.func @transform_0(%arg0: i32, %arg1: memref<24x3xi32, #tpu.memory_space<smem>>) -> (i32, i32) {
    %c0_i32 = arith.constant 0 : i32
    %c0_i32_0 = arith.constant 0 : i32
    return %arg0, %c0_i32 : i32, i32
  }
  func.func @transform_4(%arg0: i32, %arg1: memref<24x3xi32, #tpu.memory_space<smem>>) -> (i32, i32) {
    %c0_i32 = arith.constant 0 : i32
    %c0_i32_0 = arith.constant 0 : i32
    return %arg0, %c0_i32 : i32, i32
  }
}

module attributes {stable_mosaic.version = 14 : i64} {
  func.func @_gate_body(%arg0: memref<2048x768xf32, #tpu.memory_space<vmem>>, %arg1: memref<8x768xf32, #tpu.memory_space<vmem>>, %arg2: memref<2048x1xi32, #tpu.memory_space<vmem>>, %arg3: memref<2048x1xi32, #tpu.memory_space<vmem>>, %arg4: memref<2048x16xf32, #tpu.memory_space<vmem>>, %arg5: memref<2048x16xf32, #tpu.memory_space<vmem>>, %arg6: memref<24x3xi32, #tpu.memory_space<vmem>>) attributes {dimension_semantics = [], scalar_prefetch = 0 : i64, scratch_operands = 0 : i64, tpu.core_type = #tpu.core_type<tc>} {
    %get3A = arith.constant 0 : index
    %get3A_0 = arith.constant 0 : index
    %get3A_1 = vector.load %arg0[%get3A, %get3A_0] : memref<2048x768xf32, #tpu.memory_space<vmem>>, vector<2048x768xf32>
    %get3A_2 = arith.constant 0 : index
    %get3A_3 = arith.constant 0 : index
    %get3A_4 = vector.load %arg1[%get3A_2, %get3A_3] : memref<8x768xf32, #tpu.memory_space<vmem>>, vector<8x768xf32>
    %dot_general3A = arith.constant dense<0.000000e+00> : vector<2048x8xf32>
    %dot_general3A_5 = tpu.matmul %get3A_1, %get3A_4, %dot_general3A {dimension_numbers = #tpu.dot_dimension_numbers<[1], [1], [0], [0], [0, 0, 1, 0], [], []>, transpose_lhs_hint = false} : vector<2048x768xf32>, vector<8x768xf32>, vector<2048x8xf32> -> vector<2048x8xf32>
    %iota3A = tpu.iota {dimensions = array<i32: 1>} : vector<2048x8xi32>
    %reduce_max3A = arith.constant dense<0xFF800000> : vector<2048xf32>
    %reduce_max3A_6 = vector.multi_reduction <maximumf>, %dot_general3A_5, %reduce_max3A [1] : vector<2048x8xf32> to vector<2048xf32>
    %broadcast_in_dim3A = vector.shape_cast %reduce_max3A_6 : vector<2048xf32> to vector<2048x1xf32>
    %eq3A = vector.broadcast %broadcast_in_dim3A : vector<2048x1xf32> to vector<2048x8xf32>
    %eq3A_7 = arith.cmpf oeq, %dot_general3A_5, %eq3A : vector<2048x8xf32>
    %jit3A = arith.constant 8 : i32
    %broadcast_in_dim3A_8 = vector.broadcast %jit3A : i32 to vector<2048x8xi32>
    %select_n3A = arith.select %eq3A_7, %iota3A, %broadcast_in_dim3A_8 : vector<2048x8xi1>, vector<2048x8xi32>
    %reduce_min3A = arith.constant dense<2147483647> : vector<2048xi32>
    %reduce_min3A_9 = vector.multi_reduction <minsi>, %select_n3A, %reduce_min3A [1] : vector<2048x8xi32> to vector<2048xi32>
    %broadcast_in_dim3A_10 = vector.shape_cast %reduce_min3A_9 : vector<2048xi32> to vector<2048x1xi32>
    %eq3A_11 = vector.broadcast %broadcast_in_dim3A_10 : vector<2048x1xi32> to vector<2048x8xi32>
    %eq3A_12 = arith.cmpi eq, %iota3A, %eq3A_11 : vector<2048x8xi32>
    %jit3A_13 = arith.constant 0xFF800000 : f32
    %broadcast_in_dim3A_14 = vector.broadcast %jit3A_13 : f32 to vector<2048x8xf32>
    %select_n3A_15 = arith.select %eq3A_12, %broadcast_in_dim3A_14, %dot_general3A_5 : vector<2048x8xi1>, vector<2048x8xf32>
    %reduce_max3A_16 = arith.constant dense<0xFF800000> : vector<2048xf32>
    %reduce_max3A_17 = vector.multi_reduction <maximumf>, %select_n3A_15, %reduce_max3A_16 [1] : vector<2048x8xf32> to vector<2048xf32>
    %broadcast_in_dim3A_18 = vector.shape_cast %reduce_max3A_17 : vector<2048xf32> to vector<2048x1xf32>
    %eq3A_19 = vector.broadcast %broadcast_in_dim3A_18 : vector<2048x1xf32> to vector<2048x8xf32>
    %eq3A_20 = arith.cmpf oeq, %select_n3A_15, %eq3A_19 : vector<2048x8xf32>
    %jit3A_21 = arith.constant 8 : i32
    %broadcast_in_dim3A_22 = vector.broadcast %jit3A_21 : i32 to vector<2048x8xi32>
    %select_n3A_23 = arith.select %eq3A_20, %iota3A, %broadcast_in_dim3A_22 : vector<2048x8xi1>, vector<2048x8xi32>
    %reduce_min3A_24 = arith.constant dense<2147483647> : vector<2048xi32>
    %reduce_min3A_25 = vector.multi_reduction <minsi>, %select_n3A_23, %reduce_min3A_24 [1] : vector<2048x8xi32> to vector<2048xi32>
    %broadcast_in_dim3A_26 = vector.shape_cast %reduce_min3A_25 : vector<2048xi32> to vector<2048x1xi32>
    %sub3A = arith.subf %broadcast_in_dim3A_18, %broadcast_in_dim3A : vector<2048x1xf32>
    %exp3A = math.exp %sub3A : vector<2048x1xf32>
    %add3A = arith.constant 1.000000e+00 : f32
    %add3A_27 = vector.broadcast %add3A : f32 to vector<2048x1xf32>
    %add3A_28 = arith.addf %add3A_27, %exp3A : vector<2048x1xf32>
    %div3A = arith.constant 1.000000e+00 : f32
    %div3A_29 = vector.broadcast %div3A : f32 to vector<2048x1xf32>
    %div3A_30 = arith.divf %div3A_29, %add3A_28 : vector<2048x1xf32>
    %broadcast_in_dim3A_31 = vector.shape_cast %div3A_30 : vector<2048x1xf32> to vector<2048x1xf32>
    %broadcast_in_dim3A_32 = vector.broadcast %broadcast_in_dim3A_31 : vector<2048x1xf32> to vector<2048x16xf32>
    %swap3A = arith.constant 0 : index
    %swap3A_33 = arith.constant 0 : index
    %swap3A_34 = vector.load %arg4[%swap3A, %swap3A_33] : memref<2048x16xf32, #tpu.memory_space<vmem>>, vector<2048x16xf32>
    tpu.vector_store %arg4[%swap3A, %swap3A_33], %broadcast_in_dim3A_32 {strides = array<i32>} : memref<2048x16xf32, #tpu.memory_space<vmem>>, vector<2048x16xf32>,
    %sub3A_35 = arith.constant 1.000000e+00 : f32
    %sub3A_36 = vector.broadcast %sub3A_35 : f32 to vector<2048x1xf32>
    %sub3A_37 = arith.subf %sub3A_36, %div3A_30 : vector<2048x1xf32>
    %broadcast_in_dim3A_38 = vector.shape_cast %sub3A_37 : vector<2048x1xf32> to vector<2048x1xf32>
    %broadcast_in_dim3A_39 = vector.broadcast %broadcast_in_dim3A_38 : vector<2048x1xf32> to vector<2048x16xf32>
    %swap3A_40 = arith.constant 0 : index
    %swap3A_41 = arith.constant 0 : index
    %swap3A_42 = vector.load %arg5[%swap3A_40, %swap3A_41] : memref<2048x16xf32, #tpu.memory_space<vmem>>, vector<2048x16xf32>
    tpu.vector_store %arg5[%swap3A_40, %swap3A_41], %broadcast_in_dim3A_39 {strides = array<i32>} : memref<2048x16xf32, #tpu.memory_space<vmem>>, vector<2048x16xf32>,
    %eq3A_43 = vector.broadcast %broadcast_in_dim3A_10 : vector<2048x1xi32> to vector<2048x8xi32>
    %eq3A_44 = arith.cmpi eq, %iota3A, %eq3A_43 : vector<2048x8xi32>
    %convert_element_type3A = arith.extui %eq3A_44 : vector<2048x8xi1> to vector<2048x8xi32>
    %convert_element_type3A_45 = arith.sitofp %convert_element_type3A : vector<2048x8xi32> to vector<2048x8xf32>
    %eq3A_46 = vector.broadcast %broadcast_in_dim3A_26 : vector<2048x1xi32> to vector<2048x8xi32>
    %eq3A_47 = arith.cmpi eq, %iota3A, %eq3A_46 : vector<2048x8xi32>
    %convert_element_type3A_48 = arith.extui %eq3A_47 : vector<2048x8xi1> to vector<2048x8xi32>
    %convert_element_type3A_49 = arith.sitofp %convert_element_type3A_48 : vector<2048x8xi32> to vector<2048x8xf32>
    %concatenate3A = tpu.concatenate %convert_element_type3A_45, %convert_element_type3A_49 in 1 : vector<2048x8xf32>, vector<2048x8xf32> -> vector<2048x16xf32>
    %iota3A_50 = tpu.iota {dimensions = array<i32: 0>} : vector<2048x2048xi32>
    %iota3A_51 = tpu.iota {dimensions = array<i32: 1>} : vector<2048x2048xi32>
    %ge3A = arith.cmpi sge, %iota3A_50, %iota3A_51 : vector<2048x2048xi32>
    %convert_element_type3A_52 = arith.extui %ge3A : vector<2048x2048xi1> to vector<2048x2048xi32>
    %convert_element_type3A_53 = arith.sitofp %convert_element_type3A_52 : vector<2048x2048xi32> to vector<2048x2048xf32>
    %dot_general3A_54 = arith.constant dense<0.000000e+00> : vector<2048x16xf32>
    %dot_general3A_55 = tpu.matmul %convert_element_type3A_53, %concatenate3A, %dot_general3A_54 {dimension_numbers = #tpu.dot_dimension_numbers<[1], [0], [0], [1], [0, 0, 1, 1], [], []>, transpose_lhs_hint = false} : vector<2048x2048xf32>, vector<2048x16xf32>, vector<2048x16xf32> -> vector<2048x16xf32>
    %slice3A = vector.extract_strided_slice %dot_general3A_55 {offsets = [0, 0], sizes = [2048, 8], strides = [1, 1]} : vector<2048x16xf32> to vector<2048x8xf32>
    %slice3A_56 = vector.extract_strided_slice %dot_general3A_55 {offsets = [0, 8], sizes = [2048, 8], strides = [1, 1]} : vector<2048x16xf32> to vector<2048x8xf32>
    %slice3A_57 = vector.extract_strided_slice %slice3A {offsets = [2047, 0], sizes = [1, 8], strides = [1, 1]} : vector<2048x8xf32> to vector<1x8xf32>
    %slice3A_58 = vector.extract_strided_slice %slice3A_56 {offsets = [2047, 0], sizes = [1, 8], strides = [1, 1]} : vector<2048x8xf32> to vector<1x8xf32>
    %add3A_59 = arith.addf %slice3A_57, %slice3A_58 : vector<1x8xf32>
    %add3A_60 = arith.constant 2.550000e+02 : f32
    %add3A_61 = vector.broadcast %add3A_60 : f32 to vector<1x8xf32>
    %add3A_62 = arith.addf %add3A_59, %add3A_61 : vector<1x8xf32>
    %mul3A = arith.constant 3.906250e-03 : f32
    %mul3A_63 = vector.broadcast %mul3A : f32 to vector<1x8xf32>
    %mul3A_64 = arith.mulf %add3A_62, %mul3A_63 : vector<1x8xf32>
    %floor3A = math.floor %mul3A_64 : vector<1x8xf32>
    %iota3A_65 = tpu.iota {dimensions = array<i32: 0>} : vector<8x8xi32>
    %iota3A_66 = tpu.iota {dimensions = array<i32: 1>} : vector<8x8xi32>
    %le3A = arith.cmpi sle, %iota3A_65, %iota3A_66 : vector<8x8xi32>
    %convert_element_type3A_67 = arith.extui %le3A : vector<8x8xi1> to vector<8x8xi32>
    %convert_element_type3A_68 = arith.sitofp %convert_element_type3A_67 : vector<8x8xi32> to vector<8x8xf32>
    %dot_general3A_69 = arith.constant dense<0.000000e+00> : vector<1x8xf32>
    %dot_general3A_70 = tpu.matmul %floor3A, %convert_element_type3A_68, %dot_general3A_69 {dimension_numbers = #tpu.dot_dimension_numbers<[1], [0], [0], [1], [0, 0, 1, 1], [], []>, transpose_lhs_hint = false} : vector<1x8xf32>, vector<8x8xf32>, vector<1x8xf32> -> vector<1x8xf32>
    %sub3A_71 = arith.subf %dot_general3A_70, %floor3A : vector<1x8xf32>
    %mul3A_72 = arith.constant 2.560000e+02 : f32
    %mul3A_73 = vector.broadcast %mul3A_72 : f32 to vector<1x8xf32>
    %mul3A_74 = arith.mulf %sub3A_71, %mul3A_73 : vector<1x8xf32>
    %add3A_75 = vector.broadcast %mul3A_74 : vector<1x8xf32> to vector<2048x8xf32>
    %add3A_76 = arith.addf %add3A_75, %slice3A : vector<2048x8xf32>
    %sub3A_77 = arith.subf %add3A_76, %convert_element_type3A_45 : vector<2048x8xf32>
    %mul3A_78 = arith.mulf %convert_element_type3A_45, %sub3A_77 : vector<2048x8xf32>
    %reduce_sum3A = arith.constant dense<0.000000e+00> : vector<2048xf32>
    %reduce_sum3A_79 = vector.multi_reduction <add>, %mul3A_78, %reduce_sum3A [1] : vector<2048x8xf32> to vector<2048xf32>
    %broadcast_in_dim3A_80 = vector.shape_cast %reduce_sum3A_79 : vector<2048xf32> to vector<2048x1xf32>
    %add3A_81 = arith.addf %mul3A_74, %slice3A_57 : vector<1x8xf32>
    %add3A_82 = vector.broadcast %add3A_81 : vector<1x8xf32> to vector<2048x8xf32>
    %add3A_83 = arith.addf %add3A_82, %slice3A_56 : vector<2048x8xf32>
    %sub3A_84 = arith.subf %add3A_83, %convert_element_type3A_49 : vector<2048x8xf32>
    %mul3A_85 = arith.mulf %convert_element_type3A_49, %sub3A_84 : vector<2048x8xf32>
    %reduce_sum3A_86 = arith.constant dense<0.000000e+00> : vector<2048xf32>
    %reduce_sum3A_87 = vector.multi_reduction <add>, %mul3A_85, %reduce_sum3A_86 [1] : vector<2048x8xf32> to vector<2048xf32>
    %broadcast_in_dim3A_88 = vector.shape_cast %reduce_sum3A_87 : vector<2048xf32> to vector<2048x1xf32>
    %convert_element_type3A_89 = arith.fptosi %broadcast_in_dim3A_80 : vector<2048x1xf32> to vector<2048x1xi32>
    %swap3A_90 = arith.constant 0 : index
    %swap3A_91 = arith.constant 0 : index
    %swap3A_92 = vector.load %arg2[%swap3A_90, %swap3A_91] : memref<2048x1xi32, #tpu.memory_space<vmem>>, vector<2048x1xi32>
    tpu.vector_store %arg2[%swap3A_90, %swap3A_91], %convert_element_type3A_89 {strides = array<i32>} : memref<2048x1xi32, #tpu.memory_space<vmem>>, vector<2048x1xi32>,
    %convert_element_type3A_93 = arith.fptosi %broadcast_in_dim3A_88 : vector<2048x1xf32> to vector<2048x1xi32>
    %swap3A_94 = arith.constant 0 : index
    %swap3A_95 = arith.constant 0 : index
    %swap3A_96 = vector.load %arg3[%swap3A_94, %swap3A_95] : memref<2048x1xi32, #tpu.memory_space<vmem>>, vector<2048x1xi32>
    tpu.vector_store %arg3[%swap3A_94, %swap3A_95], %convert_element_type3A_93 {strides = array<i32>} : memref<2048x1xi32, #tpu.memory_space<vmem>>, vector<2048x1xi32>,
    %iota3A_97 = tpu.iota {dimensions = array<i32: 0>} : vector<24x8xi32>
    %convert_element_type3A_98 = arith.sitofp %iota3A_97 : vector<24x8xi32> to vector<24x8xf32>
    %le3A_99 = vector.broadcast %dot_general3A_70 : vector<1x8xf32> to vector<24x8xf32>
    %le3A_100 = arith.cmpf ole, %le3A_99, %convert_element_type3A_98 : vector<24x8xf32>
    %convert_element_type3A_101 = arith.extui %le3A_100 : vector<24x8xi1> to vector<24x8xi32>
    %convert_element_type3A_102 = arith.sitofp %convert_element_type3A_101 : vector<24x8xi32> to vector<24x8xf32>
    %reduce_sum3A_103 = arith.constant dense<0.000000e+00> : vector<24xf32>
    %reduce_sum3A_104 = vector.multi_reduction <add>, %convert_element_type3A_102, %reduce_sum3A_103 [1] : vector<24x8xf32> to vector<24xf32>
    %broadcast_in_dim3A_105 = vector.shape_cast %reduce_sum3A_104 : vector<24xf32> to vector<24x1xf32>
    %iota3A_106 = tpu.iota {dimensions = array<i32: 1>} : vector<1x8xi32>
    %convert_element_type3A_107 = arith.sitofp %iota3A_106 : vector<1x8xi32> to vector<1x8xf32>
    %gt3A = arith.constant 0.000000e+00 : f32
    %gt3A_108 = vector.broadcast %gt3A : f32 to vector<1x8xf32>
    %gt3A_109 = arith.cmpf ogt, %add3A_59, %gt3A_108 : vector<1x8xf32>
    %jit3A_110 = arith.constant 0.000000e+00 : f32
    %broadcast_in_dim3A_111 = vector.broadcast %jit3A_110 : f32 to vector<1x8xf32>
    %select_n3A_112 = arith.select %gt3A_109, %convert_element_type3A_107, %broadcast_in_dim3A_111 : vector<1x8xi1>, vector<1x8xf32>
    %reduce_max3A_113 = arith.constant dense<0xFF800000> : vector<1xf32>
    %reduce_max3A_114 = vector.multi_reduction <maximumf>, %select_n3A_112, %reduce_max3A_113 [1] : vector<1x8xf32> to vector<1xf32>
    %broadcast_in_dim3A_115 = vector.shape_cast %reduce_max3A_114 : vector<1xf32> to vector<1x1xf32>
    %min3A = vector.broadcast %broadcast_in_dim3A_115 : vector<1x1xf32> to vector<24x1xf32>
    %min3A_116 = arith.minimumf %broadcast_in_dim3A_105, %min3A : vector<24x1xf32>
    %eq3A_117 = vector.broadcast %min3A_116 : vector<24x1xf32> to vector<24x8xf32>
    %eq3A_118 = vector.broadcast %convert_element_type3A_107 : vector<1x8xf32> to vector<24x8xf32>
    %eq3A_119 = arith.cmpf oeq, %eq3A_117, %eq3A_118 : vector<24x8xf32>
    %convert_element_type3A_120 = arith.extui %eq3A_119 : vector<24x8xi1> to vector<24x8xi32>
    %convert_element_type3A_121 = arith.sitofp %convert_element_type3A_120 : vector<24x8xi32> to vector<24x8xf32>
    %mul3A_122 = vector.broadcast %dot_general3A_70 : vector<1x8xf32> to vector<24x8xf32>
    %mul3A_123 = arith.mulf %convert_element_type3A_121, %mul3A_122 : vector<24x8xf32>
    %reduce_sum3A_124 = arith.constant dense<0.000000e+00> : vector<24xf32>
    %reduce_sum3A_125 = vector.multi_reduction <add>, %mul3A_123, %reduce_sum3A_124 [1] : vector<24x8xf32> to vector<24xf32>
    %broadcast_in_dim3A_126 = vector.shape_cast %reduce_sum3A_125 : vector<24xf32> to vector<24x1xf32>
    %min3A_127 = arith.constant 2.300000e+01 : f32
    %min3A_128 = vector.broadcast %min3A_127 : f32 to vector<24x1xf32>
    %min3A_129 = arith.minimumf %broadcast_in_dim3A_126, %min3A_128 : vector<24x1xf32>
    %iota3A_130 = tpu.iota {dimensions = array<i32: 1>} : vector<24x24xi32>
    %convert_element_type3A_131 = arith.sitofp %iota3A_130 : vector<24x24xi32> to vector<24x24xf32>
    %eq3A_132 = vector.broadcast %min3A_129 : vector<24x1xf32> to vector<24x24xf32>
    %eq3A_133 = arith.cmpf oeq, %convert_element_type3A_131, %eq3A_132 : vector<24x24xf32>
    %convert_element_type3A_134 = arith.extui %eq3A_133 : vector<24x24xi1> to vector<24x24xi32>
    %convert_element_type3A_135 = arith.sitofp %convert_element_type3A_134 : vector<24x24xi32> to vector<24x24xf32>
    %dot_general3A_136 = arith.constant dense<0.000000e+00> : vector<24x1xf32>
    %dot_general3A_137 = tpu.matmul %convert_element_type3A_135, %min3A_116, %dot_general3A_136 {dimension_numbers = #tpu.dot_dimension_numbers<[1], [0], [0], [1], [0, 0, 1, 1], [], []>, transpose_lhs_hint = false} : vector<24x24xf32>, vector<24x1xf32>, vector<24x1xf32> -> vector<24x1xf32>
    %slice3A_138 = vector.extract_strided_slice %dot_general3A_70 {offsets = [0, 7], sizes = [1, 1], strides = [1, 1]} : vector<1x8xf32> to vector<1x1xf32>
    %broadcast_in_dim3A_139 = vector.shape_cast %slice3A_138 : vector<1x1xf32> to vector<1x1xf32>
    %broadcast_in_dim3A_140 = vector.broadcast %broadcast_in_dim3A_139 : vector<1x1xf32> to vector<24x1xf32>
    %concatenate3A_141 = tpu.concatenate %min3A_116, %dot_general3A_137, %broadcast_in_dim3A_140 in 1 : vector<24x1xf32>, vector<24x1xf32>, vector<24x1xf32> -> vector<24x3xf32>
    %convert_element_type3A_142 = arith.fptosi %concatenate3A_141 : vector<24x3xf32> to vector<24x3xi32>
    %swap3A_143 = arith.constant 0 : index
    %swap3A_144 = arith.constant 0 : index
    %swap3A_145 = vector.load %arg6[%swap3A_143, %swap3A_144] : memref<24x3xi32, #tpu.memory_space<vmem>>, vector<24x3xi32>
    tpu.vector_store %arg6[%swap3A_143, %swap3A_144], %convert_element_type3A_142 {strides = array<i32>} : memref<24x3xi32, #tpu.memory_space<vmem>>, vector<24x3xi32>,
    return
  }
}

</mosaic_0001>

<sc_bundles>
// kernel: kernel.6.cloned.1.call-start
scs
__scs_entry_jumppad:
0x0: {  	(pc) =	sbr.rel $0x88, $3  }
0x1: {  	(tag) =	ssettag $0x0;
	lr =	simm.s32 $0x1  }
0x2: {  	[smem:$0x3F9C] =	sst lr;
	_ =	strace $0xD0000000  }
0x3: {  	_ = 	snop  }
0x4: {  	_ = 	snop  }
0x5: {  	_ = 	snop  }
0x6: {  	_ = 	snop  }
0x7: {  	_ = 	snop  }
__scs_overlays_trampoline_lowered:
0x8: {  	[smem:$0x3FAB] =	sst s0  }
0x9: {  	[smem:$0x3FAC] =	sst s1  }
0xa: {  	[smem:$0x3FAD] =	sst s2  }
0xb: {  	[smem:$0x3FAE] =	sst s3  }
0xc: {  	[smem:$0x3FAF] =	sst s4  }
0xd: {  	[smem:$0x3FB0] =	sst s5  }
0xe: {  	[smem:$0x3FB1] =	sst s6  }
0xf: {  	[smem:$0x3FB2] =	sst s7  }
0x10: {  	[smem:$0x3FB3] =	sst s8  }
0x11: {  	[smem:$0x3FB4] =	sst s9;
	s0 =	simm.s32 @!p0 $0x0  }
0x12: {  	s1 =	sld [smem:$0x3F9A];
	s0 =	simm.s32 @p0 $0x1  }
0x13: {  	[smem:$0x3FB5] =	sst s0;
	s0 =	simm.s32 @!p1 $0x0  }
0x14: {  	s2 =	sld [smem:$0x3F99];
	s0 =	simm.s32 @p1 $0x1  }
0x15: {  	[smem:$0x3FB6] =	sst s0;
	s0 =	simm.s32 @!p2 $0x0  }
0x16: {  	s3 =	sld [smem:$0x3FDB];
	s0 =	simm.s32 @p2 $0x1  }
0x17: {  	s4 =	simm.s32 $0x1BF5;
	[smem:$0x3FB8] =	sst s0  }
0x18: {  	s0 =	sld [smem:$0x3F9B];
	_ =	swait.ge [sflag:s4], $0x0  }
0x19: {  	s7 =	sld [smem:$0x3F9C]  }
0x1a: {  	s8 =	sadd.s32 $0xFFFFE003, lr  }
0x1b: {  	s9 =	sadd.s32 $0xFFFFFEF7, lr;
	s5 =	simm.s32 $0xFFFFFFFF;
	p2 =	slt.u32 s8, $0xFFFFF086  }
0x1c: {  	p1 =	slt.u32 s9, $0xF7A;
	s5 =	simm.s32 @!p2 $0x0  }
0x1d: {  	s5 =	simm.s32 @p1 $0x1;
	p0 =	seq.s32 s7, s2  }
0x1e: {  	s7 =	smul.u32 @!p0 $0xF7A, s2;
	p2 =	seq.s32 @!p0 s5, $0x0  }
0x1f: {  	s9 =	smul.u32 $0xF7A, s1;
	s8 =	simm.s32 @!p0 $0x1BF5;
	p2 =	por !p2, p0  }
0x20: {  	[sflag:s8] =	ssyncset.s32 @!p0 $0xFFFFF086;
	s6 =	sadd.s32 @!p0 s3, s7;
	s7 =	simm.s32 @!p0 $0x108  }
0x21: {  	s3 =	sadd.s32 s3, s9;
	s6 =	sadd.s32 @!p0 $0x88, s6;
	s7 =	simm.s32 @p2 $0x1082  }
0x22: {  	[simem:s7], [sflag:s8] =	dma.local @!p0 [hbm:s6], $0xF7A  }
0x23: {  	s9 =	sor.u32 $0xD0000000, s2;
	s6 =	simm.s32 $0x108;
	_ =	swait.ge @!p0 [sflag:s8], $0x0  }
0x24: {  	s3 =	sadd.s32 $0x88, s3;
	s6 =	simm.s32 @!p1 $0x1082;
	[sflag:s4] =	ssyncset.s32 $0xFFFFF086  }
0x25: {  	[simem:s6], [sflag:s4] =	dma.local [hbm:s3], $0xF7A  }
0x26: {  	[smem:$0x3F9C] =	sst s1;
	(tag) =	ssettag s2;
	_ =	strace s9  }
0x27: {  	s1 =	sld [smem:$0x3FAC]  }
0x28: {  	s2 =	sld [smem:$0x3FAD]  }
0x29: {  	s4 =	sld [smem:$0x3FAF]  }
0x2a: {  	p0 =	seq.s32 s5, $0x0;
	s5 =	sld [smem:$0x3FB0]  }
0x2b: {  	s6 =	sld [smem:$0x3FB1]  }
0x2c: {  	s7 =	sld [smem:$0x3FB2]  }
0x2d: {  	s3 =	simm.s32 $0x108;
	s8 =	sld [smem:$0x3FB3]  }
0x2e: {  	s3 =	simm.s32 @!p0 $0x1082;
	s9 =	sld [smem:$0x3FB4]  }
0x2f: {  	lr =	sadd.s32 s0, s3;
	s0 =	sld [smem:$0x3FAB]  }
0x30: {  	s3 =	sld [smem:$0x3FAE]  }
0x31: {  	[smem:$0x3FB7] =	sst s10  }
0x32: {  	s10 =	sld [smem:$0x3FB5];
	_ =	sdelay $0x3  }
0x33: {  	p0 =	seq.s32 s10, $0x1;
	s10 =	sld [smem:$0x3FB7];
	_ =	sdelay $0x3  }
0x34: {  	[smem:$0x3FB7] =	sst s10  }
0x35: {  	s10 =	sld [smem:$0x3FB6];
	_ =	sdelay $0x3  }
0x36: {  	p1 =	seq.s32 s10, $0x1;
	s10 =	sld [smem:$0x3FB7];
	_ =	sdelay $0x3  }
0x37: {  	[smem:$0x3FB7] =	sst s10  }
0x38: {  	s10 =	sld [smem:$0x3FB8]  }
0x39: {  	_ = 	snop;
	(pc) =	sbr.ind lr, $3  }
0x3a: {  	_ = 	snop  }
0x3b: {  	_ = 	snop  }
0x3c: {  	p2 =	seq.s32 s10, $0x1;
	s10 =	sld [smem:$0x3FB7]  }
0x3d: {  	_ =	shalt  }
0x3e: {  	_ =	shalt  }
0x3f: {  	_ =	shalt  }
0x40: {  	_ =	shalt  }
0x41: {  	_ =	shalt  }
0x42: {  	_ =	shalt  }
0x43: {  	_ =	shalt  }
0x44: {  	_ =	shalt  }
0x45: {  	_ =	shalt  }
0x46: {  	_ =	shalt  }
0x47: {  	_ =	shalt  }
0x48: {  	_ =	shalt  }
0x49: {  	_ =	shalt  }
0x4a: {  	_ =	shalt  }
0x4b: {  	_ =	shalt  }
0x4c: {  	_ =	shalt  }
0x4d: {  	_ =	shalt  }
0x4e: {  	_ =	shalt  }
0x4f: {  	_ =	shalt  }
0x50: {  	_ =	shalt  }
0x51: {  	_ =	shalt  }
0x52: {  	_ =	shalt  }
0x53: {  	_ =	shalt  }
0x54: {  	_ =	shalt  }
0x55: {  	_ =	shalt  }
0x56: {  	_ =	shalt  }
0x57: {  	_ =	shalt  }
0x58: {  	_ =	shalt  }
0x59: {  	_ =	shalt  }
0x5a: {  	_ =	shalt  }
0x5b: {  	_ =	shalt  }
0x5c: {  	_ =	shalt  }
0x5d: {  	_ =	shalt  }
0x5e: {  	_ =	shalt  }
0x5f: {  	_ =	shalt  }
0x60: {  	_ =	shalt  }
0x61: {  	_ =	shalt  }
0x62: {  	_ =	shalt  }
0x63: {  	_ =	shalt  }
0x64: {  	_ =	shalt  }
0x65: {  	_ =	shalt  }
0x66: {  	_ =	shalt  }
0x67: {  	_ =	shalt  }
0x68: {  	_ =	shalt  }
0x69: {  	_ =	shalt  }
0x6a: {  	_ =	shalt  }
0x6b: {  	_ =	shalt  }
0x6c: {  	_ =	shalt  }
0x6d: {  	_ =	shalt  }
0x6e: {  	_ =	shalt  }
0x6f: {  	_ =	shalt  }
0x70: {  	_ =	shalt  }
0x71: {  	_ =	shalt  }
0x72: {  	_ =	shalt  }
0x73: {  	_ =	shalt  }
0x74: {  	_ =	shalt  }
0x75: {  	_ =	shalt  }
0x76: {  	_ =	shalt  }
0x77: {  	_ =	shalt  }
0x78: {  	_ =	shalt  }
0x79: {  	_ =	shalt  }
0x7a: {  	_ =	shalt  }
0x7b: {  	_ =	shalt  }
0x7c: {  	_ =	shalt  }
0x7d: {  	_ =	shalt  }
0x7e: {  	_ =	shalt  }
0x7f: {  	_ =	shalt  }
0x80: {  	_ =	shalt  }
0x81: {  	_ =	shalt  }
0x82: {  	_ =	shalt  }
0x83: {  	_ =	shalt  }
0x84: {  	_ =	shalt  }
0x85: {  	_ =	shalt  }
0x86: {  	_ =	shalt  }
0x87: {  	_ =	shalt  }
.Lfunc_end0:
.L_simem_size_0:
called_computation_lowered:
.L_overlay_start_0:
0x88: {  	s2 =	sld [smem:$0x3FD9]  }
0x89: {  	s3 =	sld [smem:$0x3FFE];
	_ =	sdelay $0x1  }
0x8a: {  	s1 =	srdreg.scid  }
0x8b: {  	s0 =	sand.u32 $0x1, s1  }
0x8c: {  	s17 =	sshll.u32 s0, $0xA;
	s2 =	sadd.s32 s3, s2  }
0x8d: {  	s2 =	sadd.s32 s2, s17  }
0x8e: {  	[smem:$0x3FC3] =	sst s2  }
0x8f: {  	_ = 	snop  }
0x90: {  	s2 =	sld [smem:$0x3FC9];
	(tm) =	ssettm $0x1  }
0x91: {  	s18 =	sld [smem:$0x3FFB];
	_ =	sdelay $0x3  }
0x92: {  	_ =	strace s18  }
0x93: {  	s3 =	sld [smem:$0x3FFC];
	_ =	sdelay $0x3  }
0x94: {  	_ =	strace s3  }
0x95: {  	s3 =	sld [smem:$0x3FFD];
	_ =	sdelay $0x3  }
0x96: {  	_ =	strace s3  }
0x97: {  	_ =	strace $0x8FFFFFFF  }
0x98: {  	s19 =	sld [smem:$0x3FDB];
	_ =	sdelay $0x1  }
0x99: {  	s4 =	simm.s32 $_scs_section_size  }
0x9a: {  	s5 =	simm.s32 $_size__tile_overlayer_lowered;
	s6 =	simm.s32 $_tile_overlayer_lowered  }
0x9b: {  	s22 =	simm.s32 $0x1BFF;
	s21 =	sshll.u32 s6, $0x1;
	s3 =	sadd.s32 s4, s19  }
0x9c: {  	s7 =	simm.s32 $0x0;
	s20 =	sshll.u32 s5, $0x1;
	s5 =	sadd.s32 s21, s3  }
0x9d: {  	[timem:s7], [sflag:s22] =	dma.local [hbm:s5], s20  }
0x9e: {  	_ =	swait.ge [sflag:s22], s20  }
0x9f: {  	s4 =	ssub.s32 $0x0, s20;
	[sflag:s22] =	ssyncset.done $0x0  }
0xa0: {  	[sflag:s22] =	ssyncadd.s32 s4;
	_ =	sdelay $0x1  }
0xa1: {  	s23 =	simm.s32 $0x1B8B  }
0xa2: {  	_ =	swait.ge [sflag:s23], $0x1  }
0xa3: {  	[sflag:s23] =	ssyncset.done $0x0  }
0xa4: {  	s25 =	simm.s32 $0x1B8E;
	s24 =	sld [smem:$0x3FFE];
	[sflag:s23] =	ssyncadd.s32 $0xFFFFFFFF  }
0xa5: {  	s26 =	simm.s32 $execute0_lowered;
	[smem:$0x3FD2] =	sst s25  }
0xa6: {  	s5 =	sshll.u32 s26, $0x1;
	_ =	strace $0x80000046;
	[dreg:$0x1] =	wrdreg $0xFFFFFFFF  }
0xa7: {  	s28 =	simm.s32 $_size_execute0_lowered;
	s3 =	sadd.s32 s3, s5;
	[dreg:$0x0] =	wrdreg $0x0  }
0xa8: {  	s5 =	sshll.u32 s28, $0x1;
	[dreg:$0x2] =	wrdreg s3  }
0xa9: {  	[dreg:$0x3] =	wrdreg s5  }
0xaa: {  	[dreg:$0x4] =	wrdreg $0xC0  }
0xab: {  	_ =	task [dreg:s7], $0x5FFFF  }
0xac: {  	[dreg:$0x1] =	wrdreg $0xFFFFFFFF  }
0xad: {  	[dreg:$0x0] =	wrdreg $0x60  }
0xae: {  	[dreg:$0x2] =	wrdreg s2  }
0xaf: {  	[dreg:$0x3] =	wrdreg s24  }
0xb0: {  	[dreg:$0x4] =	wrdreg $0x9  }
0xb1: {  	_ =	task.clear_ibuf [dreg:s7], $0x5FFFF;
	_ =	strace $0x90000046  }
0xb2: {  	s29 =	simm.s32 $0x9;
	_ =	strace $0x80000048  }
0xb3: {  	_ =	swait.ge [sflag:s29], $0x1  }
0xb4: {  	[sflag:s29] =	ssyncadd.s32 $0xFFFFFFFF  }
0xb5: {  	_ =	strace $0x90000048  }
0xb6: {  	_ =	sfence  }
0xb7: {  	s30 =	sld [smem:$0x0];
	_ =	sdelay $0x2  }
0xb8: {  	s31 =	sshll.u32 s1, $0xD;
	s1 =	sshrl.u32 s1, $0x2  }
0xb9: {  	s3 =	sand.u32 $0x4000, s31;
	s1 =	sadd.s32 s1, s30  }
0xba: {  	s0 =	sor.u32 s3, s0;
	s1 =	sshll.u32 s1, $0x11  }
0xbb: {  	s0 =	sor.u32 s1, s0  }
0xbc: {  	s0 =	sadd.s32 $0x8F2B, s0  }
0xbd: {  	[sflag:s0] =	ssyncadd.remote.s32 $0x1  }
0xbe: {  	_ =	sfence.sel $0xFFFF  }
0xbf: {  	[dreg:$0x0] =	wrdreg $0xFFFFFFFF;
	(pc) =	sbr.abs _section_cstart, $3  }
0xc0: {  	[dreg:$0x1] =	wrdreg $0xFFFFFFFF  }
0xc1: {  	_ =	task.clear_ibuf [dreg:s7], $0x2FFFF;
	_ =	strace $0x9FFFFFFF  }
0xc2: {  	(tm) =	ssettm $0x7FFFFFFF  }
0xc3: {  	_ =	shalt  }
tec
execute0_lowered:
.L_overlay_start_1:
0x0: {  	(tag) =	ssettag $0x1  }
0x1: {  	s0 =	rddreg [dreg:$0x0]  }
0x2: {  	s1 =	rddreg [dreg:$0x1]  }
0x3: {  	s2 =	srdreg.scid;
	s3 =	stileid.u32  }
0x4: {  	s26 =	simm.s32 $0x80;
	s8 =	simm.s32 $0x100;
	s11 =	simm.s32 $0x1900  }
0x5: {  	s12 =	simm.s32 $0x2100;
	s13 =	simm.s32 $0x2900;
	s14 =	simm.s32 $0x3100  }
0x6: {  	s15 =	simm.s32 $0x3900;
	s16 =	simm.s32 $0x4100;
	s17 =	simm.s32 $0x4900  }
0x7: {  	s18 =	simm.s32 $0x5100;
	s19 =	simm.s32 $0x5900;
	s20 =	simm.s32 $0x6100  }
0x8: {  	s21 =	simm.s32 $0x6900;
	s22 =	simm.s32 $0x7100;
	s23 =	simm.s32 $0x7900  }
0x9: {  	s28 =	simm.s32 $0x9900;
	s29 =	simm.s32 $0xA100;
	s30 =	simm.s32 $0xA900  }
0xa: {  	s31 =	simm.s32 $0xB100;
	s4 =	sand.u32 $0x1, s2;
	s2 =	simm.s32 $0x0  }
0xb: {  	s3 =	sshll.u32 s3, $0x4;
	s5 =	sshll.u32 s4, $0x3;
	[smem:$0x7FF] =	sst s2  }
0xc: {  	s4 =	ssub.s32 $0x2, s4;
	s5 =	sor.u32 s5, s3;
	_ =	strace $0x80000047  }
0xd: {  	s3 =	sadd.s32 $0x10E00, s1;
	s24 =	sshrl.u32 s4, $0x1;
	[dreg:$0x6] =	wrdreg s26  }
0xe: {  	s26 =	simm.s32 $0x9100;
	s6 =	sadd.s32 s5, s1;
	s5 =	smul.u32 $0x300, s5  }
0xf: {  	s25 =	ssub.s32 s4, s24;
	s4 =	sadd.s32 $0x10F00, s1;
	s7 =	sadd.s32 $0x10A00, s6  }
0x10: {  	s24 =	simm.s32 $0x8100;
	s6 =	sadd.s32 $0x10C00, s6;
	[dreg:$0x3] =	wrdreg s7  }
0x11: {  	v2 =	vlaneseq.u32;
	[dreg:$0x4] =	wrdreg s6;
	s0 =	sadd.s32 s0, s5;
	s5 =	sadd.s32 $0x11000, s1  }
0x12: {  	vm0 =	vmmov $0xffff;
	v1 =	vshrl.u32 v2, $0x3;
	s6 =	smax.u32 s25, $0x1;
	s7 =	simm.s32 $0x2;
	s25 =	simm.s32 $0x8900  }
0x13: {  	v0 =	vand.u32 $0x7, v2;
	v2 =	vor.u32 $0x8, v2;
	v1 =	vmul.u32 $0x8, v1;
	s1 =	simm.s32 $0x1;
	[dreg:$0x5] =	wrdreg s0;
	s0 =	simm.s32 $0xB900  }
.LBB2_1:
0x14: {  	s9 =	rddreg [dreg:$0x3]  }
0x15: {  	[tilespmem:s2], [sflag:$0x2] =	stream.linear.gather [hbm4b:s9+s2], $0x40, $0x38;
	[tilespmem:$0xC100] =	vst v63  }
0x16: {  	_ =	swait.ge [sflag:s7], $0x40  }
0x17: {  	s9 =	rddreg [dreg:$0x4];
	[sflag:s7] =	ssyncset.done $0x0  }
0x18: {  	s10 =	rddreg [dreg:$0x6];
	[sflag:s7] =	ssyncadd.s32 $0xFFFFFFC0  }
0x19: {  	[tilespmem:s10], [sflag:$0x2] =	stream.linear.gather [hbm4b:s9+s2], $0x40, $0x38;
	[tilespmem:$0xC100] =	vst v63  }
0x1a: {  	_ =	swait.ge [sflag:s7], $0x40  }
0x1b: {  	[sflag:s7] =	ssyncset.done $0x0  }
0x1c: {  	s10 =	rddreg [dreg:$0x5];
	[sflag:s7] =	ssyncadd.s32 $0xFFFFFFC0  }
0x1d: {  	[tilespmem:s8], [sflag:$0x2] =	stream.linear.gather [hbm4b:s10+s2], $0xC000, $0x38;
	[tilespmem:$0xC100] =	vst v63  }
0x1e: {  	_ =	swait.ge [sflag:s7], $0xC000  }
0x1f: {  	[sflag:s7] =	ssyncset.done $0x0  }
0x20: {  	[sflag:s7] =	ssyncadd.s32 $0xFFFF4000  }
0x21: {  	v3 =	vld [tilespmem:$0x0];
	_ =	sdelay $0x4  }
0x22: {  	v4 =	vshrl.u32 v3, $0x3  }
0x23: {  	v4 =	vmul.u32 $0x30, v4  }
0x24: {  	v3 =	vand.u32 $0x7, v3  }
0x25: {  	v3 =	vor.u32 v3, v4  }
0x26: {  	v4 =	vperm.xlane v3, v0;
	_ =	sdelay $0x1  }
0x27: {  	v4 =	vadd.s32 v1, v4;
	_ =	sdelay $0x3  }
0x28: {  	v3 =	vperm.xlane v3, v2  }
0x29: {  	[hbm4b:s3+s2] =	stream.indirect_vreg.scatter [tilespmem:s8], [sflag:$0x1], $0x80, v4, vm0, $0xb8;
	[tilespmem:$0xC100] =	vst v63  }
0x2a: {  	s9 =	simm.s32 $0x900;
	v3 =	vadd.s32 v1, v3  }
0x2b: {  	[hbm4b:s4+s2] =	stream.indirect_vreg.scatter [tilespmem:s9], [sflag:$0x1], $0x80, v4, vm0, $0xb8;
	[tilespmem:$0xC100] =	vst v63  }
0x2c: {  	s10 =	simm.s32 $0x1100  }
0x2d: {  	[hbm4b:s5+s2] =	stream.indirect_vreg.scatter [tilespmem:s10], [sflag:$0x1], $0x80, v4, vm0, $0xb8;
	[tilespmem:$0xC100] =	vst v63  }
0x2e: {  	_ = 	snop  }
0x2f: {  	[hbm4b:s3+s2] =	stream.indirect_vreg.scatter [tilespmem:s11], [sflag:$0x1], $0x80, v3, vm0, $0xb8;
	[tilespmem:$0xC100] =	vst v63  }
0x30: {  	_ = 	snop  }
0x31: {  	[hbm4b:s4+s2] =	stream.indirect_vreg.scatter [tilespmem:s12], [sflag:$0x1], $0x80, v3, vm0, $0xb8;
	[tilespmem:$0xC100] =	vst v63  }
0x32: {  	_ = 	snop  }
0x33: {  	[hbm4b:s5+s2] =	stream.indirect_vreg.scatter [tilespmem:s13], [sflag:$0x1], $0x80, v3, vm0, $0xb8;
	[tilespmem:$0xC100] =	vst v63  }
0x34: {  	v3 =	vld [tilespmem:$0x10];
	_ =	sdelay $0x4  }
0x35: {  	v57 =	vshrl.u32 v3, $0x3  }
0x36: {  	v4 =	vmul.u32 $0x30, v57  }
0x37: {  	v3 =	vand.u32 $0x7, v3  }
0x38: {  	v3 =	vor.u32 v3, v4  }
0x39: {  	v4 =	vperm.xlane v3, v0;
	_ =	sdelay $0x1  }
0x3a: {  	v4 =	vadd.s32 v1, v4;
	_ =	sdelay $0x3  }
0x3b: {  	v3 =	vperm.xlane v3, v2  }
0x3c: {  	[hbm4b:s3+s2] =	stream.indirect_vreg.scatter [tilespmem:s14], [sflag:$0x1], $0x80, v4, vm0, $0xb8;
	[tilespmem:$0xC100] =	vst v63  }
0x3d: {  	v3 =	vadd.s32 v1, v3  }
0x3e: {  	[hbm4b:s4+s2] =	stream.indirect_vreg.scatter [tilespmem:s15], [sflag:$0x1], $0x80, v4, vm0, $0xb8;
	[tilespmem:$0xC100] =	vst v63  }
0x3f: {  	_ = 	snop  }
0x40: {  	[hbm4b:s5+s2] =	stream.indirect_vreg.scatter [tilespmem:s16], [sflag:$0x1], $0x80, v4, vm0, $0xb8;
	[tilespmem:$0xC100] =	vst v63  }
0x41: {  	_ = 	snop  }
0x42: {  	[hbm4b:s3+s2] =	stream.indirect_vreg.scatter [tilespmem:s17], [sflag:$0x1], $0x80, v3, vm0, $0xb8;
	[tilespmem:$0xC100] =	vst v63  }
0x43: {  	_ = 	snop  }
0x44: {  	[hbm4b:s4+s2] =	stream.indirect_vreg.scatter [tilespmem:s18], [sflag:$0x1], $0x80, v3, vm0, $0xb8;
	[tilespmem:$0xC100] =	vst v63  }
0x45: {  	_ = 	snop  }
0x46: {  	[hbm4b:s5+s2] =	stream.indirect_vreg.scatter [tilespmem:s19], [sflag:$0x1], $0x80, v3, vm0, $0xb8;
	[tilespmem:$0xC100] =	vst v63  }
0x47: {  	v3 =	vld [tilespmem:$0x20];
	_ =	sdelay $0x4  }
0x48: {  	v58 =	vshrl.u32 v3, $0x3  }
0x49: {  	v4 =	vmul.u32 $0x30, v58  }
0x4a: {  	v3 =	vand.u32 $0x7, v3  }
0x4b: {  	v3 =	vor.u32 v3, v4  }
0x4c: {  	v4 =	vperm.xlane v3, v0;
	_ =	sdelay $0x1  }
0x4d: {  	v4 =	vadd.s32 v1, v4;
	_ =	sdelay $0x3  }
0x4e: {  	v3 =	vperm.xlane v3, v2  }
0x4f: {  	[hbm4b:s3+s2] =	stream.indirect_vreg.scatter [tilespmem:s20], [sflag:$0x1], $0x80, v4, vm0, $0xb8;
	[tilespmem:$0xC100] =	vst v63  }
0x50: {  	v3 =	vadd.s32 v1, v3  }
0x51: {  	[hbm4b:s4+s2] =	stream.indirect_vreg.scatter [tilespmem:s21], [sflag:$0x1], $0x80, v4, vm0, $0xb8;
	[tilespmem:$0xC100] =	vst v63  }
0x52: {  	_ = 	snop  }
0x53: {  	[hbm4b:s5+s2] =	stream.indirect_vreg.scatter [tilespmem:s22], [sflag:$0x1], $0x80, v4, vm0, $0xb8;
	[tilespmem:$0xC100] =	vst v63  }
0x54: {  	_ = 	snop  }
0x55: {  	[hbm4b:s3+s2] =	stream.indirect_vreg.scatter [tilespmem:s23], [sflag:$0x1], $0x80, v3, vm0, $0xb8;
	[tilespmem:$0xC100] =	vst v63  }
0x56: {  	_ = 	snop  }
0x57: {  	[hbm4b:s4+s2] =	stream.indirect_vreg.scatter [tilespmem:s24], [sflag:$0x1], $0x80, v3, vm0, $0xb8;
	[tilespmem:$0xC100] =	vst v63  }
0x58: {  	_ = 	snop  }
0x59: {  	[hbm4b:s5+s2] =	stream.indirect_vreg.scatter [tilespmem:s25], [sflag:$0x1], $0x80, v3, vm0, $0xb8;
	[tilespmem:$0xC100] =	vst v63  }
0x5a: {  	v3 =	vld [tilespmem:$0x30];
	_ =	sdelay $0x4  }
0x5b: {  	v59 =	vshrl.u32 v3, $0x3  }
0x5c: {  	v4 =	vmul.u32 $0x30, v59  }
0x5d: {  	v3 =	vand.u32 $0x7, v3  }
0x5e: {  	v3 =	vor.u32 v3, v4  }
0x5f: {  	v4 =	vperm.xlane v3, v0;
	_ =	sdelay $0x1  }
0x60: {  	v4 =	vadd.s32 v1, v4;
	_ =	sdelay $0x3  }
0x61: {  	v3 =	vperm.xlane v3, v2  }
0x62: {  	[hbm4b:s3+s2] =	stream.indirect_vreg.scatter [tilespmem:s26], [sflag:$0x1], $0x80, v4, vm0, $0xb8;
	[tilespmem:$0xC100] =	vst v63  }
0x63: {  	v3 =	vadd.s32 v1, v3  }
0x64: {  	[hbm4b:s4+s2] =	stream.indirect_vreg.scatter [tilespmem:s28], [sflag:$0x1], $0x80, v4, vm0, $0xb8;
	[tilespmem:$0xC100] =	vst v63  }
0x65: {  	_ = 	snop  }
0x66: {  	[hbm4b:s5+s2] =	stream.indirect_vreg.scatter [tilespmem:s29], [sflag:$0x1], $0x80, v4, vm0, $0xb8;
	[tilespmem:$0xC100] =	vst v63  }
0x67: {  	_ = 	snop  }
0x68: {  	[hbm4b:s3+s2] =	stream.indirect_vreg.scatter [tilespmem:s30], [sflag:$0x1], $0x80, v3, vm0, $0xb8;
	[tilespmem:$0xC100] =	vst v63  }
0x69: {  	_ = 	snop  }
0x6a: {  	[hbm4b:s4+s2] =	stream.indirect_vreg.scatter [tilespmem:s31], [sflag:$0x1], $0x80, v3, vm0, $0xb8;
	[tilespmem:$0xC100] =	vst v63  }
0x6b: {  	_ = 	snop  }
0x6c: {  	[hbm4b:s5+s2] =	stream.indirect_vreg.scatter [tilespmem:s0], [sflag:$0x1], $0x80, v3, vm0, $0xb8;
	[tilespmem:$0xC100] =	vst v63  }
0x6d: {  	v3 =	vld [tilespmem:$0x80];
	_ =	sdelay $0x4  }
0x6e: {  	v60 =	vshrl.u32 v3, $0x3  }
0x6f: {  	v4 =	vmul.u32 $0x30, v60  }
0x70: {  	v3 =	vand.u32 $0x7, v3  }
0x71: {  	v3 =	vor.u32 v3, v4  }
0x72: {  	v4 =	vperm.xlane v3, v0;
	_ =	sdelay $0x1  }
0x73: {  	v4 =	vadd.s32 v1, v4;
	_ =	sdelay $0x3  }
0x74: {  	v3 =	vperm.xlane v3, v2  }
0x75: {  	[hbm4b:s3+s2] =	stream.indirect_vreg.scatter [tilespmem:s8], [sflag:$0x1], $0x80, v4, vm0, $0xb8;
	[tilespmem:$0xC100] =	vst v63  }
0x76: {  	v3 =	vadd.s32 v1, v3  }
0x77: {  	[hbm4b:s4+s2] =	stream.indirect_vreg.scatter [tilespmem:s9], [sflag:$0x1], $0x80, v4, vm0, $0xb8;
	[tilespmem:$0xC100] =	vst v63  }
0x78: {  	_ = 	snop  }
0x79: {  	[hbm4b:s5+s2] =	stream.indirect_vreg.scatter [tilespmem:s10], [sflag:$0x1], $0x80, v4, vm0, $0xb8;
	[tilespmem:$0xC100] =	vst v63  }
0x7a: {  	_ = 	snop  }
0x7b: {  	[hbm4b:s3+s2] =	stream.indirect_vreg.scatter [tilespmem:s11], [sflag:$0x1], $0x80, v3, vm0, $0xb8;
	[tilespmem:$0xC100] =	vst v63  }
0x7c: {  	_ = 	snop  }
0x7d: {  	[hbm4b:s4+s2] =	stream.indirect_vreg.scatter [tilespmem:s12], [sflag:$0x1], $0x80, v3, vm0, $0xb8;
	[tilespmem:$0xC100] =	vst v63  }
0x7e: {  	_ = 	snop  }
0x7f: {  	[hbm4b:s5+s2] =	stream.indirect_vreg.scatter [tilespmem:s13], [sflag:$0x1], $0x80, v3, vm0, $0xb8;
	[tilespmem:$0xC100] =	vst v63  }
0x80: {  	v3 =	vld [tilespmem:$0x90];
	_ =	sdelay $0x4  }
0x81: {  	v61 =	vshrl.u32 v3, $0x3  }
0x82: {  	v4 =	vmul.u32 $0x30, v61  }
0x83: {  	v3 =	vand.u32 $0x7, v3  }
0x84: {  	v3 =	vor.u32 v3, v4  }
0x85: {  	v4 =	vperm.xlane v3, v0;
	_ =	sdelay $0x1  }
0x86: {  	v4 =	vadd.s32 v1, v4;
	_ =	sdelay $0x3  }
0x87: {  	v3 =	vperm.xlane v3, v2  }
0x88: {  	[hbm4b:s3+s2] =	stream.indirect_vreg.scatter [tilespmem:s14], [sflag:$0x1], $0x80, v4, vm0, $0xb8;
	[tilespmem:$0xC100] =	vst v63  }
0x89: {  	v3 =	vadd.s32 v1, v3  }
0x8a: {  	[hbm4b:s4+s2] =	stream.indirect_vreg.scatter [tilespmem:s15], [sflag:$0x1], $0x80, v4, vm0, $0xb8;
	[tilespmem:$0xC100] =	vst v63  }
0x8b: {  	_ = 	snop  }
0x8c: {  	[hbm4b:s5+s2] =	stream.indirect_vreg.scatter [tilespmem:s16], [sflag:$0x1], $0x80, v4, vm0, $0xb8;
	[tilespmem:$0xC100] =	vst v63  }
0x8d: {  	_ = 	snop  }
0x8e: {  	[hbm4b:s3+s2] =	stream.indirect_vreg.scatter [tilespmem:s17], [sflag:$0x1], $0x80, v3, vm0, $0xb8;
	[tilespmem:$0xC100] =	vst v63  }
0x8f: {  	_ = 	snop  }
0x90: {  	[hbm4b:s4+s2] =	stream.indirect_vreg.scatter [tilespmem:s18], [sflag:$0x1], $0x80, v3, vm0, $0xb8;
	[tilespmem:$0xC100] =	vst v63  }
0x91: {  	_ = 	snop  }
0x92: {  	[hbm4b:s5+s2] =	stream.indirect_vreg.scatter [tilespmem:s19], [sflag:$0x1], $0x80, v3, vm0, $0xb8;
	[tilespmem:$0xC100] =	vst v63  }
0x93: {  	v3 =	vld [tilespmem:$0xA0];
	_ =	sdelay $0x4  }
0x94: {  	v62 =	vshrl.u32 v3, $0x3  }
0x95: {  	v4 =	vmul.u32 $0x30, v62  }
0x96: {  	v3 =	vand.u32 $0x7, v3  }
0x97: {  	v3 =	vor.u32 v3, v4  }
0x98: {  	v4 =	vperm.xlane v3, v0;
	_ =	sdelay $0x1  }
0x99: {  	v4 =	vadd.s32 v1, v4;
	_ =	sdelay $0x3  }
0x9a: {  	v3 =	vperm.xlane v3, v2  }
0x9b: {  	[hbm4b:s3+s2] =	stream.indirect_vreg.scatter [tilespmem:s20], [sflag:$0x1], $0x80, v4, vm0, $0xb8;
	[tilespmem:$0xC100] =	vst v63  }
0x9c: {  	v3 =	vadd.s32 v1, v3  }
0x9d: {  	[hbm4b:s4+s2] =	stream.indirect_vreg.scatter [tilespmem:s21], [sflag:$0x1], $0x80, v4, vm0, $0xb8;
	[tilespmem:$0xC100] =	vst v63  }
0x9e: {  	_ = 	snop  }
0x9f: {  	[hbm4b:s5+s2] =	stream.indirect_vreg.scatter [tilespmem:s22], [sflag:$0x1], $0x80, v4, vm0, $0xb8;
	[tilespmem:$0xC100] =	vst v63  }
0xa0: {  	_ = 	snop  }
0xa1: {  	[hbm4b:s3+s2] =	stream.indirect_vreg.scatter [tilespmem:s23], [sflag:$0x1], $0x80, v3, vm0, $0xb8;
	[tilespmem:$0xC100] =	vst v63  }
0xa2: {  	_ = 	snop  }
0xa3: {  	[hbm4b:s4+s2] =	stream.indirect_vreg.scatter [tilespmem:s24], [sflag:$0x1], $0x80, v3, vm0, $0xb8;
	[tilespmem:$0xC100] =	vst v63  }
0xa4: {  	_ = 	snop  }
0xa5: {  	[hbm4b:s5+s2] =	stream.indirect_vreg.scatter [tilespmem:s25], [sflag:$0x1], $0x80, v3, vm0, $0xb8;
	[tilespmem:$0xC100] =	vst v63  }
0xa6: {  	v3 =	vld [tilespmem:$0xB0];
	_ =	sdelay $0x4  }
0xa7: {  	v63 =	vshrl.u32 v3, $0x3  }
0xa8: {  	v4 =	vmul.u32 $0x30, v63  }
0xa9: {  	v3 =	vand.u32 $0x7, v3  }
0xaa: {  	v3 =	vor.u32 v3, v4  }
0xab: {  	v4 =	vperm.xlane v3, v0;
	_ =	sdelay $0x1  }
0xac: {  	v4 =	vadd.s32 v1, v4;
	_ =	sdelay $0x3  }
0xad: {  	v3 =	vperm.xlane v3, v2  }
0xae: {  	[hbm4b:s3+s2] =	stream.indirect_vreg.scatter [tilespmem:s26], [sflag:$0x1], $0x80, v4, vm0, $0xb8;
	[tilespmem:$0xC100] =	vst v63  }
0xaf: {  	v3 =	vadd.s32 v1, v3  }
0xb0: {  	[hbm4b:s4+s2] =	stream.indirect_vreg.scatter [tilespmem:s28], [sflag:$0x1], $0x80, v4, vm0, $0xb8;
	[tilespmem:$0xC100] =	vst v63  }
0xb1: {  	_ = 	snop  }
0xb2: {  	[hbm4b:s5+s2] =	stream.indirect_vreg.scatter [tilespmem:s29], [sflag:$0x1], $0x80, v4, vm0, $0xb8;
	[tilespmem:$0xC100] =	vst v63  }
0xb3: {  	_ = 	snop  }
0xb4: {  	[hbm4b:s3+s2] =	stream.indirect_vreg.scatter [tilespmem:s30], [sflag:$0x1], $0x80, v3, vm0, $0xb8;
	[tilespmem:$0xC100] =	vst v63  }
0xb5: {  	_ = 	snop  }
0xb6: {  	[hbm4b:s4+s2] =	stream.indirect_vreg.scatter [tilespmem:s31], [sflag:$0x1], $0x80, v3, vm0, $0xb8;
	[tilespmem:$0xC100] =	vst v63  }
0xb7: {  	_ = 	snop  }
0xb8: {  	[hbm4b:s5+s2] =	stream.indirect_vreg.scatter [tilespmem:s0], [sflag:$0x1], $0x80, v3, vm0, $0xb8;
	[tilespmem:$0xC100] =	vst v63  }
0xb9: {  	p0 =	sne.s32 s6, $0x1;
	_ =	swait.ge [sflag:s1], $0xC000  }
.Ltmp0:
0xba: {  	[sflag:s1] =	ssyncset.done $0x0;
	(pc) =	sbr.rel @p0 .LBB2_1-.Ltmp0, $4  }
0xbb: {  	[sflag:s1] =	ssyncadd.s32 $0xFFFF4000  }
0xbc: {  	_ =	swait.ge [sflag:s1], $0xC000  }
0xbd: {  	[sflag:s1] =	ssyncset.done $0x0  }
0xbe: {  	s6 =	sadd.s32 $0xFFFFFFFF, s6;
	[sflag:s1] =	ssyncadd.s32 $0xFFFF4000  }
0xbf: {  	_ =	sfence.sel $0x180000  }
0xc0: {  	[bflag:$0x0] =	sbarrier.arrive $0xFFFF  }
0xc1: {  	_ =	strace $0x90000047  }
0xc2: {  	s0 =	stileid.u32;
	[bflag:$0x2] =	sbarrier.arrive $0xFFFF  }
0xc3: {  	p0 =	sne.s32 s0, $0x0;
	s0 =	rddreg [dreg:$0x2]  }
0xc4: {  	s0 =	sadd.s32 @!p0 $0x100000, s0  }
0xc5: {  	[sflag:s0] =	ssyncadd.tile.s32 @!p0 $0x1;
	_ =	shalt  }
.Lfunc_end2:
_tile_overlayer_lowered:
.L_overlay_start_2:
0xc6: {  	(tag) =	ssettag $0x2  }
0xc7: {  	s0 =	rddreg [dreg:$0x0];
	s2 =	stileid.u32  }
0xc8: {  	s1 =	rddreg [dreg:$0x1];
	p0 =	sne.s32 s2, $0x0  }
0xc9: {  	s3 =	rddreg [dreg:$0x2];
	[bflag:$0x3] =	sbarrier.arrive $0xFFFF;
	s2 =	simm.s32 @!p0 $0x1C02  }
0xca: {  	[timem:s3], [sflag:s2] =	dma.local @!p0 [hbm:s0], s1  }
0xcb: {  	s0 =	simm.s32 @!p0 $0x2  }
0xcc: {  	_ =	swait.ge @!p0 [sflag:s0], s1  }
0xcd: {  	s1 =	ssub.s32 @!p0 $0x0, s1;
	[sflag:s0] =	ssyncset.done @!p0 $0x0  }
0xce: {  	[sflag:s0] =	ssyncadd.s32 @!p0 s1  }
0xcf: {  	[bflag:$0x3] =	sbarrier.arrive $0xFFFF  }
0xd0: {  	_ =	shalt  }

// kernel: kernel.9.cloned.1.call-start
scs
__scs_entry_jumppad:
0x0: {  	(pc) =	sbr.rel $0x88, $3  }
0x1: {  	(tag) =	ssettag $0x0;
	lr =	simm.s32 $0x1  }
0x2: {  	[smem:$0x3F9C] =	sst lr;
	_ =	strace $0xD0000000  }
0x3: {  	_ = 	snop  }
0x4: {  	_ = 	snop  }
0x5: {  	_ = 	snop  }
0x6: {  	_ = 	snop  }
0x7: {  	_ = 	snop  }
__scs_overlays_trampoline_lowered:
0x8: {  	[smem:$0x3FAB] =	sst s0  }
0x9: {  	[smem:$0x3FAC] =	sst s1  }
0xa: {  	[smem:$0x3FAD] =	sst s2  }
0xb: {  	[smem:$0x3FAE] =	sst s3  }
0xc: {  	[smem:$0x3FAF] =	sst s4  }
0xd: {  	[smem:$0x3FB0] =	sst s5  }
0xe: {  	[smem:$0x3FB1] =	sst s6  }
0xf: {  	[smem:$0x3FB2] =	sst s7  }
0x10: {  	[smem:$0x3FB3] =	sst s8  }
0x11: {  	[smem:$0x3FB4] =	sst s9;
	s0 =	simm.s32 @!p0 $0x0  }
0x12: {  	s1 =	sld [smem:$0x3F9A];
	s0 =	simm.s32 @p0 $0x1  }
0x13: {  	[smem:$0x3FB5] =	sst s0;
	s0 =	simm.s32 @!p1 $0x0  }
0x14: {  	s2 =	sld [smem:$0x3F99];
	s0 =	simm.s32 @p1 $0x1  }
0x15: {  	[smem:$0x3FB6] =	sst s0;
	s0 =	simm.s32 @!p2 $0x0  }
0x16: {  	s3 =	sld [smem:$0x3FDB];
	s0 =	simm.s32 @p2 $0x1  }
0x17: {  	s4 =	simm.s32 $0x1BF5;
	[smem:$0x3FB8] =	sst s0  }
0x18: {  	s0 =	sld [smem:$0x3F9B];
	_ =	swait.ge [sflag:s4], $0x0  }
0x19: {  	s7 =	sld [smem:$0x3F9C]  }
0x1a: {  	s8 =	sadd.s32 $0xFFFFE003, lr  }
0x1b: {  	s9 =	sadd.s32 $0xFFFFFEF7, lr;
	s5 =	simm.s32 $0xFFFFFFFF;
	p2 =	slt.u32 s8, $0xFFFFF086  }
0x1c: {  	p1 =	slt.u32 s9, $0xF7A;
	s5 =	simm.s32 @!p2 $0x0  }
0x1d: {  	s5 =	simm.s32 @p1 $0x1;
	p0 =	seq.s32 s7, s2  }
0x1e: {  	s7 =	smul.u32 @!p0 $0xF7A, s2;
	p2 =	seq.s32 @!p0 s5, $0x0  }
0x1f: {  	s9 =	smul.u32 $0xF7A, s1;
	s8 =	simm.s32 @!p0 $0x1BF5;
	p2 =	por !p2, p0  }
0x20: {  	[sflag:s8] =	ssyncset.s32 @!p0 $0xFFFFF086;
	s6 =	sadd.s32 @!p0 s3, s7;
	s7 =	simm.s32 @!p0 $0x108  }
0x21: {  	s3 =	sadd.s32 s3, s9;
	s6 =	sadd.s32 @!p0 $0x88, s6;
	s7 =	simm.s32 @p2 $0x1082  }
0x22: {  	[simem:s7], [sflag:s8] =	dma.local @!p0 [hbm:s6], $0xF7A  }
0x23: {  	s9 =	sor.u32 $0xD0000000, s2;
	s6 =	simm.s32 $0x108;
	_ =	swait.ge @!p0 [sflag:s8], $0x0  }
0x24: {  	s3 =	sadd.s32 $0x88, s3;
	s6 =	simm.s32 @!p1 $0x1082;
	[sflag:s4] =	ssyncset.s32 $0xFFFFF086  }
0x25: {  	[simem:s6], [sflag:s4] =	dma.local [hbm:s3], $0xF7A  }
0x26: {  	[smem:$0x3F9C] =	sst s1;
	(tag) =	ssettag s2;
	_ =	strace s9  }
0x27: {  	s1 =	sld [smem:$0x3FAC]  }
0x28: {  	s2 =	sld [smem:$0x3FAD]  }
0x29: {  	s4 =	sld [smem:$0x3FAF]  }
0x2a: {  	p0 =	seq.s32 s5, $0x0;
	s5 =	sld [smem:$0x3FB0]  }
0x2b: {  	s6 =	sld [smem:$0x3FB1]  }
0x2c: {  	s7 =	sld [smem:$0x3FB2]  }
0x2d: {  	s3 =	simm.s32 $0x108;
	s8 =	sld [smem:$0x3FB3]  }
0x2e: {  	s3 =	simm.s32 @!p0 $0x1082;
	s9 =	sld [smem:$0x3FB4]  }
0x2f: {  	lr =	sadd.s32 s0, s3;
	s0 =	sld [smem:$0x3FAB]  }
0x30: {  	s3 =	sld [smem:$0x3FAE]  }
0x31: {  	[smem:$0x3FB7] =	sst s10  }
0x32: {  	s10 =	sld [smem:$0x3FB5];
	_ =	sdelay $0x3  }
0x33: {  	p0 =	seq.s32 s10, $0x1;
	s10 =	sld [smem:$0x3FB7];
	_ =	sdelay $0x3  }
0x34: {  	[smem:$0x3FB7] =	sst s10  }
0x35: {  	s10 =	sld [smem:$0x3FB6];
	_ =	sdelay $0x3  }
0x36: {  	p1 =	seq.s32 s10, $0x1;
	s10 =	sld [smem:$0x3FB7];
	_ =	sdelay $0x3  }
0x37: {  	[smem:$0x3FB7] =	sst s10  }
0x38: {  	s10 =	sld [smem:$0x3FB8]  }
0x39: {  	_ = 	snop;
	(pc) =	sbr.ind lr, $3  }
0x3a: {  	_ = 	snop  }
0x3b: {  	_ = 	snop  }
0x3c: {  	p2 =	seq.s32 s10, $0x1;
	s10 =	sld [smem:$0x3FB7]  }
0x3d: {  	_ =	shalt  }
0x3e: {  	_ =	shalt  }
0x3f: {  	_ =	shalt  }
0x40: {  	_ =	shalt  }
0x41: {  	_ =	shalt  }
0x42: {  	_ =	shalt  }
0x43: {  	_ =	shalt  }
0x44: {  	_ =	shalt  }
0x45: {  	_ =	shalt  }
0x46: {  	_ =	shalt  }
0x47: {  	_ =	shalt  }
0x48: {  	_ =	shalt  }
0x49: {  	_ =	shalt  }
0x4a: {  	_ =	shalt  }
0x4b: {  	_ =	shalt  }
0x4c: {  	_ =	shalt  }
0x4d: {  	_ =	shalt  }
0x4e: {  	_ =	shalt  }
0x4f: {  	_ =	shalt  }
0x50: {  	_ =	shalt  }
0x51: {  	_ =	shalt  }
0x52: {  	_ =	shalt  }
0x53: {  	_ =	shalt  }
0x54: {  	_ =	shalt  }
0x55: {  	_ =	shalt  }
0x56: {  	_ =	shalt  }
0x57: {  	_ =	shalt  }
0x58: {  	_ =	shalt  }
0x59: {  	_ =	shalt  }
0x5a: {  	_ =	shalt  }
0x5b: {  	_ =	shalt  }
0x5c: {  	_ =	shalt  }
0x5d: {  	_ =	shalt  }
0x5e: {  	_ =	shalt  }
0x5f: {  	_ =	shalt  }
0x60: {  	_ =	shalt  }
0x61: {  	_ =	shalt  }
0x62: {  	_ =	shalt  }
0x63: {  	_ =	shalt  }
0x64: {  	_ =	shalt  }
0x65: {  	_ =	shalt  }
0x66: {  	_ =	shalt  }
0x67: {  	_ =	shalt  }
0x68: {  	_ =	shalt  }
0x69: {  	_ =	shalt  }
0x6a: {  	_ =	shalt  }
0x6b: {  	_ =	shalt  }
0x6c: {  	_ =	shalt  }
0x6d: {  	_ =	shalt  }
0x6e: {  	_ =	shalt  }
0x6f: {  	_ =	shalt  }
0x70: {  	_ =	shalt  }
0x71: {  	_ =	shalt  }
0x72: {  	_ =	shalt  }
0x73: {  	_ =	shalt  }
0x74: {  	_ =	shalt  }
0x75: {  	_ =	shalt  }
0x76: {  	_ =	shalt  }
0x77: {  	_ =	shalt  }
0x78: {  	_ =	shalt  }
0x79: {  	_ =	shalt  }
0x7a: {  	_ =	shalt  }
0x7b: {  	_ =	shalt  }
0x7c: {  	_ =	shalt  }
0x7d: {  	_ =	shalt  }
0x7e: {  	_ =	shalt  }
0x7f: {  	_ =	shalt  }
0x80: {  	_ =	shalt  }
0x81: {  	_ =	shalt  }
0x82: {  	_ =	shalt  }
0x83: {  	_ =	shalt  }
0x84: {  	_ =	shalt  }
0x85: {  	_ =	shalt  }
0x86: {  	_ =	shalt  }
0x87: {  	_ =	shalt  }
.Lfunc_end0:
.L_simem_size_0:
called_computation.1_lowered:
.L_overlay_start_0:
0x88: {  	s2 =	sld [smem:$0x3FD9]  }
0x89: {  	s3 =	sld [smem:$0x3FFE];
	_ =	sdelay $0x1  }
0x8a: {  	s1 =	srdreg.scid  }
0x8b: {  	s0 =	sand.u32 $0x1, s1  }
0x8c: {  	s17 =	sshll.u32 s0, $0xA;
	s2 =	sadd.s32 s3, s2  }
0x8d: {  	s2 =	sadd.s32 s2, s17  }
0x8e: {  	[smem:$0x3FC3] =	sst s2  }
0x8f: {  	_ = 	snop  }
0x90: {  	s2 =	sld [smem:$0x3FD0];
	(tm) =	ssettm $0x1  }
0x91: {  	s18 =	sld [smem:$0x3FFB];
	_ =	sdelay $0x3  }
0x92: {  	_ =	strace s18  }
0x93: {  	s3 =	sld [smem:$0x3FFC];
	_ =	sdelay $0x3  }
0x94: {  	_ =	strace s3  }
0x95: {  	s3 =	sld [smem:$0x3FFD];
	_ =	sdelay $0x3  }
0x96: {  	_ =	strace s3  }
0x97: {  	_ =	strace $0x8FFFFFFF  }
0x98: {  	s19 =	sld [smem:$0x3FDB];
	_ =	sdelay $0x1  }
0x99: {  	s4 =	simm.s32 $_scs_section_size  }
0x9a: {  	s5 =	simm.s32 $_size__tile_overlayer_lowered;
	s6 =	simm.s32 $_tile_overlayer_lowered  }
0x9b: {  	s22 =	simm.s32 $0x1BFF;
	s21 =	sshll.u32 s6, $0x1;
	s3 =	sadd.s32 s4, s19  }
0x9c: {  	s7 =	simm.s32 $0x0;
	s20 =	sshll.u32 s5, $0x1;
	s5 =	sadd.s32 s21, s3  }
0x9d: {  	[timem:s7], [sflag:s22] =	dma.local [hbm:s5], s20  }
0x9e: {  	_ =	swait.ge [sflag:s22], s20  }
0x9f: {  	s4 =	ssub.s32 $0x0, s20;
	[sflag:s22] =	ssyncset.done $0x0  }
0xa0: {  	[sflag:s22] =	ssyncadd.s32 s4;
	_ =	sdelay $0x1  }
0xa1: {  	s23 =	simm.s32 $0x1B8B  }
0xa2: {  	_ =	swait.ge [sflag:s23], $0x1  }
0xa3: {  	[sflag:s23] =	ssyncset.done $0x0  }
0xa4: {  	s25 =	simm.s32 $0x1B8E;
	s24 =	sld [smem:$0x3FFE];
	[sflag:s23] =	ssyncadd.s32 $0xFFFFFFFF  }
0xa5: {  	s26 =	simm.s32 $execute0_lowered;
	[smem:$0x3FD2] =	sst s25  }
0xa6: {  	s5 =	sshll.u32 s26, $0x1;
	_ =	strace $0x80000049;
	[dreg:$0x1] =	wrdreg $0xFFFFFFFF  }
0xa7: {  	s28 =	simm.s32 $_size_execute0_lowered;
	s3 =	sadd.s32 s3, s5;
	[dreg:$0x0] =	wrdreg $0x0  }
0xa8: {  	s5 =	sshll.u32 s28, $0x1;
	[dreg:$0x2] =	wrdreg s3  }
0xa9: {  	[dreg:$0x3] =	wrdreg s5  }
0xaa: {  	[dreg:$0x4] =	wrdreg $0xC0  }
0xab: {  	_ =	task [dreg:s7], $0x5FFFF  }
0xac: {  	[dreg:$0x1] =	wrdreg $0xFFFFFFFF  }
0xad: {  	[dreg:$0x0] =	wrdreg $0x60  }
0xae: {  	[dreg:$0x2] =	wrdreg s24  }
0xaf: {  	[dreg:$0x3] =	wrdreg s2  }
0xb0: {  	[dreg:$0x4] =	wrdreg $0x9  }
0xb1: {  	_ =	task.clear_ibuf [dreg:s7], $0x5FFFF;
	_ =	strace $0x90000049  }
0xb2: {  	s29 =	simm.s32 $0x9;
	_ =	strace $0x8000004B  }
0xb3: {  	_ =	swait.ge [sflag:s29], $0x1  }
0xb4: {  	[sflag:s29] =	ssyncadd.s32 $0xFFFFFFFF  }
0xb5: {  	_ =	strace $0x9000004B  }
0xb6: {  	_ =	sfence  }
0xb7: {  	s30 =	sld [smem:$0x0];
	_ =	sdelay $0x2  }
0xb8: {  	s31 =	sshll.u32 s1, $0xD;
	s1 =	sshrl.u32 s1, $0x2  }
0xb9: {  	s3 =	sand.u32 $0x4000, s31;
	s1 =	sadd.s32 s1, s30  }
0xba: {  	s0 =	sor.u32 s3, s0;
	s1 =	sshll.u32 s1, $0x11  }
0xbb: {  	s0 =	sor.u32 s1, s0  }
0xbc: {  	s0 =	sadd.s32 $0x8F2B, s0  }
0xbd: {  	[sflag:s0] =	ssyncadd.remote.s32 $0x1  }
0xbe: {  	_ =	sfence.sel $0xFFFF  }
0xbf: {  	[dreg:$0x0] =	wrdreg $0xFFFFFFFF;
	(pc) =	sbr.abs _section_cstart, $3  }
0xc0: {  	[dreg:$0x1] =	wrdreg $0xFFFFFFFF  }
0xc1: {  	_ =	task.clear_ibuf [dreg:s7], $0x2FFFF;
	_ =	strace $0x9FFFFFFF  }
0xc2: {  	(tm) =	ssettm $0x7FFFFFFF  }
0xc3: {  	_ =	shalt  }
tec
execute0_lowered:
.L_overlay_start_1:
0x0: {  	(tag) =	ssettag $0x1  }
0x1: {  	s0 =	rddreg [dreg:$0x0]  }
0x2: {  	s1 =	rddreg [dreg:$0x1];
	s3 =	srdreg.scid  }
0x3: {  	s2 =	simm.s32 $0x0;
	s5 =	stileid.u32;
	s12 =	simm.s32 $0x2  }
0x4: {  	s14 =	simm.s32 $0x4100;
	s13 =	simm.s32 $0x17100;
	s15 =	simm.s32 $0x17900  }
0x5: {  	s16 =	simm.s32 $0x18100;
	s17 =	simm.s32 $0x18900;
	s18 =	simm.s32 $0x19100  }
0x6: {  	s19 =	simm.s32 $0x19900;
	s20 =	simm.s32 $0x1A100;
	s21 =	simm.s32 $0x1A900  }
0x7: {  	s22 =	simm.s32 $0x1B100;
	s23 =	simm.s32 $0x1B900;
	s24 =	simm.s32 $0x1  }
0x8: {  	s25 =	simm.s32 $0x0;
	s4 =	sand.u32 $0x1, s3;
	[smem:$0x7FF] =	sst s2  }
0x9: {  	s30 =	sshll.u32 s5, $0x7;
	s3 =	sadd.s32 $0xA0E00, s0;
	s31 =	sshll.u32 s4, $0x6  }
0xa: {  	_ =	strace $0x8000004A;
	s4 =	ssub.s32 $0x2, s4;
	s5 =	sor.u32 s31, s30  }
0xb: {  	s8 =	sshrl.u32 s4, $0x1;
	s7 =	sshrl.u32 s5, $0x3;
	s5 =	sshll.u32 s5, $0x4  }
0xc: {  	s11 =	ssub.s32 s4, s8;
	s8 =	sadd.s32 $0xA0F00, s0;
	s6 =	sadd.s32 s7, s0  }
0xd: {  	v2 =	vlaneseq.u32;
	s9 =	sadd.s32 s5, s0;
	s10 =	smul.u32 $0x300, s7;
	s11 =	smax.u32 s11, $0x1  }
0xe: {  	vm0 =	vmmov $0xffff;
	v1 =	vshrl.u32 v2, $0x3;
	s4 =	sadd.s32 $0x10A00, s6;
	s5 =	sadd.s32 $0x10C00, s6;
	s6 =	sadd.s32 $0xA00, s9  }
0xf: {  	v0 =	vand.u32 $0x7, v2;
	v2 =	vor.u32 $0x8, v2;
	v1 =	vmul.u32 $0x8, v1;
	s7 =	sadd.s32 $0x8A00, s9;
	s9 =	sadd.s32 $0xA1000, s0;
	s10 =	sadd.s32 s1, s10  }
.LBB2_1:
0x10: {  	[tilespmem:s2], [sflag:$0x2] =	stream.linear.gather [hbm4b:s4+s2], $0x40, $0x38;
	[tilespmem:$0x1C100] =	vst v63  }
0x11: {  	_ =	swait.ge [sflag:s12], $0x40  }
0x12: {  	[sflag:s12] =	ssyncset.done $0x0  }
0x13: {  	s0 =	simm.s32 $0x80;
	[sflag:s12] =	ssyncadd.s32 $0xFFFFFFC0  }
0x14: {  	[tilespmem:s0], [sflag:$0x2] =	stream.linear.gather [hbm4b:s5+s2], $0x40, $0x38;
	[tilespmem:$0x1C100] =	vst v63  }
0x15: {  	_ =	swait.ge [sflag:s12], $0x40  }
0x16: {  	[sflag:s12] =	ssyncset.done $0x0  }
0x17: {  	s26 =	simm.s32 $0x100;
	[sflag:s12] =	ssyncadd.s32 $0xFFFFFFC0  }
0x18: {  	[tilespmem:s26], [sflag:$0x2] =	stream.linear.gather [hbm4b:s6+s2], $0x2000, $0x38;
	[tilespmem:$0x1C100] =	vst v63  }
0x19: {  	_ =	swait.ge [sflag:s12], $0x2000  }
0x1a: {  	[sflag:s12] =	ssyncset.done $0x0  }
0x1b: {  	s28 =	simm.s32 $0x2100;
	[sflag:s12] =	ssyncadd.s32 $0xFFFFE000  }
0x1c: {  	[tilespmem:s28], [sflag:$0x2] =	stream.linear.gather [hbm4b:s7+s2], $0x2000, $0x38;
	[tilespmem:$0x1C100] =	vst v63  }
0x1d: {  	_ =	swait.ge [sflag:s12], $0x2000  }
0x1e: {  	[sflag:s12] =	ssyncset.done $0x0  }
0x1f: {  	[sflag:s12] =	ssyncadd.s32 $0xFFFFE000  }
0x20: {  	v3 =	vld [tilespmem:$0x0];
	_ =	sdelay $0x4  }
0x21: {  	v4 =	vshrl.u32 v3, $0x3  }
0x22: {  	v4 =	vmul.u32 $0x30, v4  }
0x23: {  	v3 =	vand.u32 $0x7, v3  }
0x24: {  	v3 =	vor.u32 v3, v4  }
0x25: {  	v4 =	vperm.xlane v3, v0;
	_ =	sdelay $0x1  }
0x26: {  	v4 =	vadd.s32 v1, v4;
	_ =	sdelay $0x3  }
0x27: {  	v3 =	vperm.xlane v3, v2  }
0x28: {  	[tilespmem:s14], [sflag:$0x1] =	stream.indirect_vreg.gather [hbm4b:s3+s2], $0x80, v4, vm0, $0xb8;
	[tilespmem:$0x1C100] =	vst v63  }
0x29: {  	s1 =	simm.s32 $0x4900;
	v3 =	vadd.s32 v1, v3  }
0x2a: {  	[tilespmem:s1], [sflag:$0x1] =	stream.indirect_vreg.gather [hbm4b:s8+s2], $0x80, v4, vm0, $0xb8;
	[tilespmem:$0x1C100] =	vst v63  }
0x2b: {  	s1 =	simm.s32 $0x5100  }
0x2c: {  	[tilespmem:s1], [sflag:$0x1] =	stream.indirect_vreg.gather [hbm4b:s9+s2], $0x80, v4, vm0, $0xb8;
	[tilespmem:$0x1C100] =	vst v63  }
0x2d: {  	s1 =	simm.s32 $0x5900  }
0x2e: {  	[tilespmem:s1], [sflag:$0x1] =	stream.indirect_vreg.gather [hbm4b:s3+s2], $0x80, v3, vm0, $0xb8;
	[tilespmem:$0x1C100] =	vst v63  }
0x2f: {  	s1 =	simm.s32 $0x6100  }
0x30: {  	[tilespmem:s1], [sflag:$0x1] =	stream.indirect_vreg.gather [hbm4b:s8+s2], $0x80, v3, vm0, $0xb8;
	[tilespmem:$0x1C100] =	vst v63  }
0x31: {  	s1 =	simm.s32 $0x6900  }
0x32: {  	[tilespmem:s1], [sflag:$0x1] =	stream.indirect_vreg.gather [hbm4b:s9+s2], $0x80, v3, vm0, $0xb8;
	[tilespmem:$0x1C100] =	vst v63  }
0x33: {  	v3 =	vld [tilespmem:$0x10];
	_ =	sdelay $0x4  }
0x34: {  	v4 =	vshrl.u32 v3, $0x3  }
0x35: {  	v4 =	vmul.u32 $0x30, v4  }
0x36: {  	v3 =	vand.u32 $0x7, v3  }
0x37: {  	v3 =	vor.u32 v3, v4  }
0x38: {  	v4 =	vperm.xlane v3, v0;
	_ =	sdelay $0x1  }
0x39: {  	v4 =	vadd.s32 v1, v4;
	_ =	sdelay $0x3  }
0x3a: {  	s1 =	simm.s32 $0x7100;
	v3 =	vperm.xlane v3, v2  }
0x3b: {  	[tilespmem:s1], [sflag:$0x1] =	stream.indirect_vreg.gather [hbm4b:s3+s2], $0x80, v4, vm0, $0xb8;
	[tilespmem:$0x1C100] =	vst v63  }
0x3c: {  	v3 =	vadd.s32 v1, v3;
	s1 =	simm.s32 $0x7900  }
0x3d: {  	[tilespmem:s1], [sflag:$0x1] =	stream.indirect_vreg.gather [hbm4b:s8+s2], $0x80, v4, vm0, $0xb8;
	[tilespmem:$0x1C100] =	vst v63  }
0x3e: {  	s1 =	simm.s32 $0x8100  }
0x3f: {  	[tilespmem:s1], [sflag:$0x1] =	stream.indirect_vreg.gather [hbm4b:s9+s2], $0x80, v4, vm0, $0xb8;
	[tilespmem:$0x1C100] =	vst v63  }
0x40: {  	s1 =	simm.s32 $0x8900  }
0x41: {  	[tilespmem:s1], [sflag:$0x1] =	stream.indirect_vreg.gather [hbm4b:s3+s2], $0x80, v3, vm0, $0xb8;
	[tilespmem:$0x1C100] =	vst v63  }
0x42: {  	s1 =	simm.s32 $0x9100  }
0x43: {  	[tilespmem:s1], [sflag:$0x1] =	stream.indirect_vreg.gather [hbm4b:s8+s2], $0x80, v3, vm0, $0xb8;
	[tilespmem:$0x1C100] =	vst v63  }
0x44: {  	s1 =	simm.s32 $0x9900  }
0x45: {  	[tilespmem:s1], [sflag:$0x1] =	stream.indirect_vreg.gather [hbm4b:s9+s2], $0x80, v3, vm0, $0xb8;
	[tilespmem:$0x1C100] =	vst v63  }
0x46: {  	v3 =	vld [tilespmem:$0x20];
	_ =	sdelay $0x4  }
0x47: {  	v4 =	vshrl.u32 v3, $0x3  }
0x48: {  	v4 =	vmul.u32 $0x30, v4  }
0x49: {  	v3 =	vand.u32 $0x7, v3  }
0x4a: {  	v3 =	vor.u32 v3, v4  }
0x4b: {  	v4 =	vperm.xlane v3, v0;
	_ =	sdelay $0x1  }
0x4c: {  	v4 =	vadd.s32 v1, v4;
	_ =	sdelay $0x3  }
0x4d: {  	s1 =	simm.s32 $0xA100;
	v3 =	vperm.xlane v3, v2  }
0x4e: {  	[tilespmem:s1], [sflag:$0x1] =	stream.indirect_vreg.gather [hbm4b:s3+s2], $0x80, v4, vm0, $0xb8;
	[tilespmem:$0x1C100] =	vst v63  }
0x4f: {  	v3 =	vadd.s32 v1, v3;
	s1 =	simm.s32 $0xA900  }
0x50: {  	[tilespmem:s1], [sflag:$0x1] =	stream.indirect_vreg.gather [hbm4b:s8+s2], $0x80, v4, vm0, $0xb8;
	[tilespmem:$0x1C100] =	vst v63  }
0x51: {  	s1 =	simm.s32 $0xB100  }
0x52: {  	[tilespmem:s1], [sflag:$0x1] =	stream.indirect_vreg.gather [hbm4b:s9+s2], $0x80, v4, vm0, $0xb8;
	[tilespmem:$0x1C100] =	vst v63  }
0x53: {  	s1 =	simm.s32 $0xB900  }
0x54: {  	[tilespmem:s1], [sflag:$0x1] =	stream.indirect_vreg.gather [hbm4b:s3+s2], $0x80, v3, vm0, $0xb8;
	[tilespmem:$0x1C100] =	vst v63  }
0x55: {  	s1 =	simm.s32 $0xC100  }
0x56: {  	[tilespmem:s1], [sflag:$0x1] =	stream.indirect_vreg.gather [hbm4b:s8+s2], $0x80, v3, vm0, $0xb8;
	[tilespmem:$0x1C100] =	vst v63  }
0x57: {  	s1 =	simm.s32 $0xC900  }
0x58: {  	[tilespmem:s1], [sflag:$0x1] =	stream.indirect_vreg.gather [hbm4b:s9+s2], $0x80, v3, vm0, $0xb8;
	[tilespmem:$0x1C100] =	vst v63  }
0x59: {  	v3 =	vld [tilespmem:$0x30];
	_ =	sdelay $0x4  }
0x5a: {  	v4 =	vshrl.u32 v3, $0x3  }
0x5b: {  	v4 =	vmul.u32 $0x30, v4  }
0x5c: {  	v3 =	vand.u32 $0x7, v3  }
0x5d: {  	v3 =	vor.u32 v3, v4  }
0x5e: {  	v4 =	vperm.xlane v3, v0;
	_ =	sdelay $0x1  }
0x5f: {  	v4 =	vadd.s32 v1, v4;
	_ =	sdelay $0x3  }
0x60: {  	s1 =	simm.s32 $0xD100;
	v3 =	vperm.xlane v3, v2  }
0x61: {  	[tilespmem:s1], [sflag:$0x1] =	stream.indirect_vreg.gather [hbm4b:s3+s2], $0x80, v4, vm0, $0xb8;
	[tilespmem:$0x1C100] =	vst v63  }
0x62: {  	v3 =	vadd.s32 v1, v3;
	s1 =	simm.s32 $0xD900  }
0x63: {  	[tilespmem:s1], [sflag:$0x1] =	stream.indirect_vreg.gather [hbm4b:s8+s2], $0x80, v4, vm0, $0xb8;
	[tilespmem:$0x1C100] =	vst v63  }
0x64: {  	s1 =	simm.s32 $0xE100  }
0x65: {  	[tilespmem:s1], [sflag:$0x1] =	stream.indirect_vreg.gather [hbm4b:s9+s2], $0x80, v4, vm0, $0xb8;
	[tilespmem:$0x1C100] =	vst v63  }
0x66: {  	s1 =	simm.s32 $0xE900  }
0x67: {  	[tilespmem:s1], [sflag:$0x1] =	stream.indirect_vreg.gather [hbm4b:s3+s2], $0x80, v3, vm0, $0xb8;
	[tilespmem:$0x1C100] =	vst v63  }
0x68: {  	s1 =	simm.s32 $0xF100  }
0x69: {  	[tilespmem:s1], [sflag:$0x1] =	stream.indirect_vreg.gather [hbm4b:s8+s2], $0x80, v3, vm0, $0xb8;
	[tilespmem:$0x1C100] =	vst v63  }
0x6a: {  	s1 =	simm.s32 $0xF900  }
0x6b: {  	[tilespmem:s1], [sflag:$0x1] =	stream.indirect_vreg.gather [hbm4b:s9+s2], $0x80, v3, vm0, $0xb8;
	[tilespmem:$0x1C100] =	vst v63  }
0x6c: {  	v3 =	vld [tilespmem:$0x80];
	_ =	sdelay $0x4  }
0x6d: {  	v4 =	vshrl.u32 v3, $0x3  }
0x6e: {  	v4 =	vmul.u32 $0x30, v4  }
0x6f: {  	v3 =	vand.u32 $0x7, v3  }
0x70: {  	v3 =	vor.u32 v3, v4  }
0x71: {  	v4 =	vperm.xlane v3, v0;
	_ =	sdelay $0x1  }
0x72: {  	v4 =	vadd.s32 v1, v4;
	_ =	sdelay $0x3  }
0x73: {  	s1 =	simm.s32 $0x10100;
	v3 =	vperm.xlane v3, v2  }
0x74: {  	[tilespmem:s1], [sflag:$0x1] =	stream.indirect_vreg.gather [hbm4b:s3+s2], $0x80, v4, vm0, $0xb8;
	[tilespmem:$0x1C100] =	vst v63  }
0x75: {  	v3 =	vadd.s32 v1, v3;
	s1 =	simm.s32 $0x10900  }
0x76: {  	[tilespmem:s1], [sflag:$0x1] =	stream.indirect_vreg.gather [hbm4b:s8+s2], $0x80, v4, vm0, $0xb8;
	[tilespmem:$0x1C100] =	vst v63  }
0x77: {  	s1 =	simm.s32 $0x11100  }
0x78: {  	[tilespmem:s1], [sflag:$0x1] =	stream.indirect_vreg.gather [hbm4b:s9+s2], $0x80, v4, vm0, $0xb8;
	[tilespmem:$0x1C100] =	vst v63  }
0x79: {  	s1 =	simm.s32 $0x11900  }
0x7a: {  	[tilespmem:s1], [sflag:$0x1] =	stream.indirect_vreg.gather [hbm4b:s3+s2], $0x80, v3, vm0, $0xb8;
	[tilespmem:$0x1C100] =	vst v63  }
0x7b: {  	s1 =	simm.s32 $0x12100  }
0x7c: {  	[tilespmem:s1], [sflag:$0x1] =	stream.indirect_vreg.gather [hbm4b:s8+s2], $0x80, v3, vm0, $0xb8;
	[tilespmem:$0x1C100] =	vst v63  }
0x7d: {  	s1 =	simm.s32 $0x12900  }
0x7e: {  	[tilespmem:s1], [sflag:$0x1] =	stream.indirect_vreg.gather [hbm4b:s9+s2], $0x80, v3, vm0, $0xb8;
	[tilespmem:$0x1C100] =	vst v63  }
0x7f: {  	v3 =	vld [tilespmem:$0x90];
	_ =	sdelay $0x4  }
0x80: {  	v4 =	vshrl.u32 v3, $0x3  }
0x81: {  	v4 =	vmul.u32 $0x30, v4  }
0x82: {  	v3 =	vand.u32 $0x7, v3  }
0x83: {  	v3 =	vor.u32 v3, v4  }
0x84: {  	v4 =	vperm.xlane v3, v0;
	_ =	sdelay $0x1  }
0x85: {  	v4 =	vadd.s32 v1, v4;
	_ =	sdelay $0x3  }
0x86: {  	s1 =	simm.s32 $0x13100;
	v3 =	vperm.xlane v3, v2  }
0x87: {  	[tilespmem:s1], [sflag:$0x1] =	stream.indirect_vreg.gather [hbm4b:s3+s2], $0x80, v4, vm0, $0xb8;
	[tilespmem:$0x1C100] =	vst v63  }
0x88: {  	v3 =	vadd.s32 v1, v3;
	s1 =	simm.s32 $0x13900  }
0x89: {  	[tilespmem:s1], [sflag:$0x1] =	stream.indirect_vreg.gather [hbm4b:s8+s2], $0x80, v4, vm0, $0xb8;
	[tilespmem:$0x1C100] =	vst v63  }
0x8a: {  	s1 =	simm.s32 $0x14100  }
0x8b: {  	[tilespmem:s1], [sflag:$0x1] =	stream.indirect_vreg.gather [hbm4b:s9+s2], $0x80, v4, vm0, $0xb8;
	[tilespmem:$0x1C100] =	vst v63  }
0x8c: {  	s1 =	simm.s32 $0x14900  }
0x8d: {  	[tilespmem:s1], [sflag:$0x1] =	stream.indirect_vreg.gather [hbm4b:s3+s2], $0x80, v3, vm0, $0xb8;
	[tilespmem:$0x1C100] =	vst v63  }
0x8e: {  	s1 =	simm.s32 $0x15100  }
0x8f: {  	[tilespmem:s1], [sflag:$0x1] =	stream.indirect_vreg.gather [hbm4b:s8+s2], $0x80, v3, vm0, $0xb8;
	[tilespmem:$0x1C100] =	vst v63  }
0x90: {  	s1 =	simm.s32 $0x15900  }
0x91: {  	[tilespmem:s1], [sflag:$0x1] =	stream.indirect_vreg.gather [hbm4b:s9+s2], $0x80, v3, vm0, $0xb8;
	[tilespmem:$0x1C100] =	vst v63  }
0x92: {  	v3 =	vld [tilespmem:$0xA0];
	_ =	sdelay $0x4  }
0x93: {  	v4 =	vshrl.u32 v3, $0x3  }
0x94: {  	v4 =	vmul.u32 $0x30, v4  }
0x95: {  	v3 =	vand.u32 $0x7, v3  }
0x96: {  	v3 =	vor.u32 v3, v4  }
0x97: {  	v4 =	vperm.xlane v3, v0;
	_ =	sdelay $0x1  }
0x98: {  	v4 =	vadd.s32 v1, v4;
	_ =	sdelay $0x3  }
0x99: {  	s1 =	simm.s32 $0x16100;
	v3 =	vperm.xlane v3, v2  }
0x9a: {  	[tilespmem:s1], [sflag:$0x1] =	stream.indirect_vreg.gather [hbm4b:s3+s2], $0x80, v4, vm0, $0xb8;
	[tilespmem:$0x1C100] =	vst v63  }
0x9b: {  	v3 =	vadd.s32 v1, v3;
	s1 =	simm.s32 $0x16900  }
0x9c: {  	[tilespmem:s1], [sflag:$0x1] =	stream.indirect_vreg.gather [hbm4b:s8+s2], $0x80, v4, vm0, $0xb8;
	[tilespmem:$0x1C100] =	vst v63  }
0x9d: {  	_ = 	snop  }
0x9e: {  	[tilespmem:s13], [sflag:$0x1] =	stream.indirect_vreg.gather [hbm4b:s9+s2], $0x80, v4, vm0, $0xb8;
	[tilespmem:$0x1C100] =	vst v63  }
0x9f: {  	_ = 	snop  }
0xa0: {  	[tilespmem:s15], [sflag:$0x1] =	stream.indirect_vreg.gather [hbm4b:s3+s2], $0x80, v3, vm0, $0xb8;
	[tilespmem:$0x1C100] =	vst v63  }
0xa1: {  	_ = 	snop  }
0xa2: {  	[tilespmem:s16], [sflag:$0x1] =	stream.indirect_vreg.gather [hbm4b:s8+s2], $0x80, v3, vm0, $0xb8;
	[tilespmem:$0x1C100] =	vst v63  }
0xa3: {  	_ = 	snop  }
0xa4: {  	[tilespmem:s17], [sflag:$0x1] =	stream.indirect_vreg.gather [hbm4b:s9+s2], $0x80, v3, vm0, $0xb8;
	[tilespmem:$0x1C100] =	vst v63  }
0xa5: {  	v3 =	vld [tilespmem:$0xB0];
	_ =	sdelay $0x4  }
0xa6: {  	v4 =	vshrl.u32 v3, $0x3  }
0xa7: {  	v4 =	vmul.u32 $0x30, v4  }
0xa8: {  	v3 =	vand.u32 $0x7, v3  }
0xa9: {  	v3 =	vor.u32 v3, v4  }
0xaa: {  	v4 =	vperm.xlane v3, v0;
	_ =	sdelay $0x1  }
0xab: {  	v4 =	vadd.s32 v1, v4;
	_ =	sdelay $0x3  }
0xac: {  	v3 =	vperm.xlane v3, v2  }
0xad: {  	[tilespmem:s18], [sflag:$0x1] =	stream.indirect_vreg.gather [hbm4b:s3+s2], $0x80, v4, vm0, $0xb8;
	[tilespmem:$0x1C100] =	vst v63  }
0xae: {  	v3 =	vadd.s32 v1, v3  }
0xaf: {  	[tilespmem:s19], [sflag:$0x1] =	stream.indirect_vreg.gather [hbm4b:s8+s2], $0x80, v4, vm0, $0xb8;
	[tilespmem:$0x1C100] =	vst v63  }
0xb0: {  	_ = 	snop  }
0xb1: {  	[tilespmem:s20], [sflag:$0x1] =	stream.indirect_vreg.gather [hbm4b:s9+s2], $0x80, v4, vm0, $0xb8;
	[tilespmem:$0x1C100] =	vst v63  }
0xb2: {  	_ = 	snop  }
0xb3: {  	[tilespmem:s21], [sflag:$0x1] =	stream.indirect_vreg.gather [hbm4b:s3+s2], $0x80, v3, vm0, $0xb8;
	[tilespmem:$0x1C100] =	vst v63  }
0xb4: {  	_ = 	snop  }
0xb5: {  	[tilespmem:s22], [sflag:$0x1] =	stream.indirect_vreg.gather [hbm4b:s8+s2], $0x80, v3, vm0, $0xb8;
	[tilespmem:$0x1C100] =	vst v63  }
0xb6: {  	_ = 	snop  }
0xb7: {  	[tilespmem:s23], [sflag:$0x1] =	stream.indirect_vreg.gather [hbm4b:s9+s2], $0x80, v3, vm0, $0xb8;
	[tilespmem:$0x1C100] =	vst v63  }
0xb8: {  	_ =	swait.ge [sflag:s24], $0xC000  }
0xb9: {  	[sflag:s24] =	ssyncset.done $0x0  }
0xba: {  	s29 =	simm.s32 $0x0;
	[sflag:s24] =	ssyncadd.s32 $0xFFFF4000  }
0xbb: {  	s29 =	smul.u32 $0x1800, s29;
	_ =	swait.ge [sflag:s24], $0xC000  }
0xbc: {  	s30 =	sand.u32 $0x380, s2;
	[sflag:s24] =	ssyncset.done $0x0  }
0xbd: {  	s31 =	sor.u32 s30, s29;
	[sflag:s24] =	ssyncadd.s32 $0xFFFF4000  }
0xbe: {  	v4 =	vld [tilespmem:s31+$0x4110]  }
0xbf: {  	v3 =	vld [tilespmem:s31+$0x10110]  }
0xc0: {  	v6 =	vld [tilespmem:s31+$0x4120]  }
0xc1: {  	v5 =	vld [tilespmem:s31+$0x10120]  }
0xc2: {  	v10 =	vld [tilespmem:s31+$0x4130]  }
0xc3: {  	v9 =	vld [tilespmem:s31+$0x10130]  }
0xc4: {  	v12 =	vld [tilespmem:s31+$0x4140]  }
0xc5: {  	v11 =	vld [tilespmem:s31+$0x10140]  }
0xc6: {  	v13 =	vld [tilespmem:s31+$0x4160]  }
0xc7: {  	v14 =	vld [tilespmem:s31+$0x4170]  }
0xc8: {  	v15 =	vld [tilespmem:s31+$0x4500]  }
0xc9: {  	v16 =	vld [tilespmem:s31+$0x4510]  }
0xca: {  	v17 =	vld [tilespmem:s31+$0x4520]  }
0xcb: {  	v18 =	vld [tilespmem:s31+$0x4530]  }
0xcc: {  	v19 =	vld [tilespmem:s31+$0x4540]  }
0xcd: {  	v20 =	vld [tilespmem:s31+$0x4550]  }
0xce: {  	v21 =	vld [tilespmem:s31+$0x4560]  }
0xcf: {  	v22 =	vld [tilespmem:s31+$0x4570]  }
0xd0: {  	v23 =	vld [tilespmem:s31+$0x4900]  }
0xd1: {  	v24 =	vld [tilespmem:s31+$0x4910]  }
0xd2: {  	v25 =	vld [tilespmem:s31+$0x4920]  }
0xd3: {  	v26 =	vld [tilespmem:s31+$0x4930]  }
0xd4: {  	v27 =	vld [tilespmem:s31+$0x4940]  }
0xd5: {  	v28 =	vld [tilespmem:s31+$0x4950]  }
0xd6: {  	v29 =	vld [tilespmem:s31+$0x4960]  }
0xd7: {  	v30 =	vld [tilespmem:s31+$0x4970]  }
0xd8: {  	v31 =	vld [tilespmem:s31+$0x4D00]  }
0xd9: {  	v32 =	vld [tilespmem:s31+$0x4D10]  }
0xda: {  	v33 =	vld [tilespmem:s31+$0x4D20]  }
0xdb: {  	v34 =	vld [tilespmem:s31+$0x4D30]  }
0xdc: {  	v35 =	vld [tilespmem:s31+$0x4D40]  }
0xdd: {  	v36 =	vld [tilespmem:s31+$0x4D50]  }
0xde: {  	v37 =	vld [tilespmem:s31+$0x4D60]  }
0xdf: {  	v38 =	vld [tilespmem:s31+$0x4D70]  }
0xe0: {  	v39 =	vld [tilespmem:s31+$0x5100]  }
0xe1: {  	v40 =	vld [tilespmem:s31+$0x5110]  }
0xe2: {  	v41 =	vld [tilespmem:s31+$0x5120]  }
0xe3: {  	v42 =	vld [tilespmem:s31+$0x5130]  }
0xe4: {  	v43 =	vld [tilespmem:s31+$0x5140]  }
0xe5: {  	v44 =	vld [tilespmem:s31+$0x5150]  }
0xe6: {  	v45 =	vld [tilespmem:s31+$0x5160]  }
0xe7: {  	v46 =	vld [tilespmem:s31+$0x5500]  }
0xe8: {  	v47 =	vld [tilespmem:s31+$0x5510]  }
0xe9: {  	v48 =	vld [tilespmem:s31+$0x11510]  }
0xea: {  	v49 =	vld [tilespmem:s31+$0x11530]  }
0xeb: {  	v50 =	vld [tilespmem:s31+$0x5530]  }
0xec: {  	v51 =	vld [tilespmem:s31+$0x5520]  }
0xed: {  	v7 =	vld [tilespmem:s26+$0x0]  }
0xee: {  	v8 =	vld [tilespmem:s28+$0x0]  }
0xef: {  	v52 =	vld [tilespmem:s31+$0x11520]  }
0xf0: {  	v53 =	vld [tilespmem:s31+$0x11500]  }
0xf1: {  	v54 =	vld [tilespmem:s31+$0x5170]  }
0xf2: {  	v55 =	vld [tilespmem:s31+$0x11170];
	v50 =	vmul.f32 v50, v7  }
0xf3: {  	v56 =	vld [tilespmem:s31+$0x11160];
	v49 =	vmul.f32 v49, v8;
	v51 =	vmul.f32 v51, v7  }
0xf4: {  	v57 =	vld [tilespmem:s31+$0x11150];
	v52 =	vmul.f32 v52, v8;
	v47 =	vmul.f32 v47, v7  }
0xf5: {  	v61 =	vld [tilespmem:s31+$0x11100];
	v48 =	vmul.f32 v48, v8;
	v46 =	vmul.f32 v46, v7  }
0xf6: {  	v58 =	vld [tilespmem:s31+$0x11140];
	v62 =	vmul.f32 v53, v8;
	v63 =	vmul.f32 v54, v7;
	v49 =	vadd.f32 v49, v50  }
0xf7: {  	v53 =	vld [tilespmem:s31+$0x11130];
	v59 =	vmul.f32 v55, v8;
	v45 =	vmul.f32 v45, v7;
	v51 =	vadd.f32 v52, v51  }
0xf8: {  	v60 =	vmul.f32 v56, v8;
	v44 =	vmul.f32 v44, v7;
	v56 =	vld [tilespmem:s31+$0x10D60];
	v47 =	vadd.f32 v48, v47;
	[tilespmem:s31+$0x5530] =	vst v49  }
0xf9: {  	v43 =	vmul.f32 v43, v7;
	v39 =	vmul.f32 v39, v7;
	v55 =	vld [tilespmem:s31+$0x10970];
	v46 =	vadd.f32 v62, v46;
	[tilespmem:s31+$0x5520] =	vst v51  }
0xfa: {  	v61 =	vmul.f32 v61, v8;
	v12 =	vmul.f32 v12, v7;
	v48 =	vld [tilespmem:s31+$0x11120];
	v52 =	vadd.f32 v59, v63;
	[tilespmem:s31+$0x5510] =	vst v47  }
0xfb: {  	v11 =	vmul.f32 v11, v8;
	v63 =	vmul.f32 v58, v8;
	v45 =	vadd.f32 v60, v45;
	v58 =	vld [tilespmem:s31+$0x10D50];
	[tilespmem:s31+$0x5500] =	vst v46  }
0xfc: {  	v42 =	vmul.f32 v42, v7;
	v62 =	vmul.f32 v57, v8;
	v59 =	vld [tilespmem:s31+$0x10D40];
	v39 =	vadd.f32 v61, v39;
	[tilespmem:s31+$0x5170] =	vst v52  }
0xfd: {  	v41 =	vmul.f32 v41, v7;
	v40 =	vmul.f32 v40, v7;
	v60 =	vld [tilespmem:s31+$0x10D30];
	v11 =	vadd.f32 v11, v12;
	[tilespmem:s31+$0x5160] =	vst v45  }
0xfe: {  	v38 =	vmul.f32 v38, v7;
	v61 =	vld [tilespmem:s31+$0x10910];
	v44 =	vadd.f32 v62, v44;
	[tilespmem:s31+$0x5100] =	vst v39;
	v57 =	vmul.f32 v53, v8  }
0xff: {  	v37 =	vmul.f32 v37, v7;
	v49 =	vld [tilespmem:s31+$0x11110];
	v43 =	vadd.f32 v63, v43;
	[tilespmem:s31+$0x4140] =	vst v11;
	v46 =	vmul.f32 v56, v8  }
0x100: {  	v36 =	vmul.f32 v36, v7;
	v47 =	vld [tilespmem:s31+$0x10D70];
	[tilespmem:s31+$0x5150] =	vst v44;
	v48 =	vmul.f32 v48, v8;
	v42 =	vadd.f32 v57, v42  }
0x101: {  	v35 =	vmul.f32 v35, v7;
	v62 =	vld [tilespmem:s31+$0x10D20];
	[tilespmem:s31+$0x5140] =	vst v43;
	v54 =	vmul.f32 v58, v8;
	v37 =	vadd.f32 v46, v37  }
0x102: {  	v34 =	vmul.f32 v34, v7;
	v63 =	vld [tilespmem:s31+$0x10D10];
	v45 =	vmul.f32 v59, v8;
	v41 =	vadd.f32 v48, v41;
	[tilespmem:s31+$0x5130] =	vst v42  }
0x103: {  	v33 =	vmul.f32 v33, v7;
	v56 =	vld [tilespmem:s31+$0x10960];
	v44 =	vmul.f32 v60, v8;
	v36 =	vadd.f32 v54, v36;
	[tilespmem:s31+$0x4D60] =	vst v37  }
0x104: {  	v32 =	vmul.f32 v32, v7;
	v53 =	vld [tilespmem:s31+$0x10D00];
	v49 =	vmul.f32 v49, v8;
	v35 =	vadd.f32 v45, v35;
	[tilespmem:s31+$0x5120] =	vst v41  }
0x105: {  	v6 =	vmul.f32 v6, v7;
	v12 =	vld [tilespmem:s31+$0x5560];
	v47 =	vmul.f32 v47, v8;
	v34 =	vadd.f32 v44, v34;
	[tilespmem:s31+$0x4D50] =	vst v36  }
0x106: {  	v5 =	vmul.f32 v5, v8;
	v58 =	vld [tilespmem:s31+$0x10940];
	v43 =	vmul.f32 v62, v8;
	v40 =	vadd.f32 v49, v40;
	[tilespmem:s31+$0x4D40] =	vst v35  }
0x107: {  	v29 =	vmul.f32 v29, v7;
	v59 =	vld [tilespmem:s31+$0x10930];
	v42 =	vmul.f32 v63, v8;
	v38 =	vadd.f32 v47, v38;
	[tilespmem:s31+$0x4D30] =	vst v34  }
0x108: {  	v5 =	vadd.f32 v5, v6;
	v6 =	vld [tilespmem:s31+$0x4100];
	v39 =	vmul.f32 v56, v8;
	v33 =	vadd.f32 v43, v33;
	[tilespmem:s31+$0x5110] =	vst v40  }
0x109: {  	v31 =	vmul.f32 v31, v7;
	v60 =	vld [tilespmem:s31+$0x10920];
	v41 =	vmul.f32 v53, v8;
	v32 =	vadd.f32 v42, v32;
	[tilespmem:s31+$0x4D70] =	vst v38  }
0x10a: {  	v24 =	vmul.f32 v24, v7;
	v57 =	vld [tilespmem:s31+$0x10950];
	v34 =	vmul.f32 v61, v8;
	v29 =	vadd.f32 v39, v29;
	[tilespmem:s31+$0x4D20] =	vst v33  }
0x10b: {  	v27 =	vmul.f32 v27, v7;
	v62 =	vld [tilespmem:s31+$0x10900];
	v37 =	vmul.f32 v58, v8;
	v31 =	vadd.f32 v41, v31;
	[tilespmem:s31+$0x4D10] =	vst v32  }
0x10c: {  	v26 =	vmul.f32 v26, v7;
	v63 =	vld [tilespmem:s31+$0x10570];
	v36 =	vmul.f32 v59, v8;
	v24 =	vadd.f32 v34, v24;
	[tilespmem:s31+$0x4960] =	vst v29  }
0x10d: {  	v30 =	vmul.f32 v30, v7;
	v40 =	vmul.f32 v55, v8;
	v27 =	vadd.f32 v37, v27;
	v29 =	vld [tilespmem:s31+$0x10540];
	[tilespmem:s31+$0x4D00] =	vst v31  }
0x10e: {  	v25 =	vmul.f32 v25, v7;
	v35 =	vmul.f32 v60, v8;
	v26 =	vadd.f32 v36, v26;
	v31 =	vld [tilespmem:s31+$0x10560];
	[tilespmem:s31+$0x4910] =	vst v24  }
0x10f: {  	v28 =	vmul.f32 v28, v7;
	v38 =	vmul.f32 v57, v8;
	v30 =	vadd.f32 v40, v30;
	v24 =	vld [tilespmem:s31+$0x10170];
	[tilespmem:s31+$0x4940] =	vst v27  }
0x110: {  	v23 =	vmul.f32 v23, v7;
	v33 =	vmul.f32 v62, v8;
	v25 =	vadd.f32 v35, v25;
	v27 =	vld [tilespmem:s31+$0x10520];
	[tilespmem:s31+$0x4930] =	vst v26  }
0x111: {  	v22 =	vmul.f32 v22, v7;
	v32 =	vmul.f32 v63, v8;
	v28 =	vadd.f32 v38, v28;
	[tilespmem:s31+$0x4970] =	vst v30;
	v30 =	vld [tilespmem:s31+$0x10550]  }
0x112: {  	v19 =	vmul.f32 v19, v7;
	v23 =	vadd.f32 v33, v23;
	[tilespmem:s31+$0x4920] =	vst v25;
	v25 =	vld [tilespmem:s31+$0x10500];
	v29 =	vmul.f32 v29, v8  }
0x113: {  	v21 =	vmul.f32 v21, v7;
	v22 =	vadd.f32 v32, v22;
	[tilespmem:s31+$0x4950] =	vst v28;
	v28 =	vld [tilespmem:s31+$0x10530];
	v31 =	vmul.f32 v31, v8  }
0x114: {  	v14 =	vmul.f32 v14, v7;
	[tilespmem:s31+$0x4900] =	vst v23;
	v23 =	vld [tilespmem:s31+$0x10160];
	v24 =	vmul.f32 v24, v8;
	v19 =	vadd.f32 v29, v19  }
0x115: {  	v17 =	vmul.f32 v17, v7;
	v26 =	vld [tilespmem:s31+$0x10510];
	[tilespmem:s31+$0x4570] =	vst v22;
	v27 =	vmul.f32 v27, v8;
	v21 =	vadd.f32 v31, v21  }
0x116: {  	v20 =	vmul.f32 v20, v7;
	v22 =	vld [tilespmem:s31+$0x4150];
	v30 =	vmul.f32 v30, v8;
	v14 =	vadd.f32 v24, v14;
	[tilespmem:s31+$0x4540] =	vst v19  }
0x117: {  	v15 =	vmul.f32 v15, v7;
	v25 =	vmul.f32 v25, v8;
	v17 =	vadd.f32 v27, v17;
	v19 =	vld [tilespmem:s31+$0x11550];
	[tilespmem:s31+$0x4560] =	vst v21  }
0x118: {  	v18 =	vmul.f32 v18, v7;
	v28 =	vmul.f32 v28, v8;
	v20 =	vadd.f32 v30, v20;
	v21 =	vld [tilespmem:s31+$0x10150];
	[tilespmem:s31+$0x4170] =	vst v14  }
0x119: {  	v13 =	vmul.f32 v13, v7;
	v23 =	vmul.f32 v23, v8;
	v15 =	vadd.f32 v25, v15;
	[tilespmem:s31+$0x4520] =	vst v17;
	v17 =	vld [tilespmem:s31+$0x5540]  }
0x11a: {  	v16 =	vmul.f32 v16, v7;
	v26 =	vmul.f32 v26, v8;
	v18 =	vadd.f32 v28, v18;
	[tilespmem:s31+$0x4550] =	vst v20;
	v20 =	vld [tilespmem:s31+$0x11540]  }
0x11b: {  	v10 =	vmul.f32 v10, v7;
	v9 =	vmul.f32 v9, v8;
	v13 =	vadd.f32 v23, v13;
	[tilespmem:s31+$0x4500] =	vst v15;
	v15 =	vld [tilespmem:s31+$0x5550]  }
0x11c: {  	v4 =	vmul.f32 v4, v7;
	v3 =	vmul.f32 v3, v8;
	v16 =	vadd.f32 v26, v16;
	[tilespmem:s31+$0x4530] =	vst v18;
	v18 =	vld [tilespmem:s31+$0x11560]  }
0x11d: {  	v9 =	vadd.f32 v9, v10;
	v10 =	vmul.f32 v22, v7;
	v14 =	vld [tilespmem:s31+$0x5570];
	[tilespmem:s31+$0x4160] =	vst v13;
	v13 =	vmul.f32 v21, v8  }
0x11e: {  	v3 =	vadd.f32 v3, v4;
	[tilespmem:s31+$0x4510] =	vst v16;
	v16 =	vld [tilespmem:s31+$0x11570]  }
0x11f: {  	s29 =	simm.s32 $0x0;
	[tilespmem:s31+$0x4130] =	vst v9;
	v9 =	vld [tilespmem:s31+$0x10100];
	v11 =	vmul.f32 v17, v7;
	v17 =	vmul.f32 v20, v8;
	v4 =	vadd.f32 v13, v10  }
0x120: {  	s30 =	simm.s32 $0x80;
	s29 =	smul.u32 $0x1800, s29;
	[tilespmem:s31+$0x4120] =	vst v5;
	v5 =	vmul.f32 v15, v7;
	v10 =	vmul.f32 v19, v8  }
0x121: {  	s1 =	sand.u32 $0x380, s30;
	v11 =	vadd.f32 v17, v11;
	[tilespmem:s31+$0x4150] =	vst v4;
	v4 =	vmul.f32 v12, v7;
	v12 =	vmul.f32 v18, v8  }
0x122: {  	s29 =	sor.u32 s1, s29;
	[tilespmem:s31+$0x4110] =	vst v3;
	v5 =	vadd.f32 v10, v5  }
0x123: {  	v3 =	vld [tilespmem:s29+$0x4110];
	v10 =	vmul.f32 v14, v7;
	[tilespmem:s31+$0x5540] =	vst v11;
	v11 =	vmul.f32 v16, v8;
	v12 =	vadd.f32 v12, v4  }
0x124: {  	v7 =	vmul.f32 v6, v7;
	v8 =	vmul.f32 v9, v8;
	v4 =	vld [tilespmem:s29+$0x10110];
	[tilespmem:s31+$0x5550] =	vst v5  }
0x125: {  	v9 =	vadd.f32 v11, v10;
	v6 =	vld [tilespmem:s29+$0x4120];
	[tilespmem:s31+$0x5560] =	vst v12  }
0x126: {  	v7 =	vadd.f32 v8, v7;
	v5 =	vld [tilespmem:s29+$0x10120]  }
0x127: {  	v8 =	vld [tilespmem:s29+$0x4130];
	[tilespmem:s31+$0x5570] =	vst v9  }
0x128: {  	v18 =	vld [tilespmem:s29+$0x4530];
	[tilespmem:s31+$0x4100] =	vst v7  }
0x129: {  	v7 =	vld [tilespmem:s29+$0x10130]  }
0x12a: {  	v10 =	vld [tilespmem:s29+$0x4140]  }
0x12b: {  	v9 =	vld [tilespmem:s29+$0x10140]  }
0x12c: {  	v12 =	vld [tilespmem:s29+$0x4150]  }
0x12d: {  	v11 =	vld [tilespmem:s29+$0x10150]  }
0x12e: {  	v13 =	vld [tilespmem:s29+$0x4160]  }
0x12f: {  	v14 =	vld [tilespmem:s29+$0x4170]  }
0x130: {  	v15 =	vld [tilespmem:s29+$0x4500]  }
0x131: {  	v16 =	vld [tilespmem:s29+$0x4510]  }
0x132: {  	v17 =	vld [tilespmem:s29+$0x4520]  }
0x133: {  	v19 =	vld [tilespmem:s29+$0x4540]  }
0x134: {  	v20 =	vld [tilespmem:s29+$0x4550]  }
0x135: {  	v21 =	vld [tilespmem:s29+$0x4560]  }
0x136: {  	v22 =	vld [tilespmem:s29+$0x4570]  }
0x137: {  	v23 =	vld [tilespmem:s29+$0x4900]  }
0x138: {  	v24 =	vld [tilespmem:s29+$0x4910]  }
0x139: {  	v25 =	vld [tilespmem:s29+$0x4920]  }
0x13a: {  	v26 =	vld [tilespmem:s29+$0x4930]  }
0x13b: {  	v27 =	vld [tilespmem:s29+$0x4940]  }
0x13c: {  	v28 =	vld [tilespmem:s29+$0x4950]  }
0x13d: {  	v29 =	vld [tilespmem:s29+$0x4960]  }
0x13e: {  	v30 =	vld [tilespmem:s29+$0x4970]  }
0x13f: {  	v31 =	vld [tilespmem:s29+$0x4D00]  }
0x140: {  	v34 =	vld [tilespmem:s29+$0x4D10]  }
0x141: {  	v35 =	vld [tilespmem:s29+$0x4D20]  }
0x142: {  	v36 =	vld [tilespmem:s29+$0x4D30]  }
0x143: {  	v37 =	vld [tilespmem:s29+$0x4D40]  }
0x144: {  	v38 =	vld [tilespmem:s29+$0x4D50]  }
0x145: {  	v39 =	vld [tilespmem:s29+$0x4D60]  }
0x146: {  	v40 =	vld [tilespmem:s29+$0x4D70]  }
0x147: {  	v41 =	vld [tilespmem:s29+$0x5100]  }
0x148: {  	v42 =	vld [tilespmem:s29+$0x5110]  }
0x149: {  	v43 =	vld [tilespmem:s29+$0x5120]  }
0x14a: {  	v44 =	vld [tilespmem:s29+$0x5130]  }
0x14b: {  	v45 =	vld [tilespmem:s29+$0x5140]  }
0x14c: {  	v46 =	vld [tilespmem:s29+$0x5150]  }
0x14d: {  	v47 =	vld [tilespmem:s29+$0x5160]  }
0x14e: {  	v48 =	vld [tilespmem:s29+$0x5500]  }
0x14f: {  	v50 =	vld [tilespmem:s29+$0x5510]  }
0x150: {  	v49 =	vld [tilespmem:s29+$0x11510]  }
0x151: {  	s31 =	simm.s32 $0x2;
	v51 =	vld [tilespmem:s29+$0x11530]  }
.LBB2_2:
0x152: {  	p0 =	sne.s32 s31, $0x3F;
	v52 =	vld [tilespmem:s29+$0x5530]  }
0x153: {  	s26 =	sadd.s32 $0x80, s26;
	v53 =	vld [tilespmem:s29+$0x5520]  }
0x154: {  	s28 =	sadd.s32 $0x80, s28;
	v33 =	vld [tilespmem:s26+$0x0]  }
0x155: {  	v32 =	vld [tilespmem:s28+$0x0]  }
0x156: {  	v54 =	vld [tilespmem:s29+$0x11520]  }
0x157: {  	v55 =	vld [tilespmem:s29+$0x11500]  }
0x158: {  	v56 =	vld [tilespmem:s29+$0x5170]  }
0x159: {  	v57 =	vld [tilespmem:s29+$0x11170];
	v50 =	vmul.f32 v50, v33;
	v53 =	vmul.f32 v53, v33  }
0x15a: {  	v52 =	vmul.f32 v52, v33;
	v58 =	vld [tilespmem:s29+$0x11160];
	v51 =	vmul.f32 v51, v32  }
0x15b: {  	v49 =	vmul.f32 v49, v32;
	v59 =	vld [tilespmem:s29+$0x11150];
	v54 =	vmul.f32 v54, v32  }
0x15c: {  	v48 =	vmul.f32 v48, v33;
	v60 =	vld [tilespmem:s29+$0x11140];
	v55 =	vmul.f32 v55, v32;
	v51 =	vadd.f32 v51, v52  }
0x15d: {  	v49 =	vadd.f32 v49, v50;
	v52 =	vld [tilespmem:s29+$0x11130];
	v56 =	vmul.f32 v56, v33;
	v50 =	vadd.f32 v54, v53  }
0x15e: {  	v47 =	vmul.f32 v47, v33;
	v53 =	vld [tilespmem:s29+$0x11120];
	v54 =	vmul.f32 v57, v32;
	v48 =	vadd.f32 v55, v48;
	[tilespmem:s29+$0x5530] =	vst v51  }
0x15f: {  	v46 =	vmul.f32 v46, v33;
	v51 =	vld [tilespmem:s29+$0x11110];
	v55 =	vmul.f32 v58, v32;
	[tilespmem:s29+$0x5520] =	vst v50  }
0x160: {  	v45 =	vmul.f32 v45, v33;
	v50 =	vld [tilespmem:s29+$0x11100];
	v57 =	vmul.f32 v59, v32;
	v54 =	vadd.f32 v54, v56;
	[tilespmem:s29+$0x5510] =	vst v49  }
0x161: {  	v44 =	vmul.f32 v44, v33;
	v49 =	vld [tilespmem:s29+$0x10D70];
	v56 =	vmul.f32 v60, v32;
	v47 =	vadd.f32 v55, v47;
	[tilespmem:s29+$0x5500] =	vst v48  }
0x162: {  	v43 =	vmul.f32 v43, v33;
	v48 =	vld [tilespmem:s29+$0x10D60];
	v52 =	vmul.f32 v52, v32;
	v46 =	vadd.f32 v57, v46;
	[tilespmem:s29+$0x5170] =	vst v54  }
0x163: {  	v42 =	vmul.f32 v42, v33;
	v54 =	vld [tilespmem:s29+$0x10D50];
	v53 =	vmul.f32 v53, v32;
	v45 =	vadd.f32 v56, v45;
	[tilespmem:s29+$0x5160] =	vst v47  }
0x164: {  	v41 =	vmul.f32 v41, v33;
	v47 =	vld [tilespmem:s29+$0x10D40];
	v51 =	vmul.f32 v51, v32;
	v44 =	vadd.f32 v52, v44;
	[tilespmem:s29+$0x5150] =	vst v46  }
0x165: {  	v40 =	vmul.f32 v40, v33;
	v46 =	vld [tilespmem:s29+$0x10D30];
	v50 =	vmul.f32 v50, v32;
	v43 =	vadd.f32 v53, v43;
	[tilespmem:s29+$0x5140] =	vst v45  }
0x166: {  	v39 =	vmul.f32 v39, v33;
	v45 =	vld [tilespmem:s29+$0x10D20];
	v49 =	vmul.f32 v49, v32;
	v42 =	vadd.f32 v51, v42;
	[tilespmem:s29+$0x5130] =	vst v44  }
0x167: {  	v38 =	vmul.f32 v38, v33;
	v44 =	vld [tilespmem:s29+$0x10D10];
	v48 =	vmul.f32 v48, v32;
	v41 =	vadd.f32 v50, v41;
	[tilespmem:s29+$0x5120] =	vst v43  }
0x168: {  	v37 =	vmul.f32 v37, v33;
	v43 =	vld [tilespmem:s29+$0x10D00];
	v50 =	vmul.f32 v54, v32;
	v40 =	vadd.f32 v49, v40;
	[tilespmem:s29+$0x5110] =	vst v42  }
0x169: {  	v36 =	vmul.f32 v36, v33;
	v42 =	vld [tilespmem:s29+$0x10970];
	v47 =	vmul.f32 v47, v32;
	v39 =	vadd.f32 v48, v39;
	[tilespmem:s29+$0x5100] =	vst v41  }
0x16a: {  	v35 =	vmul.f32 v35, v33;
	v41 =	vld [tilespmem:s29+$0x10960];
	v46 =	vmul.f32 v46, v32;
	v38 =	vadd.f32 v50, v38;
	[tilespmem:s29+$0x4D70] =	vst v40  }
0x16b: {  	v34 =	vmul.f32 v34, v33;
	v40 =	vld [tilespmem:s29+$0x10950];
	v45 =	vmul.f32 v45, v32;
	v37 =	vadd.f32 v47, v37;
	[tilespmem:s29+$0x4D60] =	vst v39  }
0x16c: {  	v31 =	vmul.f32 v31, v33;
	v39 =	vld [tilespmem:s29+$0x10940];
	v44 =	vmul.f32 v44, v32;
	v36 =	vadd.f32 v46, v36;
	[tilespmem:s29+$0x4D50] =	vst v38  }
0x16d: {  	v30 =	vmul.f32 v30, v33;
	v38 =	vld [tilespmem:s29+$0x10930];
	v43 =	vmul.f32 v43, v32;
	v35 =	vadd.f32 v45, v35;
	[tilespmem:s29+$0x4D40] =	vst v37  }
0x16e: {  	v29 =	vmul.f32 v29, v33;
	v37 =	vld [tilespmem:s29+$0x10920];
	v42 =	vmul.f32 v42, v32;
	v34 =	vadd.f32 v44, v34;
	[tilespmem:s29+$0x4D30] =	vst v36  }
0x16f: {  	v28 =	vmul.f32 v28, v33;
	v36 =	vld [tilespmem:s29+$0x10910];
	v41 =	vmul.f32 v41, v32;
	v31 =	vadd.f32 v43, v31;
	[tilespmem:s29+$0x4D20] =	vst v35  }
0x170: {  	v27 =	vmul.f32 v27, v33;
	v35 =	vld [tilespmem:s29+$0x10900];
	v40 =	vmul.f32 v40, v32;
	v30 =	vadd.f32 v42, v30;
	[tilespmem:s29+$0x4D10] =	vst v34  }
0x171: {  	v26 =	vmul.f32 v26, v33;
	v34 =	vld [tilespmem:s29+$0x10570];
	v39 =	vmul.f32 v39, v32;
	v29 =	vadd.f32 v41, v29;
	[tilespmem:s29+$0x4D00] =	vst v31  }
0x172: {  	v25 =	vmul.f32 v25, v33;
	v31 =	vld [tilespmem:s29+$0x10560];
	v38 =	vmul.f32 v38, v32;
	v28 =	vadd.f32 v40, v28;
	[tilespmem:s29+$0x4970] =	vst v30  }
0x173: {  	v24 =	vmul.f32 v24, v33;
	v30 =	vld [tilespmem:s29+$0x10550];
	v37 =	vmul.f32 v37, v32;
	v27 =	vadd.f32 v39, v27;
	[tilespmem:s29+$0x4960] =	vst v29  }
0x174: {  	v23 =	vmul.f32 v23, v33;
	v29 =	vld [tilespmem:s29+$0x10540];
	v36 =	vmul.f32 v36, v32;
	v26 =	vadd.f32 v38, v26;
	[tilespmem:s29+$0x4950] =	vst v28  }
0x175: {  	v22 =	vmul.f32 v22, v33;
	v28 =	vld [tilespmem:s29+$0x10530];
	v35 =	vmul.f32 v35, v32;
	v25 =	vadd.f32 v37, v25;
	[tilespmem:s29+$0x4940] =	vst v27  }
0x176: {  	v21 =	vmul.f32 v21, v33;
	v27 =	vld [tilespmem:s29+$0x10520];
	v34 =	vmul.f32 v34, v32;
	v24 =	vadd.f32 v36, v24;
	[tilespmem:s29+$0x4930] =	vst v26  }
0x177: {  	v20 =	vmul.f32 v20, v33;
	v26 =	vld [tilespmem:s29+$0x10510];
	v31 =	vmul.f32 v31, v32;
	v23 =	vadd.f32 v35, v23;
	[tilespmem:s29+$0x4920] =	vst v25  }
0x178: {  	v19 =	vmul.f32 v19, v33;
	v25 =	vld [tilespmem:s29+$0x10500];
	v30 =	vmul.f32 v30, v32;
	v22 =	vadd.f32 v34, v22;
	[tilespmem:s29+$0x4910] =	vst v24  }
0x179: {  	v18 =	vmul.f32 v18, v33;
	v24 =	vld [tilespmem:s29+$0x10170];
	v29 =	vmul.f32 v29, v32;
	v21 =	vadd.f32 v31, v21;
	[tilespmem:s29+$0x4900] =	vst v23  }
0x17a: {  	v17 =	vmul.f32 v17, v33;
	v23 =	vld [tilespmem:s29+$0x10160];
	v28 =	vmul.f32 v28, v32;
	v20 =	vadd.f32 v30, v20;
	[tilespmem:s29+$0x4570] =	vst v22  }
0x17b: {  	v16 =	vmul.f32 v16, v33;
	v22 =	vmul.f32 v27, v32;
	v19 =	vadd.f32 v29, v19;
	[tilespmem:s29+$0x4560] =	vst v21;
	v21 =	vld [tilespmem:s29+$0x11540]  }
0x17c: {  	v15 =	vmul.f32 v15, v33;
	v26 =	vmul.f32 v26, v32;
	v18 =	vadd.f32 v28, v18;
	[tilespmem:s29+$0x4550] =	vst v20;
	v20 =	vld [tilespmem:s29+$0x11550]  }
0x17d: {  	v14 =	vmul.f32 v14, v33;
	v25 =	vmul.f32 v25, v32;
	v17 =	vadd.f32 v22, v17;
	[tilespmem:s29+$0x4540] =	vst v19;
	v19 =	vld [tilespmem:s29+$0x11560]  }
0x17e: {  	v13 =	vmul.f32 v13, v33;
	v22 =	vmul.f32 v24, v32;
	v16 =	vadd.f32 v26, v16;
	[tilespmem:s29+$0x4530] =	vst v18;
	v18 =	vld [tilespmem:s29+$0x11570]  }
0x17f: {  	v12 =	vmul.f32 v12, v33;
	v23 =	vmul.f32 v23, v32;
	v15 =	vadd.f32 v25, v15;
	[tilespmem:s29+$0x4520] =	vst v17;
	v17 =	vld [tilespmem:s29+$0x5540]  }
0x180: {  	v10 =	vmul.f32 v10, v33;
	v11 =	vmul.f32 v11, v32;
	v14 =	vadd.f32 v22, v14;
	[tilespmem:s29+$0x4510] =	vst v16;
	v16 =	vld [tilespmem:s29+$0x5550]  }
0x181: {  	v8 =	vmul.f32 v8, v33;
	v9 =	vmul.f32 v9, v32;
	v13 =	vadd.f32 v23, v13;
	[tilespmem:s29+$0x4500] =	vst v15;
	v15 =	vld [tilespmem:s29+$0x5560]  }
0x182: {  	v6 =	vmul.f32 v6, v33;
	v7 =	vmul.f32 v7, v32;
	v11 =	vadd.f32 v11, v12;
	[tilespmem:s29+$0x4170] =	vst v14;
	v12 =	vld [tilespmem:s29+$0x5570]  }
0x183: {  	v3 =	vmul.f32 v3, v33;
	v5 =	vmul.f32 v5, v32;
	v9 =	vadd.f32 v9, v10;
	v14 =	vld [tilespmem:s29+$0x4100];
	[tilespmem:s29+$0x4160] =	vst v13  }
0x184: {  	v4 =	vmul.f32 v4, v32;
	v7 =	vadd.f32 v7, v8;
	v10 =	vld [tilespmem:s29+$0x10100];
	[tilespmem:s29+$0x4150] =	vst v11;
	v8 =	vmul.f32 v17, v33  }
0x185: {  	s0 =	sshrl.u32 s31, $0x3;
	v5 =	vadd.f32 v5, v6;
	v6 =	vmul.f32 v21, v32;
	[tilespmem:s29+$0x4140] =	vst v9;
	v9 =	vmul.f32 v16, v33  }
0x186: {  	s30 =	sadd.s32 $0x80, s30;
	s0 =	smul.u32 $0x1800, s0;
	v3 =	vadd.f32 v4, v3;
	v4 =	vmul.f32 v20, v32;
	[tilespmem:s29+$0x4130] =	vst v7;
	v7 =	vmul.f32 v15, v33  }
0x187: {  	s1 =	sand.u32 $0x380, s30;
	[tilespmem:s29+$0x4120] =	vst v5;
	v5 =	vadd.f32 v6, v8;
	v6 =	vmul.f32 v19, v32;
	v8 =	vmul.f32 v12, v33  }
0x188: {  	s0 =	sor.u32 s1, s0;
	v9 =	vadd.f32 v4, v9;
	v12 =	vmul.f32 v18, v32;
	v11 =	vmul.f32 v14, v33;
	[tilespmem:s29+$0x4110] =	vst v3  }
0x189: {  	v3 =	vld [tilespmem:s0+$0x4110];
	v10 =	vmul.f32 v10, v32;
	[tilespmem:s29+$0x5540] =	vst v5;
	v5 =	vadd.f32 v6, v7  }
0x18a: {  	v7 =	vadd.f32 v12, v8;
	v4 =	vld [tilespmem:s0+$0x10110];
	[tilespmem:s29+$0x5550] =	vst v9  }
0x18b: {  	v6 =	vld [tilespmem:s0+$0x4120];
	v9 =	vadd.f32 v10, v11;
	[tilespmem:s29+$0x5560] =	vst v5  }
0x18c: {  	v5 =	vld [tilespmem:s0+$0x10120];
	[tilespmem:s29+$0x5570] =	vst v7  }
0x18d: {  	v8 =	vld [tilespmem:s0+$0x4130];
	[tilespmem:s29+$0x4100] =	vst v9;
	s29 =	smov.u32 s0  }
0x18e: {  	v7 =	vld [tilespmem:s29+$0x10130]  }
0x18f: {  	v10 =	vld [tilespmem:s29+$0x4140]  }
0x190: {  	v9 =	vld [tilespmem:s29+$0x10140]  }
0x191: {  	v12 =	vld [tilespmem:s29+$0x4150]  }
0x192: {  	v11 =	vld [tilespmem:s29+$0x10150]  }
0x193: {  	v13 =	vld [tilespmem:s29+$0x4160]  }
0x194: {  	v14 =	vld [tilespmem:s29+$0x4170]  }
0x195: {  	v15 =	vld [tilespmem:s29+$0x4500]  }
0x196: {  	v16 =	vld [tilespmem:s29+$0x4510]  }
0x197: {  	v17 =	vld [tilespmem:s29+$0x4520]  }
0x198: {  	v18 =	vld [tilespmem:s29+$0x4530]  }
0x199: {  	v19 =	vld [tilespmem:s29+$0x4540]  }
0x19a: {  	v20 =	vld [tilespmem:s29+$0x4550]  }
0x19b: {  	v21 =	vld [tilespmem:s29+$0x4560]  }
0x19c: {  	v22 =	vld [tilespmem:s29+$0x4570]  }
0x19d: {  	v23 =	vld [tilespmem:s29+$0x4900]  }
0x19e: {  	v24 =	vld [tilespmem:s29+$0x4910]  }
0x19f: {  	v25 =	vld [tilespmem:s29+$0x4920]  }
0x1a0: {  	v26 =	vld [tilespmem:s29+$0x4930]  }
0x1a1: {  	v27 =	vld [tilespmem:s29+$0x4940]  }
0x1a2: {  	v28 =	vld [tilespmem:s29+$0x4950]  }
0x1a3: {  	v29 =	vld [tilespmem:s29+$0x4960]  }
0x1a4: {  	v30 =	vld [tilespmem:s29+$0x4970]  }
0x1a5: {  	v31 =	vld [tilespmem:s29+$0x4D00]  }
0x1a6: {  	v34 =	vld [tilespmem:s29+$0x4D10]  }
0x1a7: {  	v35 =	vld [tilespmem:s29+$0x4D20]  }
0x1a8: {  	v36 =	vld [tilespmem:s29+$0x4D30]  }
0x1a9: {  	v37 =	vld [tilespmem:s29+$0x4D40]  }
0x1aa: {  	v38 =	vld [tilespmem:s29+$0x4D50]  }
0x1ab: {  	v39 =	vld [tilespmem:s29+$0x4D60]  }
0x1ac: {  	v40 =	vld [tilespmem:s29+$0x4D70]  }
0x1ad: {  	v41 =	vld [tilespmem:s29+$0x5100]  }
0x1ae: {  	v42 =	vld [tilespmem:s29+$0x5110]  }
0x1af: {  	v43 =	vld [tilespmem:s29+$0x5120]  }
0x1b0: {  	v44 =	vld [tilespmem:s29+$0x5130]  }
0x1b1: {  	v45 =	vld [tilespmem:s29+$0x5140]  }
0x1b2: {  	v46 =	vld [tilespmem:s29+$0x5150]  }
.Ltmp0:
0x1b3: {  	v47 =	vld [tilespmem:s29+$0x5160];
	(pc) =	sbr.rel @p0 .LBB2_2-.Ltmp0, $4  }
0x1b4: {  	v48 =	vld [tilespmem:s29+$0x5500]  }
0x1b5: {  	v50 =	vld [tilespmem:s29+$0x5510]  }
0x1b6: {  	v49 =	vld [tilespmem:s29+$0x11510]  }
0x1b7: {  	s31 =	sadd.s32 $0x1, s31;
	v51 =	vld [tilespmem:s29+$0x11530]  }
0x1b8: {  	v52 =	vld [tilespmem:s29+$0x5530]  }
0x1b9: {  	v53 =	vld [tilespmem:s29+$0x5520];
	s0 =	sadd.s32 $0x80, s26  }
0x1ba: {  	s31 =	sadd.s32 $0x80, s28;
	v32 =	vld [tilespmem:s0+$0x0]  }
0x1bb: {  	v33 =	vld [tilespmem:s31+$0x0]  }
0x1bc: {  	v54 =	vld [tilespmem:s29+$0x11520];
	_ =	sdelay $0x1  }
0x1bd: {  	v55 =	vld [tilespmem:s29+$0x11500]  }
0x1be: {  	v56 =	vld [tilespmem:s29+$0x5170]  }
0x1bf: {  	v58 =	vld [tilespmem:s29+$0x11160];
	v52 =	vmul.f32 v52, v32;
	v51 =	vmul.f32 v51, v33  }
0x1c0: {  	v57 =	vld [tilespmem:s29+$0x11170];
	v53 =	vmul.f32 v53, v32;
	v54 =	vmul.f32 v54, v33  }
0x1c1: {  	v59 =	vld [tilespmem:s29+$0x11150];
	v50 =	vmul.f32 v50, v32;
	v49 =	vmul.f32 v49, v33  }
0x1c2: {  	v60 =	vld [tilespmem:s29+$0x11140];
	v48 =	vmul.f32 v48, v32;
	v62 =	vmul.f32 v55, v33;
	v51 =	vadd.f32 v51, v52  }
0x1c3: {  	v61 =	vld [tilespmem:s29+$0x11120];
	v63 =	vmul.f32 v56, v32;
	v47 =	vmul.f32 v47, v32;
	v53 =	vadd.f32 v54, v53  }
0x1c4: {  	v58 =	vmul.f32 v58, v33;
	v55 =	vld [tilespmem:s29+$0x10560];
	v12 =	vmul.f32 v12, v32;
	v49 =	vadd.f32 v49, v50;
	[tilespmem:s29+$0x5530] =	vst v51  }
0x1c5: {  	v56 =	vld [tilespmem:s29+$0x10550];
	v11 =	vmul.f32 v11, v33;
	v10 =	vmul.f32 v10, v32;
	v48 =	vadd.f32 v62, v48;
	[tilespmem:s29+$0x5520] =	vst v53  }
0x1c6: {  	v9 =	vmul.f32 v9, v33;
	v8 =	vmul.f32 v8, v32;
	v52 =	vld [tilespmem:s29+$0x11130];
	v47 =	vadd.f32 v58, v47;
	[tilespmem:s29+$0x5510] =	vst v49  }
0x1c7: {  	v7 =	vmul.f32 v7, v33;
	v6 =	vmul.f32 v6, v32;
	v50 =	vld [tilespmem:s29+$0x11100];
	v11 =	vadd.f32 v11, v12;
	[tilespmem:s29+$0x5500] =	vst v48  }
0x1c8: {  	v5 =	vmul.f32 v5, v33;
	v3 =	vmul.f32 v3, v32;
	v58 =	vld [tilespmem:s29+$0x10D20];
	v9 =	vadd.f32 v9, v10;
	[tilespmem:s29+$0x5160] =	vst v47  }
0x1c9: {  	v4 =	vmul.f32 v4, v33;
	v62 =	vmul.f32 v59, v33;
	v59 =	vld [tilespmem:s29+$0x10D10];
	v7 =	vadd.f32 v7, v8;
	[tilespmem:s29+$0x4150] =	vst v11  }
0x1ca: {  	v57 =	vmul.f32 v57, v33;
	v54 =	vld [tilespmem:s29+$0x10570];
	v5 =	vadd.f32 v5, v6;
	[tilespmem:s29+$0x4140] =	vst v9  }
0x1cb: {  	v46 =	vmul.f32 v46, v32;
	v3 =	vadd.f32 v4, v3;
	v51 =	vld [tilespmem:s29+$0x11110];
	[tilespmem:s29+$0x4130] =	vst v7  }
0x1cc: {  	v45 =	vmul.f32 v45, v32;
	v49 =	vld [tilespmem:s29+$0x10D70];
	v53 =	vadd.f32 v57, v63;
	v63 =	vmul.f32 v60, v33;
	[tilespmem:s29+$0x4120] =	vst v5  }
0x1cd: {  	v43 =	vmul.f32 v43, v32;
	v48 =	vld [tilespmem:s29+$0x10D60];
	v46 =	vadd.f32 v62, v46;
	v57 =	vmul.f32 v61, v33;
	[tilespmem:s29+$0x4110] =	vst v3  }
0x1ce: {  	v44 =	vmul.f32 v44, v32;
	v47 =	vld [tilespmem:s29+$0x10D40];
	[tilespmem:s29+$0x5170] =	vst v53;
	v45 =	vadd.f32 v63, v45;
	v52 =	vmul.f32 v52, v33  }
0x1cf: {  	v41 =	vmul.f32 v41, v32;
	v60 =	vld [tilespmem:s29+$0x10D00];
	[tilespmem:s29+$0x5150] =	vst v46;
	v43 =	vadd.f32 v57, v43;
	v50 =	vmul.f32 v50, v33  }
0x1d0: {  	v35 =	vmul.f32 v35, v32;
	v61 =	vld [tilespmem:s29+$0x10970];
	[tilespmem:s29+$0x5140] =	vst v45;
	v45 =	vmul.f32 v58, v33;
	v44 =	vadd.f32 v52, v44  }
0x1d1: {  	v42 =	vmul.f32 v42, v32;
	v53 =	vld [tilespmem:s29+$0x10D50];
	[tilespmem:s29+$0x5120] =	vst v43;
	v51 =	vmul.f32 v51, v33;
	v41 =	vadd.f32 v50, v41  }
0x1d2: {  	v40 =	vmul.f32 v40, v32;
	v46 =	vld [tilespmem:s29+$0x10D30];
	v49 =	vmul.f32 v49, v33;
	v35 =	vadd.f32 v45, v35;
	[tilespmem:s29+$0x5130] =	vst v44  }
0x1d3: {  	v39 =	vmul.f32 v39, v32;
	v62 =	vld [tilespmem:s29+$0x10960];
	v48 =	vmul.f32 v48, v33;
	v42 =	vadd.f32 v51, v42;
	[tilespmem:s29+$0x5100] =	vst v41  }
0x1d4: {  	v37 =	vmul.f32 v37, v32;
	v57 =	vld [tilespmem:s29+$0x10540];
	v47 =	vmul.f32 v47, v33;
	v40 =	vadd.f32 v49, v40;
	[tilespmem:s29+$0x4D20] =	vst v35  }
0x1d5: {  	v31 =	vmul.f32 v31, v32;
	v58 =	vld [tilespmem:s29+$0x10530];
	v43 =	vmul.f32 v60, v33;
	v39 =	vadd.f32 v48, v39;
	[tilespmem:s29+$0x5110] =	vst v42  }
0x1d6: {  	v38 =	vmul.f32 v38, v32;
	v50 =	vld [tilespmem:s29+$0x10930];
	v63 =	vmul.f32 v53, v33;
	v37 =	vadd.f32 v47, v37;
	[tilespmem:s29+$0x4D70] =	vst v40  }
0x1d7: {  	v36 =	vmul.f32 v36, v32;
	v60 =	vld [tilespmem:s29+$0x10510];
	v46 =	vmul.f32 v46, v33;
	v31 =	vadd.f32 v43, v31;
	[tilespmem:s29+$0x4D60] =	vst v39  }
0x1d8: {  	v34 =	vmul.f32 v34, v32;
	v52 =	vld [tilespmem:s29+$0x10910];
	v44 =	vmul.f32 v59, v33;
	v38 =	vadd.f32 v63, v38;
	[tilespmem:s29+$0x4D40] =	vst v37  }
0x1d9: {  	v29 =	vmul.f32 v29, v32;
	v45 =	vld [tilespmem:s29+$0x5540];
	v41 =	vmul.f32 v62, v33;
	v36 =	vadd.f32 v46, v36;
	[tilespmem:s29+$0x4D00] =	vst v31  }
0x1da: {  	v21 =	vmul.f32 v21, v32;
	v48 =	vld [tilespmem:s29+$0x10950];
	v62 =	vmul.f32 v55, v33;
	v34 =	vadd.f32 v44, v34;
	[tilespmem:s29+$0x4D50] =	vst v38  }
0x1db: {  	v30 =	vmul.f32 v30, v32;
	v49 =	vld [tilespmem:s29+$0x10940];
	v42 =	vmul.f32 v61, v33;
	v29 =	vadd.f32 v41, v29;
	[tilespmem:s29+$0x4D30] =	vst v36  }
0x1dc: {  	v16 =	vmul.f32 v16, v32;
	v51 =	vld [tilespmem:s29+$0x10920];
	v21 =	vadd.f32 v62, v21;
	v41 =	vmul.f32 v60, v33;
	[tilespmem:s29+$0x4D10] =	vst v34  }
0x1dd: {  	v26 =	vmul.f32 v26, v32;
	v53 =	vld [tilespmem:s29+$0x10900];
	v30 =	vadd.f32 v42, v30;
	[tilespmem:s29+$0x4960] =	vst v29;
	v38 =	vmul.f32 v50, v33  }
0x1de: {  	v24 =	vmul.f32 v24, v32;
	v59 =	vld [tilespmem:s29+$0x10520];
	v36 =	vmul.f32 v52, v33;
	[tilespmem:s29+$0x4560] =	vst v21;
	v16 =	vadd.f32 v41, v16  }
0x1df: {  	v22 =	vmul.f32 v22, v32;
	v43 =	vld [tilespmem:s29+$0x11570];
	v34 =	vmul.f32 v54, v33;
	[tilespmem:s29+$0x4970] =	vst v30;
	v26 =	vadd.f32 v38, v26  }
0x1e0: {  	v28 =	vmul.f32 v28, v32;
	v61 =	vld [tilespmem:s29+$0x10500];
	v40 =	vmul.f32 v48, v33;
	v24 =	vadd.f32 v36, v24;
	[tilespmem:s29+$0x4510] =	vst v16  }
0x1e1: {  	v27 =	vmul.f32 v27, v32;
	v63 =	vld [tilespmem:s29+$0x10170];
	v39 =	vmul.f32 v49, v33;
	v22 =	vadd.f32 v34, v22;
	[tilespmem:s29+$0x4930] =	vst v26  }
0x1e2: {  	v25 =	vmul.f32 v25, v32;
	v46 =	vld [tilespmem:s29+$0x5550];
	v37 =	vmul.f32 v51, v33;
	v28 =	vadd.f32 v40, v28;
	[tilespmem:s29+$0x4910] =	vst v24  }
0x1e3: {  	v23 =	vmul.f32 v23, v32;
	v50 =	vld [tilespmem:s29+$0x10100];
	v35 =	vmul.f32 v53, v33;
	v27 =	vadd.f32 v39, v27;
	[tilespmem:s29+$0x4570] =	vst v22  }
0x1e4: {  	v20 =	vmul.f32 v20, v32;
	v48 =	vld [tilespmem:s29+$0x5560];
	v30 =	vmul.f32 v56, v33;
	v25 =	vadd.f32 v37, v25;
	[tilespmem:s29+$0x4950] =	vst v28  }
0x1e5: {  	v19 =	vmul.f32 v19, v32;
	v51 =	vld [tilespmem:s29+$0x4100];
	v23 =	vadd.f32 v35, v23;
	v35 =	vmul.f32 v57, v33;
	[tilespmem:s29+$0x4940] =	vst v27  }
0x1e6: {  	v18 =	vmul.f32 v18, v32;
	v34 =	vld [tilespmem:s29+$0x10160];
	v37 =	vmul.f32 v58, v33;
	v20 =	vadd.f32 v30, v20;
	[tilespmem:s29+$0x4920] =	vst v25  }
0x1e7: {  	v17 =	vmul.f32 v17, v32;
	v36 =	vld [tilespmem:s29+$0x11540];
	v39 =	vmul.f32 v59, v33;
	[tilespmem:s29+$0x4900] =	vst v23;
	v19 =	vadd.f32 v35, v19  }
0x1e8: {  	v15 =	vmul.f32 v15, v32;
	v38 =	vld [tilespmem:s29+$0x11550];
	v42 =	vmul.f32 v61, v33;
	v18 =	vadd.f32 v37, v18;
	[tilespmem:s29+$0x4550] =	vst v20  }
0x1e9: {  	v14 =	vmul.f32 v14, v32;
	v40 =	vld [tilespmem:s29+$0x11560];
	v44 =	vmul.f32 v63, v33;
	v17 =	vadd.f32 v39, v17;
	[tilespmem:s29+$0x4540] =	vst v19  }
0x1ea: {  	v49 =	vld [tilespmem:s29+$0x5570];
	v15 =	vadd.f32 v42, v15;
	v10 =	vmul.f32 v50, v33;
	v61 =	vmul.f32 v51, v32;
	[tilespmem:s29+$0x4530] =	vst v18  }
0x1eb: {  	v13 =	vmul.f32 v13, v32;
	v14 =	vadd.f32 v44, v14;
	[tilespmem:s29+$0x4520] =	vst v17;
	v47 =	vmul.f32 v34, v33  }
0x1ec: {  	v52 =	vmul.f32 v45, v32;
	[tilespmem:s29+$0x4500] =	vst v15;
	v53 =	vmul.f32 v36, v33;
	v63 =	vadd.f32 v10, v61  }
0x1ed: {  	v54 =	vmul.f32 v46, v32;
	[tilespmem:s29+$0x4170] =	vst v14;
	v55 =	vmul.f32 v38, v33;
	v13 =	vadd.f32 v47, v13  }
0x1ee: {  	v56 =	vmul.f32 v48, v32;
	v58 =	vmul.f32 v40, v33;
	v57 =	vadd.f32 v53, v52;
	[tilespmem:s29+$0x4100] =	vst v63  }
0x1ef: {  	v60 =	vmul.f32 v43, v33;
	v59 =	vmul.f32 v49, v32;
	v3 =	vadd.f32 v55, v54;
	[tilespmem:s29+$0x4160] =	vst v13  }
0x1f0: {  	v62 =	vadd.f32 v58, v56;
	[tilespmem:s29+$0x5540] =	vst v57  }
0x1f1: {  	s25 =	sadd.s32 $0x1, s25;
	[tilespmem:s29+$0x5550] =	vst v3;
	v3 =	vadd.f32 v60, v59  }
0x1f2: {  	p0 =	sne.s32 s25, s11;
	[tilespmem:s29+$0x5560] =	vst v62  }
.Ltmp1:
0x1f3: {  	[tilespmem:s29+$0x5570] =	vst v3;
	(pc) =	sbr.rel @p0 .LBB2_1-.Ltmp1, $4  }
0x1f4: {  	[hbm4b:s10+s2] =	stream.linear.scatter [tilespmem:s14], [sflag:$0x2], $0xC000, $0x38;
	[tilespmem:$0x1C100] =	vst v63  }
0x1f5: {  	_ =	swait.ge [sflag:s12], $0xC000  }
0x1f6: {  	[sflag:s12] =	ssyncset.done $0x0  }
0x1f7: {  	[sflag:s12] =	ssyncadd.s32 $0xFFFF4000  }
0x1f8: {  	_ =	sfence.sel $0x180000  }
0x1f9: {  	[bflag:$0x0] =	sbarrier.arrive $0xFFFF  }
0x1fa: {  	_ =	strace $0x9000004A  }
0x1fb: {  	s0 =	stileid.u32;
	[bflag:$0x2] =	sbarrier.arrive $0xFFFF  }
0x1fc: {  	p0 =	sne.s32 s0, $0x0;
	s0 =	rddreg [dreg:$0x2]  }
0x1fd: {  	s0 =	sadd.s32 @!p0 $0x100000, s0  }
0x1fe: {  	[sflag:s0] =	ssyncadd.tile.s32 @!p0 $0x1;
	_ =	shalt  }
.Lfunc_end2:
_tile_overlayer_lowered:
.L_overlay_start_2:
0x1ff: {  	(tag) =	ssettag $0x2  }
0x200: {  	s0 =	rddreg [dreg:$0x0];
	s2 =	stileid.u32  }
0x201: {  	s1 =	rddreg [dreg:$0x1];
	p0 =	sne.s32 s2, $0x0  }
0x202: {  	s3 =	rddreg [dreg:$0x2];
	[bflag:$0x3] =	sbarrier.arrive $0xFFFF;
	s2 =	simm.s32 @!p0 $0x1C02  }
0x203: {  	[timem:s3], [sflag:s2] =	dma.local @!p0 [hbm:s0], s1  }
0x204: {  	s0 =	simm.s32 @!p0 $0x2  }
0x205: {  	_ =	swait.ge @!p0 [sflag:s0], s1  }
0x206: {  	s1 =	ssub.s32 @!p0 $0x0, s1;
	[sflag:s0] =	ssyncset.done @!p0 $0x0  }
0x207: {  	[sflag:s0] =	ssyncadd.s32 @!p0 s1  }
0x208: {  	[bflag:$0x3] =	sbarrier.arrive $0xFFFF  }
0x209: {  	_ =	shalt  }

</sc_bundles>
